<compile_context>
chip_gen: v7x
topology: tpu7x:2x2x1
jax: 0.10.2.dev20260603
libtpu: 0.0.44.dev20260713+nightly
codegen_flags: <defaults>
</compile_context>

<pallas_src>
import functools

import jax
import jax.numpy as jnp
from jax import lax
from jax.experimental import pallas as pl
from jax.experimental.pallas import tpu as pltpu
from jax.experimental.pallas import tpu_sc as plsc

N_FIELDS = 26
VOCAB = 100000
D_EMB = 32
B = 1024
L = 20

NC = 2
NS = 16
LANES = 16
NW = NC * NS
NBUF = 4


def _make_sc_gather():
    mesh = plsc.VectorSubcoreMesh(core_axis_name="c", subcore_axis_name="s")

    @functools.partial(
        pl.kernel,
        mesh=mesh,
        compiler_params=pltpu.CompilerParams(
            use_tc_tiling_on_sc=True, needs_layout_passes=False
        ),
        out_type=jax.ShapeDtypeStruct((L, N_FIELDS, D_EMB, B), jnp.float32),
        scratch_types=[
            pltpu.VMEM((VOCAB,), jnp.float32),
            [pltpu.VMEM((B,), jnp.int32) for _ in range(NBUF)],
            [pltpu.VMEM((B,), jnp.float32) for _ in range(NBUF)],
            pltpu.SemaphoreType.DMA,
            [pltpu.SemaphoreType.DMA for _ in range(NBUF)],
            [pltpu.SemaphoreType.DMA for _ in range(NBUF)],
        ],
    )
    def k(x_hbm, tab_hbm, out_hbm, row_v, idxb, outb, sr, si, sw):
        d = lax.axis_index("s") * NC + lax.axis_index("c")

        for l in range(NBUF):
            pltpu.async_copy(x_hbm.at[0, l], idxb[l], si[l])

        def per_field(f, c):
            pass
            for l in range(L):
                s = l % NBUF
                pltpu.make_async_copy(x_hbm.at[0, 0], idxb[s], si[s]).wait()
                if l >= NBUF:
                    pltpu.make_async_copy(
                        out_hbm.at[0, 0, 0], outb[s], sw[s]
                    ).wait()
                else:
                    @pl.when(f > 0)
                    def _():
                        pltpu.make_async_copy(
                            out_hbm.at[0, 0, 0], outb[s], sw[s]
                        ).wait()

                @plsc.parallel_loop(0, B // LANES, unroll=8)
                def gbody(g):
                    iv = idxb[s][pl.ds(g * LANES, LANES)]
                    outb[s][pl.ds(g * LANES, LANES)] = plsc.load_gather(
                        row_v, [iv]
                    )

                pltpu.async_copy(outb[s], out_hbm.at[l, f, d], sw[s])
                if l < L - NBUF:
                    pltpu.async_copy(x_hbm.at[f, l + NBUF], idxb[s], si[s])
                else:
                    @pl.when(f + 1 < N_FIELDS)
                    def _():
                        pltpu.async_copy(
                            x_hbm.at[f + 1, l + NBUF - L], idxb[s], si[s]
                        )
            return c

        lax.fori_loop(0, N_FIELDS, per_field, 0)
        for s in range(NBUF):
            pltpu.make_async_copy(out_hbm.at[0, 0, 0], outb[s], sw[s]).wait()

    return k


_sc_gather = _make_sc_gather()


def kernel(x, tables):
    x_t = x.astype(jnp.int32).transpose(2, 1, 0)
    tab_t = tables.transpose(0, 2, 1)
    out = _sc_gather(x_t, tab_t)
    return out.transpose(3, 0, 1, 2)

# --- scband reference (transcript-rebuilt; emitter-appended) ---
"""Pipeline reference for scband-cate-feature-embedding-395136991707 (READ-ONLY COPY).

The authoritative reference and input builder live on the scoring server;
editing this copy changes nothing except your own understanding.
"""

import jax, jax.numpy as jnp
import numpy as np

N_FIELDS = 26
VOCAB = 100000
D_EMB = 32
B = 1024
L = 20

def setup_inputs(seed: int = 0) -> dict:
    key = jax.random.key(seed)
    k_x, k_t = jax.random.split(key)
    x = jax.random.randint(k_x, (B, L, N_FIELDS), 0, VOCAB, dtype=jnp.int64) if jax.config.jax_enable_x64 else jax.random.randint(k_x, (B, L, N_FIELDS), 0, VOCAB, dtype=jnp.int32)
    # stacked embedding tables, one per categorical field (all same vocab size)
    tables = jax.random.normal(k_t, (N_FIELDS, VOCAB, D_EMB), dtype=jnp.float32)
    return {"x": x, "tables": tables}

def reference(x, tables):
    # Faithful translation: per-field embedding lookup on x[:, :, i:i+1],
    # producing [B, L, 1, d] each, concatenated along axis=-2 -> [B, L, F, d]
    feats = []
    for i in range(N_FIELDS):
        idx = x[:, :, i:i + 1]              # [B, L, 1]
        f = jnp.take(tables[i], idx, axis=0)  # [B, L, 1, d]
        feats.append(f)
    return jnp.concatenate(feats, axis=-2)   # [B, L, F, d]

if __name__ == "__main__":
    import jax
    _d = setup_inputs()
    print(jax.jit(kernel)(*tuple(_d.values())))

</pallas_src>

<mosaic_0001>
#map = affine_map<(d0, d1) -> (0, 0, 0)>
#map1 = affine_map<(d0, d1) -> (0, 0, 0, 0)>
module attributes {stable_mosaic.version = 14 : i64} {
  func.func @k(%arg0: i32, %arg1: i32, %arg2: memref<26x20x1024xi32, #tpu.memory_space<hbm>>, %arg3: memref<26x32x100000xf32, #tpu.memory_space<hbm>>, %arg4: memref<20x26x32x1024xf32, #tpu.memory_space<hbm>>, %arg5: memref<100000xf32, #tpu.memory_space<vmem>>, %arg6: memref<1024xi32, #tpu.memory_space<vmem>>, %arg7: memref<1024xi32, #tpu.memory_space<vmem>>, %arg8: memref<1024xi32, #tpu.memory_space<vmem>>, %arg9: memref<1024xi32, #tpu.memory_space<vmem>>, %arg10: memref<1024xf32, #tpu.memory_space<vmem>>, %arg11: memref<1024xf32, #tpu.memory_space<vmem>>, %arg12: memref<1024xf32, #tpu.memory_space<vmem>>, %arg13: memref<1024xf32, #tpu.memory_space<vmem>>, %arg14: memref<!tpu.dma_semaphore, #tpu.memory_space<semaphore_mem>>, %arg15: memref<!tpu.dma_semaphore, #tpu.memory_space<semaphore_mem>>, %arg16: memref<!tpu.dma_semaphore, #tpu.memory_space<semaphore_mem>>, %arg17: memref<!tpu.dma_semaphore, #tpu.memory_space<semaphore_mem>>, %arg18: memref<!tpu.dma_semaphore, #tpu.memory_space<semaphore_mem>>, %arg19: memref<!tpu.dma_semaphore, #tpu.memory_space<semaphore_mem>>, %arg20: memref<!tpu.dma_semaphore, #tpu.memory_space<semaphore_mem>>, %arg21: memref<!tpu.dma_semaphore, #tpu.memory_space<semaphore_mem>>, %arg22: memref<!tpu.dma_semaphore, #tpu.memory_space<semaphore_mem>>) attributes {dimension_semantics = [#tpu.dimension_semantics<core_parallel>, #tpu.dimension_semantics<subcore_parallel>], iteration_bounds = array<i64: 2, 16>, scalar_prefetch = 0 : i64, scratch_operands = 18 : i64, tpu.core_type = #tpu.core_type<sc_vector_subcore>, window_params = [{transform_indices = #map}, {transform_indices = #map}, {transform_indices = #map1}]} {
    %mul3A = arith.constant 2 : i32
    %mul3A_0 = arith.muli %arg1, %mul3A : i32
    %add3A = arith.addi %mul3A_0, %arg0 : i32
    %dma_start3A = arith.constant 0 : i32
    %dma_start3A_1 = arith.constant 0 : i32
    %dma_start3A_2 = arith.constant 0 : i32
    %dma_start3A_3 = tpu.memref_slice %arg2[%dma_start3A, %dma_start3A_1, %dma_start3A_2] : memref<26x20x1024xi32, #tpu.memory_space<hbm>> -> memref<1x1x1024xi32, #tpu.memory_space<hbm>>
    %dma_start3A_4 = tpu.memref_squeeze %dma_start3A_3 : memref<1x1x1024xi32, #tpu.memory_space<hbm>> -> memref<1024xi32, #tpu.memory_space<hbm>>
    %dma_start3A_5 = arith.constant 0 : i32
    %dma_start3A_6 = tpu.memref_slice %arg2[%dma_start3A, %dma_start3A_1, %dma_start3A_5] : memref<26x20x1024xi32, #tpu.memory_space<hbm>> -> memref<1x1x1024xi32, #tpu.memory_space<hbm>>
    %dma_start3A_7 = tpu.memref_squeeze %dma_start3A_6 : memref<1x1x1024xi32, #tpu.memory_space<hbm>> -> memref<1024xi32, #tpu.memory_space<hbm>>
    tpu.enqueue_dma source(%dma_start3A_7 : memref<1024xi32, #tpu.memory_space<hbm>>) target(%arg6 : memref<1024xi32, #tpu.memory_space<vmem>>) target_semaphore(%arg15 : memref<!tpu.dma_semaphore, #tpu.memory_space<semaphore_mem>>)
    %dma_start3A_8 = arith.constant 0 : i32
    %dma_start3A_9 = arith.constant 1 : i32
    %dma_start3A_10 = arith.constant 0 : i32
    %dma_start3A_11 = tpu.memref_slice %arg2[%dma_start3A_8, %dma_start3A_9, %dma_start3A_10] : memref<26x20x1024xi32, #tpu.memory_space<hbm>> -> memref<1x1x1024xi32, #tpu.memory_space<hbm>>
    %dma_start3A_12 = tpu.memref_squeeze %dma_start3A_11 : memref<1x1x1024xi32, #tpu.memory_space<hbm>> -> memref<1024xi32, #tpu.memory_space<hbm>>
    %dma_start3A_13 = arith.constant 0 : i32
    %dma_start3A_14 = tpu.memref_slice %arg2[%dma_start3A_8, %dma_start3A_9, %dma_start3A_13] : memref<26x20x1024xi32, #tpu.memory_space<hbm>> -> memref<1x1x1024xi32, #tpu.memory_space<hbm>>
    %dma_start3A_15 = tpu.memref_squeeze %dma_start3A_14 : memref<1x1x1024xi32, #tpu.memory_space<hbm>> -> memref<1024xi32, #tpu.memory_space<hbm>>
    tpu.enqueue_dma source(%dma_start3A_15 : memref<1024xi32, #tpu.memory_space<hbm>>) target(%arg7 : memref<1024xi32, #tpu.memory_space<vmem>>) target_semaphore(%arg16 : memref<!tpu.dma_semaphore, #tpu.memory_space<semaphore_mem>>)
    %dma_start3A_16 = arith.constant 0 : i32
    %dma_start3A_17 = arith.constant 2 : i32
    %dma_start3A_18 = arith.constant 0 : i32
    %dma_start3A_19 = tpu.memref_slice %arg2[%dma_start3A_16, %dma_start3A_17, %dma_start3A_18] : memref<26x20x1024xi32, #tpu.memory_space<hbm>> -> memref<1x1x1024xi32, #tpu.memory_space<hbm>>
    %dma_start3A_20 = tpu.memref_squeeze %dma_start3A_19 : memref<1x1x1024xi32, #tpu.memory_space<hbm>> -> memref<1024xi32, #tpu.memory_space<hbm>>
    %dma_start3A_21 = arith.constant 0 : i32
    %dma_start3A_22 = tpu.memref_slice %arg2[%dma_start3A_16, %dma_start3A_17, %dma_start3A_21] : memref<26x20x1024xi32, #tpu.memory_space<hbm>> -> memref<1x1x1024xi32, #tpu.memory_space<hbm>>
    %dma_start3A_23 = tpu.memref_squeeze %dma_start3A_22 : memref<1x1x1024xi32, #tpu.memory_space<hbm>> -> memref<1024xi32, #tpu.memory_space<hbm>>
    tpu.enqueue_dma source(%dma_start3A_23 : memref<1024xi32, #tpu.memory_space<hbm>>) target(%arg8 : memref<1024xi32, #tpu.memory_space<vmem>>) target_semaphore(%arg17 : memref<!tpu.dma_semaphore, #tpu.memory_space<semaphore_mem>>)
    %dma_start3A_24 = arith.constant 0 : i32
    %dma_start3A_25 = arith.constant 3 : i32
    %dma_start3A_26 = arith.constant 0 : i32
    %dma_start3A_27 = tpu.memref_slice %arg2[%dma_start3A_24, %dma_start3A_25, %dma_start3A_26] : memref<26x20x1024xi32, #tpu.memory_space<hbm>> -> memref<1x1x1024xi32, #tpu.memory_space<hbm>>
    %dma_start3A_28 = tpu.memref_squeeze %dma_start3A_27 : memref<1x1x1024xi32, #tpu.memory_space<hbm>> -> memref<1024xi32, #tpu.memory_space<hbm>>
    %dma_start3A_29 = arith.constant 0 : i32
    %dma_start3A_30 = tpu.memref_slice %arg2[%dma_start3A_24, %dma_start3A_25, %dma_start3A_29] : memref<26x20x1024xi32, #tpu.memory_space<hbm>> -> memref<1x1x1024xi32, #tpu.memory_space<hbm>>
    %dma_start3A_31 = tpu.memref_squeeze %dma_start3A_30 : memref<1x1x1024xi32, #tpu.memory_space<hbm>> -> memref<1024xi32, #tpu.memory_space<hbm>>
    tpu.enqueue_dma source(%dma_start3A_31 : memref<1024xi32, #tpu.memory_space<hbm>>) target(%arg9 : memref<1024xi32, #tpu.memory_space<vmem>>) target_semaphore(%arg18 : memref<!tpu.dma_semaphore, #tpu.memory_space<semaphore_mem>>)
    %scan3A = arith.constant 0 : i32
    %scan3A_32 = arith.constant 0 : i32
    %scan3A_33 = arith.constant 26 : i32
    %scan3A_34 = arith.addi %scan3A_32, %scan3A_33 : i32
    %scan3A_35 = arith.constant 1 : i32
    scf.for %scan3A_72 = %scan3A_32 to %scan3A_34 step %scan3A_35  : i32 {
      %dma_wait3A_73 = arith.constant 0 : i32
      %dma_wait3A_74 = arith.constant 0 : i32
      %dma_wait3A_75 = arith.constant 0 : i32
      %dma_wait3A_76 = tpu.memref_slice %arg2[%dma_wait3A_73, %dma_wait3A_74, %dma_wait3A_75] : memref<26x20x1024xi32, #tpu.memory_space<hbm>> -> memref<1x1x1024xi32, #tpu.memory_space<hbm>>
      %dma_wait3A_77 = tpu.memref_squeeze %dma_wait3A_76 : memref<1x1x1024xi32, #tpu.memory_space<hbm>> -> memref<1024xi32, #tpu.memory_space<hbm>>
      %dma_wait3A_78 = arith.constant 0 : i32
      %dma_wait3A_79 = tpu.memref_slice %arg2[%dma_wait3A_73, %dma_wait3A_74, %dma_wait3A_78] : memref<26x20x1024xi32, #tpu.memory_space<hbm>> -> memref<1x1x1024xi32, #tpu.memory_space<hbm>>
      %dma_wait3A_80 = tpu.memref_squeeze %dma_wait3A_79 : memref<1x1x1024xi32, #tpu.memory_space<hbm>> -> memref<1024xi32, #tpu.memory_space<hbm>>
      tpu.wait_dma2 semaphore(%arg15 : memref<!tpu.dma_semaphore, #tpu.memory_space<semaphore_mem>>) src(%dma_wait3A_80 : memref<1024xi32, #tpu.memory_space<hbm>>) dst(%arg6 : memref<1024xi32, #tpu.memory_space<vmem>>)
      %gt3A = arith.constant 0 : i32
      %gt3A_81 = arith.cmpi sgt, %scan3A_72, %gt3A : i32
      %convert_element_type3A = arith.extui %gt3A_81 : i1 to i32
      %cond3A = arith.constant 0 : i32
      %cond3A_82 = arith.cmpi ne, %convert_element_type3A, %cond3A : i32
      scf.if %cond3A_82 {
        %dma_wait3A_732 = arith.constant 0 : i32
        %dma_wait3A_733 = arith.constant 0 : i32
        %dma_wait3A_734 = arith.constant 0 : i32
        %dma_wait3A_735 = arith.constant 0 : i32
        %dma_wait3A_736 = tpu.memref_slice %arg4[%dma_wait3A_732, %dma_wait3A_733, %dma_wait3A_734, %dma_wait3A_735] : memref<20x26x32x1024xf32, #tpu.memory_space<hbm>> -> memref<1x1x1x1024xf32, #tpu.memory_space<hbm>>
        %dma_wait3A_737 = tpu.memref_squeeze %dma_wait3A_736 : memref<1x1x1x1024xf32, #tpu.memory_space<hbm>> -> memref<1024xf32, #tpu.memory_space<hbm>>
        %dma_wait3A_738 = arith.constant 0 : i32
        %dma_wait3A_739 = tpu.memref_slice %arg4[%dma_wait3A_732, %dma_wait3A_733, %dma_wait3A_734, %dma_wait3A_738] : memref<20x26x32x1024xf32, #tpu.memory_space<hbm>> -> memref<1x1x1x1024xf32, #tpu.memory_space<hbm>>
        %dma_wait3A_740 = tpu.memref_squeeze %dma_wait3A_739 : memref<1x1x1x1024xf32, #tpu.memory_space<hbm>> -> memref<1024xf32, #tpu.memory_space<hbm>>
        tpu.wait_dma2 semaphore(%arg19 : memref<!tpu.dma_semaphore, #tpu.memory_space<semaphore_mem>>) src(%dma_wait3A_740 : memref<1024xf32, #tpu.memory_space<hbm>>) dst(%arg10 : memref<1024xf32, #tpu.memory_space<vmem>>)
      } else {
      }
      %parallel_loop3A = arith.constant 0 : i32
      %parallel_loop3A_83 = arith.constant 64 : i32
      %parallel_loop3A_84 = arith.constant 1 : i32
      scf.for %parallel_loop3A_732 = %parallel_loop3A to %parallel_loop3A_83 step %parallel_loop3A_84  : i32 {
        %parallel_loop3A_733 = arith.constant 16 : i32
        %parallel_loop3A_734 = arith.muli %parallel_loop3A_732, %parallel_loop3A_733 : i32
        %parallel_loop3A_735 = arith.index_cast %parallel_loop3A_734 : i32 to index
        %parallel_loop3A_736 = tpu.vector_load %arg6[%parallel_loop3A_735] {strides = array<i32>} : memref<1024xi32, #tpu.memory_space<vmem>>, vector<16xi32>,
        %parallel_loop3A_737 = tpu.vector_load_idx %arg5[%parallel_loop3A_736] : memref<100000xf32, #tpu.memory_space<vmem>>[vector<16xi32>], vector<16xf32>,
        %parallel_loop3A_738 = arith.constant 16 : i32
        %parallel_loop3A_739 = arith.muli %parallel_loop3A_732, %parallel_loop3A_738 : i32
        %parallel_loop3A_740 = arith.index_cast %parallel_loop3A_739 : i32 to index
        %parallel_loop3A_741 = tpu.vector_load %arg10[%parallel_loop3A_740] {strides = array<i32>} : memref<1024xf32, #tpu.memory_space<vmem>>, vector<16xf32>,
        tpu.vector_store %arg10[%parallel_loop3A_740], %parallel_loop3A_737 {strides = array<i32>} : memref<1024xf32, #tpu.memory_space<vmem>>, vector<16xf32>,
      } {sc.loop_unroll_factor = 8 : i64, sc.parallel_access}
      %dma_start3A_85 = arith.constant 0 : i32
      %dma_start3A_86 = arith.constant 0 : i32
      %dma_start3A_87 = tpu.memref_slice %arg4[%dma_start3A_85, %scan3A_72, %add3A, %dma_start3A_86] : memref<20x26x32x1024xf32, #tpu.memory_space<hbm>> -> memref<1x1x1x1024xf32, #tpu.memory_space<hbm>>
      %dma_start3A_88 = tpu.memref_squeeze %dma_start3A_87 : memref<1x1x1x1024xf32, #tpu.memory_space<hbm>> -> memref<1024xf32, #tpu.memory_space<hbm>>
      %dma_start3A_89 = arith.constant 0 : i32
      %dma_start3A_90 = tpu.memref_slice %arg4[%dma_start3A_85, %scan3A_72, %add3A, %dma_start3A_89] : memref<20x26x32x1024xf32, #tpu.memory_space<hbm>> -> memref<1x1x1x1024xf32, #tpu.memory_space<hbm>>
      %dma_start3A_91 = tpu.memref_squeeze %dma_start3A_90 : memref<1x1x1x1024xf32, #tpu.memory_space<hbm>> -> memref<1024xf32, #tpu.memory_space<hbm>>
      tpu.enqueue_dma source(%arg10 : memref<1024xf32, #tpu.memory_space<vmem>>) target(%dma_start3A_91 : memref<1024xf32, #tpu.memory_space<hbm>>) target_semaphore(%arg19 : memref<!tpu.dma_semaphore, #tpu.memory_space<semaphore_mem>>)
      %dma_start3A_92 = arith.constant 4 : i32
      %dma_start3A_93 = arith.constant 0 : i32
      %dma_start3A_94 = tpu.memref_slice %arg2[%scan3A_72, %dma_start3A_92, %dma_start3A_93] : memref<26x20x1024xi32, #tpu.memory_space<hbm>> -> memref<1x1x1024xi32, #tpu.memory_space<hbm>>
      %dma_start3A_95 = tpu.memref_squeeze %dma_start3A_94 : memref<1x1x1024xi32, #tpu.memory_space<hbm>> -> memref<1024xi32, #tpu.memory_space<hbm>>
      %dma_start3A_96 = arith.constant 0 : i32
      %dma_start3A_97 = tpu.memref_slice %arg2[%scan3A_72, %dma_start3A_92, %dma_start3A_96] : memref<26x20x1024xi32, #tpu.memory_space<hbm>> -> memref<1x1x1024xi32, #tpu.memory_space<hbm>>
      %dma_start3A_98 = tpu.memref_squeeze %dma_start3A_97 : memref<1x1x1024xi32, #tpu.memory_space<hbm>> -> memref<1024xi32, #tpu.memory_space<hbm>>
      tpu.enqueue_dma source(%dma_start3A_98 : memref<1024xi32, #tpu.memory_space<hbm>>) target(%arg6 : memref<1024xi32, #tpu.memory_space<vmem>>) target_semaphore(%arg15 : memref<!tpu.dma_semaphore, #tpu.memory_space<semaphore_mem>>)
      %dma_wait3A_99 = arith.constant 0 : i32
      %dma_wait3A_100 = arith.constant 0 : i32
      %dma_wait3A_101 = arith.constant 0 : i32
      %dma_wait3A_102 = tpu.memref_slice %arg2[%dma_wait3A_99, %dma_wait3A_100, %dma_wait3A_101] : memref<26x20x1024xi32, #tpu.memory_space<hbm>> -> memref<1x1x1024xi32, #tpu.memory_space<hbm>>
      %dma_wait3A_103 = tpu.memref_squeeze %dma_wait3A_102 : memref<1x1x1024xi32, #tpu.memory_space<hbm>> -> memref<1024xi32, #tpu.memory_space<hbm>>
      %dma_wait3A_104 = arith.constant 0 : i32
      %dma_wait3A_105 = tpu.memref_slice %arg2[%dma_wait3A_99, %dma_wait3A_100, %dma_wait3A_104] : memref<26x20x1024xi32, #tpu.memory_space<hbm>> -> memref<1x1x1024xi32, #tpu.memory_space<hbm>>
      %dma_wait3A_106 = tpu.memref_squeeze %dma_wait3A_105 : memref<1x1x1024xi32, #tpu.memory_space<hbm>> -> memref<1024xi32, #tpu.memory_space<hbm>>
      tpu.wait_dma2 semaphore(%arg16 : memref<!tpu.dma_semaphore, #tpu.memory_space<semaphore_mem>>) src(%dma_wait3A_106 : memref<1024xi32, #tpu.memory_space<hbm>>) dst(%arg7 : memref<1024xi32, #tpu.memory_space<vmem>>)
      %gt3A_107 = arith.constant 0 : i32
      %gt3A_108 = arith.cmpi sgt, %scan3A_72, %gt3A_107 : i32
      %convert_element_type3A_109 = arith.extui %gt3A_108 : i1 to i32
      %cond3A_110 = arith.constant 0 : i32
      %cond3A_111 = arith.cmpi ne, %convert_element_type3A_109, %cond3A_110 : i32
      scf.if %cond3A_111 {
        %dma_wait3A_732 = arith.constant 0 : i32
        %dma_wait3A_733 = arith.constant 0 : i32
        %dma_wait3A_734 = arith.constant 0 : i32
        %dma_wait3A_735 = arith.constant 0 : i32
        %dma_wait3A_736 = tpu.memref_slice %arg4[%dma_wait3A_732, %dma_wait3A_733, %dma_wait3A_734, %dma_wait3A_735] : memref<20x26x32x1024xf32, #tpu.memory_space<hbm>> -> memref<1x1x1x1024xf32, #tpu.memory_space<hbm>>
        %dma_wait3A_737 = tpu.memref_squeeze %dma_wait3A_736 : memref<1x1x1x1024xf32, #tpu.memory_space<hbm>> -> memref<1024xf32, #tpu.memory_space<hbm>>
        %dma_wait3A_738 = arith.constant 0 : i32
        %dma_wait3A_739 = tpu.memref_slice %arg4[%dma_wait3A_732, %dma_wait3A_733, %dma_wait3A_734, %dma_wait3A_738] : memref<20x26x32x1024xf32, #tpu.memory_space<hbm>> -> memref<1x1x1x1024xf32, #tpu.memory_space<hbm>>
        %dma_wait3A_740 = tpu.memref_squeeze %dma_wait3A_739 : memref<1x1x1x1024xf32, #tpu.memory_space<hbm>> -> memref<1024xf32, #tpu.memory_space<hbm>>
        tpu.wait_dma2 semaphore(%arg20 : memref<!tpu.dma_semaphore, #tpu.memory_space<semaphore_mem>>) src(%dma_wait3A_740 : memref<1024xf32, #tpu.memory_space<hbm>>) dst(%arg11 : memref<1024xf32, #tpu.memory_space<vmem>>)
      } else {
      }
      %parallel_loop3A_112 = arith.constant 0 : i32
      %parallel_loop3A_113 = arith.constant 64 : i32
      %parallel_loop3A_114 = arith.constant 1 : i32
      scf.for %parallel_loop3A_732 = %parallel_loop3A_112 to %parallel_loop3A_113 step %parallel_loop3A_114  : i32 {
        %parallel_loop3A_733 = arith.constant 16 : i32
        %parallel_loop3A_734 = arith.muli %parallel_loop3A_732, %parallel_loop3A_733 : i32
        %parallel_loop3A_735 = arith.index_cast %parallel_loop3A_734 : i32 to index
        %parallel_loop3A_736 = tpu.vector_load %arg7[%parallel_loop3A_735] {strides = array<i32>} : memref<1024xi32, #tpu.memory_space<vmem>>, vector<16xi32>,
        %parallel_loop3A_737 = tpu.vector_load_idx %arg5[%parallel_loop3A_736] : memref<100000xf32, #tpu.memory_space<vmem>>[vector<16xi32>], vector<16xf32>,
        %parallel_loop3A_738 = arith.constant 16 : i32
        %parallel_loop3A_739 = arith.muli %parallel_loop3A_732, %parallel_loop3A_738 : i32
        %parallel_loop3A_740 = arith.index_cast %parallel_loop3A_739 : i32 to index
        %parallel_loop3A_741 = tpu.vector_load %arg11[%parallel_loop3A_740] {strides = array<i32>} : memref<1024xf32, #tpu.memory_space<vmem>>, vector<16xf32>,
        tpu.vector_store %arg11[%parallel_loop3A_740], %parallel_loop3A_737 {strides = array<i32>} : memref<1024xf32, #tpu.memory_space<vmem>>, vector<16xf32>,
      } {sc.loop_unroll_factor = 8 : i64, sc.parallel_access}
      %dma_start3A_115 = arith.constant 1 : i32
      %dma_start3A_116 = arith.constant 0 : i32
      %dma_start3A_117 = tpu.memref_slice %arg4[%dma_start3A_115, %scan3A_72, %add3A, %dma_start3A_116] : memref<20x26x32x1024xf32, #tpu.memory_space<hbm>> -> memref<1x1x1x1024xf32, #tpu.memory_space<hbm>>
      %dma_start3A_118 = tpu.memref_squeeze %dma_start3A_117 : memref<1x1x1x1024xf32, #tpu.memory_space<hbm>> -> memref<1024xf32, #tpu.memory_space<hbm>>
      %dma_start3A_119 = arith.constant 0 : i32
      %dma_start3A_120 = tpu.memref_slice %arg4[%dma_start3A_115, %scan3A_72, %add3A, %dma_start3A_119] : memref<20x26x32x1024xf32, #tpu.memory_space<hbm>> -> memref<1x1x1x1024xf32, #tpu.memory_space<hbm>>
      %dma_start3A_121 = tpu.memref_squeeze %dma_start3A_120 : memref<1x1x1x1024xf32, #tpu.memory_space<hbm>> -> memref<1024xf32, #tpu.memory_space<hbm>>
      tpu.enqueue_dma source(%arg11 : memref<1024xf32, #tpu.memory_space<vmem>>) target(%dma_start3A_121 : memref<1024xf32, #tpu.memory_space<hbm>>) target_semaphore(%arg20 : memref<!tpu.dma_semaphore, #tpu.memory_space<semaphore_mem>>)
      %dma_start3A_122 = arith.constant 5 : i32
      %dma_start3A_123 = arith.constant 0 : i32
      %dma_start3A_124 = tpu.memref_slice %arg2[%scan3A_72, %dma_start3A_122, %dma_start3A_123] : memref<26x20x1024xi32, #tpu.memory_space<hbm>> -> memref<1x1x1024xi32, #tpu.memory_space<hbm>>
      %dma_start3A_125 = tpu.memref_squeeze %dma_start3A_124 : memref<1x1x1024xi32, #tpu.memory_space<hbm>> -> memref<1024xi32, #tpu.memory_space<hbm>>
      %dma_start3A_126 = arith.constant 0 : i32
      %dma_start3A_127 = tpu.memref_slice %arg2[%scan3A_72, %dma_start3A_122, %dma_start3A_126] : memref<26x20x1024xi32, #tpu.memory_space<hbm>> -> memref<1x1x1024xi32, #tpu.memory_space<hbm>>
      %dma_start3A_128 = tpu.memref_squeeze %dma_start3A_127 : memref<1x1x1024xi32, #tpu.memory_space<hbm>> -> memref<1024xi32, #tpu.memory_space<hbm>>
      tpu.enqueue_dma source(%dma_start3A_128 : memref<1024xi32, #tpu.memory_space<hbm>>) target(%arg7 : memref<1024xi32, #tpu.memory_space<vmem>>) target_semaphore(%arg16 : memref<!tpu.dma_semaphore, #tpu.memory_space<semaphore_mem>>)
      %dma_wait3A_129 = arith.constant 0 : i32
      %dma_wait3A_130 = arith.constant 0 : i32
      %dma_wait3A_131 = arith.constant 0 : i32
      %dma_wait3A_132 = tpu.memref_slice %arg2[%dma_wait3A_129, %dma_wait3A_130, %dma_wait3A_131] : memref<26x20x1024xi32, #tpu.memory_space<hbm>> -> memref<1x1x1024xi32, #tpu.memory_space<hbm>>
      %dma_wait3A_133 = tpu.memref_squeeze %dma_wait3A_132 : memref<1x1x1024xi32, #tpu.memory_space<hbm>> -> memref<1024xi32, #tpu.memory_space<hbm>>
      %dma_wait3A_134 = arith.constant 0 : i32
      %dma_wait3A_135 = tpu.memref_slice %arg2[%dma_wait3A_129, %dma_wait3A_130, %dma_wait3A_134] : memref<26x20x1024xi32, #tpu.memory_space<hbm>> -> memref<1x1x1024xi32, #tpu.memory_space<hbm>>
      %dma_wait3A_136 = tpu.memref_squeeze %dma_wait3A_135 : memref<1x1x1024xi32, #tpu.memory_space<hbm>> -> memref<1024xi32, #tpu.memory_space<hbm>>
      tpu.wait_dma2 semaphore(%arg17 : memref<!tpu.dma_semaphore, #tpu.memory_space<semaphore_mem>>) src(%dma_wait3A_136 : memref<1024xi32, #tpu.memory_space<hbm>>) dst(%arg8 : memref<1024xi32, #tpu.memory_space<vmem>>)
      %gt3A_137 = arith.constant 0 : i32
      %gt3A_138 = arith.cmpi sgt, %scan3A_72, %gt3A_137 : i32
      %convert_element_type3A_139 = arith.extui %gt3A_138 : i1 to i32
      %cond3A_140 = arith.constant 0 : i32
      %cond3A_141 = arith.cmpi ne, %convert_element_type3A_139, %cond3A_140 : i32
      scf.if %cond3A_141 {
        %dma_wait3A_732 = arith.constant 0 : i32
        %dma_wait3A_733 = arith.constant 0 : i32
        %dma_wait3A_734 = arith.constant 0 : i32
        %dma_wait3A_735 = arith.constant 0 : i32
        %dma_wait3A_736 = tpu.memref_slice %arg4[%dma_wait3A_732, %dma_wait3A_733, %dma_wait3A_734, %dma_wait3A_735] : memref<20x26x32x1024xf32, #tpu.memory_space<hbm>> -> memref<1x1x1x1024xf32, #tpu.memory_space<hbm>>
        %dma_wait3A_737 = tpu.memref_squeeze %dma_wait3A_736 : memref<1x1x1x1024xf32, #tpu.memory_space<hbm>> -> memref<1024xf32, #tpu.memory_space<hbm>>
        %dma_wait3A_738 = arith.constant 0 : i32
        %dma_wait3A_739 = tpu.memref_slice %arg4[%dma_wait3A_732, %dma_wait3A_733, %dma_wait3A_734, %dma_wait3A_738] : memref<20x26x32x1024xf32, #tpu.memory_space<hbm>> -> memref<1x1x1x1024xf32, #tpu.memory_space<hbm>>
        %dma_wait3A_740 = tpu.memref_squeeze %dma_wait3A_739 : memref<1x1x1x1024xf32, #tpu.memory_space<hbm>> -> memref<1024xf32, #tpu.memory_space<hbm>>
        tpu.wait_dma2 semaphore(%arg21 : memref<!tpu.dma_semaphore, #tpu.memory_space<semaphore_mem>>) src(%dma_wait3A_740 : memref<1024xf32, #tpu.memory_space<hbm>>) dst(%arg12 : memref<1024xf32, #tpu.memory_space<vmem>>)
      } else {
      }
      %parallel_loop3A_142 = arith.constant 0 : i32
      %parallel_loop3A_143 = arith.constant 64 : i32
      %parallel_loop3A_144 = arith.constant 1 : i32
      scf.for %parallel_loop3A_732 = %parallel_loop3A_142 to %parallel_loop3A_143 step %parallel_loop3A_144  : i32 {
        %parallel_loop3A_733 = arith.constant 16 : i32
        %parallel_loop3A_734 = arith.muli %parallel_loop3A_732, %parallel_loop3A_733 : i32
        %parallel_loop3A_735 = arith.index_cast %parallel_loop3A_734 : i32 to index
        %parallel_loop3A_736 = tpu.vector_load %arg8[%parallel_loop3A_735] {strides = array<i32>} : memref<1024xi32, #tpu.memory_space<vmem>>, vector<16xi32>,
        %parallel_loop3A_737 = tpu.vector_load_idx %arg5[%parallel_loop3A_736] : memref<100000xf32, #tpu.memory_space<vmem>>[vector<16xi32>], vector<16xf32>,
        %parallel_loop3A_738 = arith.constant 16 : i32
        %parallel_loop3A_739 = arith.muli %parallel_loop3A_732, %parallel_loop3A_738 : i32
        %parallel_loop3A_740 = arith.index_cast %parallel_loop3A_739 : i32 to index
        %parallel_loop3A_741 = tpu.vector_load %arg12[%parallel_loop3A_740] {strides = array<i32>} : memref<1024xf32, #tpu.memory_space<vmem>>, vector<16xf32>,
        tpu.vector_store %arg12[%parallel_loop3A_740], %parallel_loop3A_737 {strides = array<i32>} : memref<1024xf32, #tpu.memory_space<vmem>>, vector<16xf32>,
      } {sc.loop_unroll_factor = 8 : i64, sc.parallel_access}
      %dma_start3A_145 = arith.constant 2 : i32
      %dma_start3A_146 = arith.constant 0 : i32
      %dma_start3A_147 = tpu.memref_slice %arg4[%dma_start3A_145, %scan3A_72, %add3A, %dma_start3A_146] : memref<20x26x32x1024xf32, #tpu.memory_space<hbm>> -> memref<1x1x1x1024xf32, #tpu.memory_space<hbm>>
      %dma_start3A_148 = tpu.memref_squeeze %dma_start3A_147 : memref<1x1x1x1024xf32, #tpu.memory_space<hbm>> -> memref<1024xf32, #tpu.memory_space<hbm>>
      %dma_start3A_149 = arith.constant 0 : i32
      %dma_start3A_150 = tpu.memref_slice %arg4[%dma_start3A_145, %scan3A_72, %add3A, %dma_start3A_149] : memref<20x26x32x1024xf32, #tpu.memory_space<hbm>> -> memref<1x1x1x1024xf32, #tpu.memory_space<hbm>>
      %dma_start3A_151 = tpu.memref_squeeze %dma_start3A_150 : memref<1x1x1x1024xf32, #tpu.memory_space<hbm>> -> memref<1024xf32, #tpu.memory_space<hbm>>
      tpu.enqueue_dma source(%arg12 : memref<1024xf32, #tpu.memory_space<vmem>>) target(%dma_start3A_151 : memref<1024xf32, #tpu.memory_space<hbm>>) target_semaphore(%arg21 : memref<!tpu.dma_semaphore, #tpu.memory_space<semaphore_mem>>)
      %dma_start3A_152 = arith.constant 6 : i32
      %dma_start3A_153 = arith.constant 0 : i32
      %dma_start3A_154 = tpu.memref_slice %arg2[%scan3A_72, %dma_start3A_152, %dma_start3A_153] : memref<26x20x1024xi32, #tpu.memory_space<hbm>> -> memref<1x1x1024xi32, #tpu.memory_space<hbm>>
      %dma_start3A_155 = tpu.memref_squeeze %dma_start3A_154 : memref<1x1x1024xi32, #tpu.memory_space<hbm>> -> memref<1024xi32, #tpu.memory_space<hbm>>
      %dma_start3A_156 = arith.constant 0 : i32
      %dma_start3A_157 = tpu.memref_slice %arg2[%scan3A_72, %dma_start3A_152, %dma_start3A_156] : memref<26x20x1024xi32, #tpu.memory_space<hbm>> -> memref<1x1x1024xi32, #tpu.memory_space<hbm>>
      %dma_start3A_158 = tpu.memref_squeeze %dma_start3A_157 : memref<1x1x1024xi32, #tpu.memory_space<hbm>> -> memref<1024xi32, #tpu.memory_space<hbm>>
      tpu.enqueue_dma source(%dma_start3A_158 : memref<1024xi32, #tpu.memory_space<hbm>>) target(%arg8 : memref<1024xi32, #tpu.memory_space<vmem>>) target_semaphore(%arg17 : memref<!tpu.dma_semaphore, #tpu.memory_space<semaphore_mem>>)
      %dma_wait3A_159 = arith.constant 0 : i32
      %dma_wait3A_160 = arith.constant 0 : i32
      %dma_wait3A_161 = arith.constant 0 : i32
      %dma_wait3A_162 = tpu.memref_slice %arg2[%dma_wait3A_159, %dma_wait3A_160, %dma_wait3A_161] : memref<26x20x1024xi32, #tpu.memory_space<hbm>> -> memref<1x1x1024xi32, #tpu.memory_space<hbm>>
      %dma_wait3A_163 = tpu.memref_squeeze %dma_wait3A_162 : memref<1x1x1024xi32, #tpu.memory_space<hbm>> -> memref<1024xi32, #tpu.memory_space<hbm>>
      %dma_wait3A_164 = arith.constant 0 : i32
      %dma_wait3A_165 = tpu.memref_slice %arg2[%dma_wait3A_159, %dma_wait3A_160, %dma_wait3A_164] : memref<26x20x1024xi32, #tpu.memory_space<hbm>> -> memref<1x1x1024xi32, #tpu.memory_space<hbm>>
      %dma_wait3A_166 = tpu.memref_squeeze %dma_wait3A_165 : memref<1x1x1024xi32, #tpu.memory_space<hbm>> -> memref<1024xi32, #tpu.memory_space<hbm>>
      tpu.wait_dma2 semaphore(%arg18 : memref<!tpu.dma_semaphore, #tpu.memory_space<semaphore_mem>>) src(%dma_wait3A_166 : memref<1024xi32, #tpu.memory_space<hbm>>) dst(%arg9 : memref<1024xi32, #tpu.memory_space<vmem>>)
      %gt3A_167 = arith.constant 0 : i32
      %gt3A_168 = arith.cmpi sgt, %scan3A_72, %gt3A_167 : i32
      %convert_element_type3A_169 = arith.extui %gt3A_168 : i1 to i32
      %cond3A_170 = arith.constant 0 : i32
      %cond3A_171 = arith.cmpi ne, %convert_element_type3A_169, %cond3A_170 : i32
      scf.if %cond3A_171 {
        %dma_wait3A_732 = arith.constant 0 : i32
        %dma_wait3A_733 = arith.constant 0 : i32
        %dma_wait3A_734 = arith.constant 0 : i32
        %dma_wait3A_735 = arith.constant 0 : i32
        %dma_wait3A_736 = tpu.memref_slice %arg4[%dma_wait3A_732, %dma_wait3A_733, %dma_wait3A_734, %dma_wait3A_735] : memref<20x26x32x1024xf32, #tpu.memory_space<hbm>> -> memref<1x1x1x1024xf32, #tpu.memory_space<hbm>>
        %dma_wait3A_737 = tpu.memref_squeeze %dma_wait3A_736 : memref<1x1x1x1024xf32, #tpu.memory_space<hbm>> -> memref<1024xf32, #tpu.memory_space<hbm>>
        %dma_wait3A_738 = arith.constant 0 : i32
        %dma_wait3A_739 = tpu.memref_slice %arg4[%dma_wait3A_732, %dma_wait3A_733, %dma_wait3A_734, %dma_wait3A_738] : memref<20x26x32x1024xf32, #tpu.memory_space<hbm>> -> memref<1x1x1x1024xf32, #tpu.memory_space<hbm>>
        %dma_wait3A_740 = tpu.memref_squeeze %dma_wait3A_739 : memref<1x1x1x1024xf32, #tpu.memory_space<hbm>> -> memref<1024xf32, #tpu.memory_space<hbm>>
        tpu.wait_dma2 semaphore(%arg22 : memref<!tpu.dma_semaphore, #tpu.memory_space<semaphore_mem>>) src(%dma_wait3A_740 : memref<1024xf32, #tpu.memory_space<hbm>>) dst(%arg13 : memref<1024xf32, #tpu.memory_space<vmem>>)
      } else {
      }
      %parallel_loop3A_172 = arith.constant 0 : i32
      %parallel_loop3A_173 = arith.constant 64 : i32
      %parallel_loop3A_174 = arith.constant 1 : i32
      scf.for %parallel_loop3A_732 = %parallel_loop3A_172 to %parallel_loop3A_173 step %parallel_loop3A_174  : i32 {
        %parallel_loop3A_733 = arith.constant 16 : i32
        %parallel_loop3A_734 = arith.muli %parallel_loop3A_732, %parallel_loop3A_733 : i32
        %parallel_loop3A_735 = arith.index_cast %parallel_loop3A_734 : i32 to index
        %parallel_loop3A_736 = tpu.vector_load %arg9[%parallel_loop3A_735] {strides = array<i32>} : memref<1024xi32, #tpu.memory_space<vmem>>, vector<16xi32>,
        %parallel_loop3A_737 = tpu.vector_load_idx %arg5[%parallel_loop3A_736] : memref<100000xf32, #tpu.memory_space<vmem>>[vector<16xi32>], vector<16xf32>,
        %parallel_loop3A_738 = arith.constant 16 : i32
        %parallel_loop3A_739 = arith.muli %parallel_loop3A_732, %parallel_loop3A_738 : i32
        %parallel_loop3A_740 = arith.index_cast %parallel_loop3A_739 : i32 to index
        %parallel_loop3A_741 = tpu.vector_load %arg13[%parallel_loop3A_740] {strides = array<i32>} : memref<1024xf32, #tpu.memory_space<vmem>>, vector<16xf32>,
        tpu.vector_store %arg13[%parallel_loop3A_740], %parallel_loop3A_737 {strides = array<i32>} : memref<1024xf32, #tpu.memory_space<vmem>>, vector<16xf32>,
      } {sc.loop_unroll_factor = 8 : i64, sc.parallel_access}
      %dma_start3A_175 = arith.constant 3 : i32
      %dma_start3A_176 = arith.constant 0 : i32
      %dma_start3A_177 = tpu.memref_slice %arg4[%dma_start3A_175, %scan3A_72, %add3A, %dma_start3A_176] : memref<20x26x32x1024xf32, #tpu.memory_space<hbm>> -> memref<1x1x1x1024xf32, #tpu.memory_space<hbm>>
      %dma_start3A_178 = tpu.memref_squeeze %dma_start3A_177 : memref<1x1x1x1024xf32, #tpu.memory_space<hbm>> -> memref<1024xf32, #tpu.memory_space<hbm>>
      %dma_start3A_179 = arith.constant 0 : i32
      %dma_start3A_180 = tpu.memref_slice %arg4[%dma_start3A_175, %scan3A_72, %add3A, %dma_start3A_179] : memref<20x26x32x1024xf32, #tpu.memory_space<hbm>> -> memref<1x1x1x1024xf32, #tpu.memory_space<hbm>>
      %dma_start3A_181 = tpu.memref_squeeze %dma_start3A_180 : memref<1x1x1x1024xf32, #tpu.memory_space<hbm>> -> memref<1024xf32, #tpu.memory_space<hbm>>
      tpu.enqueue_dma source(%arg13 : memref<1024xf32, #tpu.memory_space<vmem>>) target(%dma_start3A_181 : memref<1024xf32, #tpu.memory_space<hbm>>) target_semaphore(%arg22 : memref<!tpu.dma_semaphore, #tpu.memory_space<semaphore_mem>>)
      %dma_start3A_182 = arith.constant 7 : i32
      %dma_start3A_183 = arith.constant 0 : i32
      %dma_start3A_184 = tpu.memref_slice %arg2[%scan3A_72, %dma_start3A_182, %dma_start3A_183] : memref<26x20x1024xi32, #tpu.memory_space<hbm>> -> memref<1x1x1024xi32, #tpu.memory_space<hbm>>
      %dma_start3A_185 = tpu.memref_squeeze %dma_start3A_184 : memref<1x1x1024xi32, #tpu.memory_space<hbm>> -> memref<1024xi32, #tpu.memory_space<hbm>>
      %dma_start3A_186 = arith.constant 0 : i32
      %dma_start3A_187 = tpu.memref_slice %arg2[%scan3A_72, %dma_start3A_182, %dma_start3A_186] : memref<26x20x1024xi32, #tpu.memory_space<hbm>> -> memref<1x1x1024xi32, #tpu.memory_space<hbm>>
      %dma_start3A_188 = tpu.memref_squeeze %dma_start3A_187 : memref<1x1x1024xi32, #tpu.memory_space<hbm>> -> memref<1024xi32, #tpu.memory_space<hbm>>
      tpu.enqueue_dma source(%dma_start3A_188 : memref<1024xi32, #tpu.memory_space<hbm>>) target(%arg9 : memref<1024xi32, #tpu.memory_space<vmem>>) target_semaphore(%arg18 : memref<!tpu.dma_semaphore, #tpu.memory_space<semaphore_mem>>)
      %dma_wait3A_189 = arith.constant 0 : i32
      %dma_wait3A_190 = arith.constant 0 : i32
      %dma_wait3A_191 = arith.constant 0 : i32
      %dma_wait3A_192 = tpu.memref_slice %arg2[%dma_wait3A_189, %dma_wait3A_190, %dma_wait3A_191] : memref<26x20x1024xi32, #tpu.memory_space<hbm>> -> memref<1x1x1024xi32, #tpu.memory_space<hbm>>
      %dma_wait3A_193 = tpu.memref_squeeze %dma_wait3A_192 : memref<1x1x1024xi32, #tpu.memory_space<hbm>> -> memref<1024xi32, #tpu.memory_space<hbm>>
      %dma_wait3A_194 = arith.constant 0 : i32
      %dma_wait3A_195 = tpu.memref_slice %arg2[%dma_wait3A_189, %dma_wait3A_190, %dma_wait3A_194] : memref<26x20x1024xi32, #tpu.memory_space<hbm>> -> memref<1x1x1024xi32, #tpu.memory_space<hbm>>
      %dma_wait3A_196 = tpu.memref_squeeze %dma_wait3A_195 : memref<1x1x1024xi32, #tpu.memory_space<hbm>> -> memref<1024xi32, #tpu.memory_space<hbm>>
      tpu.wait_dma2 semaphore(%arg15 : memref<!tpu.dma_semaphore, #tpu.memory_space<semaphore_mem>>) src(%dma_wait3A_196 : memref<1024xi32, #tpu.memory_space<hbm>>) dst(%arg6 : memref<1024xi32, #tpu.memory_space<vmem>>)
      %dma_wait3A_197 = arith.constant 0 : i32
      %dma_wait3A_198 = arith.constant 0 : i32
      %dma_wait3A_199 = arith.constant 0 : i32
      %dma_wait3A_200 = arith.constant 0 : i32
      %dma_wait3A_201 = tpu.memref_slice %arg4[%dma_wait3A_197, %dma_wait3A_198, %dma_wait3A_199, %dma_wait3A_200] : memref<20x26x32x1024xf32, #tpu.memory_space<hbm>> -> memref<1x1x1x1024xf32, #tpu.memory_space<hbm>>
      %dma_wait3A_202 = tpu.memref_squeeze %dma_wait3A_201 : memref<1x1x1x1024xf32, #tpu.memory_space<hbm>> -> memref<1024xf32, #tpu.memory_space<hbm>>
      %dma_wait3A_203 = arith.constant 0 : i32
      %dma_wait3A_204 = tpu.memref_slice %arg4[%dma_wait3A_197, %dma_wait3A_198, %dma_wait3A_199, %dma_wait3A_203] : memref<20x26x32x1024xf32, #tpu.memory_space<hbm>> -> memref<1x1x1x1024xf32, #tpu.memory_space<hbm>>
      %dma_wait3A_205 = tpu.memref_squeeze %dma_wait3A_204 : memref<1x1x1x1024xf32, #tpu.memory_space<hbm>> -> memref<1024xf32, #tpu.memory_space<hbm>>
      tpu.wait_dma2 semaphore(%arg19 : memref<!tpu.dma_semaphore, #tpu.memory_space<semaphore_mem>>) src(%dma_wait3A_205 : memref<1024xf32, #tpu.memory_space<hbm>>) dst(%arg10 : memref<1024xf32, #tpu.memory_space<vmem>>)
      %parallel_loop3A_206 = arith.constant 0 : i32
      %parallel_loop3A_207 = arith.constant 64 : i32
      %parallel_loop3A_208 = arith.constant 1 : i32
      scf.for %parallel_loop3A_732 = %parallel_loop3A_206 to %parallel_loop3A_207 step %parallel_loop3A_208  : i32 {
        %parallel_loop3A_733 = arith.constant 16 : i32
        %parallel_loop3A_734 = arith.muli %parallel_loop3A_732, %parallel_loop3A_733 : i32
        %parallel_loop3A_735 = arith.index_cast %parallel_loop3A_734 : i32 to index
        %parallel_loop3A_736 = tpu.vector_load %arg6[%parallel_loop3A_735] {strides = array<i32>} : memref<1024xi32, #tpu.memory_space<vmem>>, vector<16xi32>,
        %parallel_loop3A_737 = tpu.vector_load_idx %arg5[%parallel_loop3A_736] : memref<100000xf32, #tpu.memory_space<vmem>>[vector<16xi32>], vector<16xf32>,
        %parallel_loop3A_738 = arith.constant 16 : i32
        %parallel_loop3A_739 = arith.muli %parallel_loop3A_732, %parallel_loop3A_738 : i32
        %parallel_loop3A_740 = arith.index_cast %parallel_loop3A_739 : i32 to index
        %parallel_loop3A_741 = tpu.vector_load %arg10[%parallel_loop3A_740] {strides = array<i32>} : memref<1024xf32, #tpu.memory_space<vmem>>, vector<16xf32>,
        tpu.vector_store %arg10[%parallel_loop3A_740], %parallel_loop3A_737 {strides = array<i32>} : memref<1024xf32, #tpu.memory_space<vmem>>, vector<16xf32>,
      } {sc.loop_unroll_factor = 8 : i64, sc.parallel_access}
      %dma_start3A_209 = arith.constant 4 : i32
      %dma_start3A_210 = arith.constant 0 : i32
      %dma_start3A_211 = tpu.memref_slice %arg4[%dma_start3A_209, %scan3A_72, %add3A, %dma_start3A_210] : memref<20x26x32x1024xf32, #tpu.memory_space<hbm>> -> memref<1x1x1x1024xf32, #tpu.memory_space<hbm>>
      %dma_start3A_212 = tpu.memref_squeeze %dma_start3A_211 : memref<1x1x1x1024xf32, #tpu.memory_space<hbm>> -> memref<1024xf32, #tpu.memory_space<hbm>>
      %dma_start3A_213 = arith.constant 0 : i32
      %dma_start3A_214 = tpu.memref_slice %arg4[%dma_start3A_209, %scan3A_72, %add3A, %dma_start3A_213] : memref<20x26x32x1024xf32, #tpu.memory_space<hbm>> -> memref<1x1x1x1024xf32, #tpu.memory_space<hbm>>
      %dma_start3A_215 = tpu.memref_squeeze %dma_start3A_214 : memref<1x1x1x1024xf32, #tpu.memory_space<hbm>> -> memref<1024xf32, #tpu.memory_space<hbm>>
      tpu.enqueue_dma source(%arg10 : memref<1024xf32, #tpu.memory_space<vmem>>) target(%dma_start3A_215 : memref<1024xf32, #tpu.memory_space<hbm>>) target_semaphore(%arg19 : memref<!tpu.dma_semaphore, #tpu.memory_space<semaphore_mem>>)
      %dma_start3A_216 = arith.constant 8 : i32
      %dma_start3A_217 = arith.constant 0 : i32
      %dma_start3A_218 = tpu.memref_slice %arg2[%scan3A_72, %dma_start3A_216, %dma_start3A_217] : memref<26x20x1024xi32, #tpu.memory_space<hbm>> -> memref<1x1x1024xi32, #tpu.memory_space<hbm>>
      %dma_start3A_219 = tpu.memref_squeeze %dma_start3A_218 : memref<1x1x1024xi32, #tpu.memory_space<hbm>> -> memref<1024xi32, #tpu.memory_space<hbm>>
      %dma_start3A_220 = arith.constant 0 : i32
      %dma_start3A_221 = tpu.memref_slice %arg2[%scan3A_72, %dma_start3A_216, %dma_start3A_220] : memref<26x20x1024xi32, #tpu.memory_space<hbm>> -> memref<1x1x1024xi32, #tpu.memory_space<hbm>>
      %dma_start3A_222 = tpu.memref_squeeze %dma_start3A_221 : memref<1x1x1024xi32, #tpu.memory_space<hbm>> -> memref<1024xi32, #tpu.memory_space<hbm>>
      tpu.enqueue_dma source(%dma_start3A_222 : memref<1024xi32, #tpu.memory_space<hbm>>) target(%arg6 : memref<1024xi32, #tpu.memory_space<vmem>>) target_semaphore(%arg15 : memref<!tpu.dma_semaphore, #tpu.memory_space<semaphore_mem>>)
      %dma_wait3A_223 = arith.constant 0 : i32
      %dma_wait3A_224 = arith.constant 0 : i32
      %dma_wait3A_225 = arith.constant 0 : i32
      %dma_wait3A_226 = tpu.memref_slice %arg2[%dma_wait3A_223, %dma_wait3A_224, %dma_wait3A_225] : memref<26x20x1024xi32, #tpu.memory_space<hbm>> -> memref<1x1x1024xi32, #tpu.memory_space<hbm>>
      %dma_wait3A_227 = tpu.memref_squeeze %dma_wait3A_226 : memref<1x1x1024xi32, #tpu.memory_space<hbm>> -> memref<1024xi32, #tpu.memory_space<hbm>>
      %dma_wait3A_228 = arith.constant 0 : i32
      %dma_wait3A_229 = tpu.memref_slice %arg2[%dma_wait3A_223, %dma_wait3A_224, %dma_wait3A_228] : memref<26x20x1024xi32, #tpu.memory_space<hbm>> -> memref<1x1x1024xi32, #tpu.memory_space<hbm>>
      %dma_wait3A_230 = tpu.memref_squeeze %dma_wait3A_229 : memref<1x1x1024xi32, #tpu.memory_space<hbm>> -> memref<1024xi32, #tpu.memory_space<hbm>>
      tpu.wait_dma2 semaphore(%arg16 : memref<!tpu.dma_semaphore, #tpu.memory_space<semaphore_mem>>) src(%dma_wait3A_230 : memref<1024xi32, #tpu.memory_space<hbm>>) dst(%arg7 : memref<1024xi32, #tpu.memory_space<vmem>>)
      %dma_wait3A_231 = arith.constant 0 : i32
      %dma_wait3A_232 = arith.constant 0 : i32
      %dma_wait3A_233 = arith.constant 0 : i32
      %dma_wait3A_234 = arith.constant 0 : i32
      %dma_wait3A_235 = tpu.memref_slice %arg4[%dma_wait3A_231, %dma_wait3A_232, %dma_wait3A_233, %dma_wait3A_234] : memref<20x26x32x1024xf32, #tpu.memory_space<hbm>> -> memref<1x1x1x1024xf32, #tpu.memory_space<hbm>>
      %dma_wait3A_236 = tpu.memref_squeeze %dma_wait3A_235 : memref<1x1x1x1024xf32, #tpu.memory_space<hbm>> -> memref<1024xf32, #tpu.memory_space<hbm>>
      %dma_wait3A_237 = arith.constant 0 : i32
      %dma_wait3A_238 = tpu.memref_slice %arg4[%dma_wait3A_231, %dma_wait3A_232, %dma_wait3A_233, %dma_wait3A_237] : memref<20x26x32x1024xf32, #tpu.memory_space<hbm>> -> memref<1x1x1x1024xf32, #tpu.memory_space<hbm>>
      %dma_wait3A_239 = tpu.memref_squeeze %dma_wait3A_238 : memref<1x1x1x1024xf32, #tpu.memory_space<hbm>> -> memref<1024xf32, #tpu.memory_space<hbm>>
      tpu.wait_dma2 semaphore(%arg20 : memref<!tpu.dma_semaphore, #tpu.memory_space<semaphore_mem>>) src(%dma_wait3A_239 : memref<1024xf32, #tpu.memory_space<hbm>>) dst(%arg11 : memref<1024xf32, #tpu.memory_space<vmem>>)
      %parallel_loop3A_240 = arith.constant 0 : i32
      %parallel_loop3A_241 = arith.constant 64 : i32
      %parallel_loop3A_242 = arith.constant 1 : i32
      scf.for %parallel_loop3A_732 = %parallel_loop3A_240 to %parallel_loop3A_241 step %parallel_loop3A_242  : i32 {
        %parallel_loop3A_733 = arith.constant 16 : i32
        %parallel_loop3A_734 = arith.muli %parallel_loop3A_732, %parallel_loop3A_733 : i32
        %parallel_loop3A_735 = arith.index_cast %parallel_loop3A_734 : i32 to index
        %parallel_loop3A_736 = tpu.vector_load %arg7[%parallel_loop3A_735] {strides = array<i32>} : memref<1024xi32, #tpu.memory_space<vmem>>, vector<16xi32>,
        %parallel_loop3A_737 = tpu.vector_load_idx %arg5[%parallel_loop3A_736] : memref<100000xf32, #tpu.memory_space<vmem>>[vector<16xi32>], vector<16xf32>,
        %parallel_loop3A_738 = arith.constant 16 : i32
        %parallel_loop3A_739 = arith.muli %parallel_loop3A_732, %parallel_loop3A_738 : i32
        %parallel_loop3A_740 = arith.index_cast %parallel_loop3A_739 : i32 to index
        %parallel_loop3A_741 = tpu.vector_load %arg11[%parallel_loop3A_740] {strides = array<i32>} : memref<1024xf32, #tpu.memory_space<vmem>>, vector<16xf32>,
        tpu.vector_store %arg11[%parallel_loop3A_740], %parallel_loop3A_737 {strides = array<i32>} : memref<1024xf32, #tpu.memory_space<vmem>>, vector<16xf32>,
      } {sc.loop_unroll_factor = 8 : i64, sc.parallel_access}
      %dma_start3A_243 = arith.constant 5 : i32
      %dma_start3A_244 = arith.constant 0 : i32
      %dma_start3A_245 = tpu.memref_slice %arg4[%dma_start3A_243, %scan3A_72, %add3A, %dma_start3A_244] : memref<20x26x32x1024xf32, #tpu.memory_space<hbm>> -> memref<1x1x1x1024xf32, #tpu.memory_space<hbm>>
      %dma_start3A_246 = tpu.memref_squeeze %dma_start3A_245 : memref<1x1x1x1024xf32, #tpu.memory_space<hbm>> -> memref<1024xf32, #tpu.memory_space<hbm>>
      %dma_start3A_247 = arith.constant 0 : i32
      %dma_start3A_248 = tpu.memref_slice %arg4[%dma_start3A_243, %scan3A_72, %add3A, %dma_start3A_247] : memref<20x26x32x1024xf32, #tpu.memory_space<hbm>> -> memref<1x1x1x1024xf32, #tpu.memory_space<hbm>>
      %dma_start3A_249 = tpu.memref_squeeze %dma_start3A_248 : memref<1x1x1x1024xf32, #tpu.memory_space<hbm>> -> memref<1024xf32, #tpu.memory_space<hbm>>
      tpu.enqueue_dma source(%arg11 : memref<1024xf32, #tpu.memory_space<vmem>>) target(%dma_start3A_249 : memref<1024xf32, #tpu.memory_space<hbm>>) target_semaphore(%arg20 : memref<!tpu.dma_semaphore, #tpu.memory_space<semaphore_mem>>)
      %dma_start3A_250 = arith.constant 9 : i32
      %dma_start3A_251 = arith.constant 0 : i32
      %dma_start3A_252 = tpu.memref_slice %arg2[%scan3A_72, %dma_start3A_250, %dma_start3A_251] : memref<26x20x1024xi32, #tpu.memory_space<hbm>> -> memref<1x1x1024xi32, #tpu.memory_space<hbm>>
      %dma_start3A_253 = tpu.memref_squeeze %dma_start3A_252 : memref<1x1x1024xi32, #tpu.memory_space<hbm>> -> memref<1024xi32, #tpu.memory_space<hbm>>
      %dma_start3A_254 = arith.constant 0 : i32
      %dma_start3A_255 = tpu.memref_slice %arg2[%scan3A_72, %dma_start3A_250, %dma_start3A_254] : memref<26x20x1024xi32, #tpu.memory_space<hbm>> -> memref<1x1x1024xi32, #tpu.memory_space<hbm>>
      %dma_start3A_256 = tpu.memref_squeeze %dma_start3A_255 : memref<1x1x1024xi32, #tpu.memory_space<hbm>> -> memref<1024xi32, #tpu.memory_space<hbm>>
      tpu.enqueue_dma source(%dma_start3A_256 : memref<1024xi32, #tpu.memory_space<hbm>>) target(%arg7 : memref<1024xi32, #tpu.memory_space<vmem>>) target_semaphore(%arg16 : memref<!tpu.dma_semaphore, #tpu.memory_space<semaphore_mem>>)
      %dma_wait3A_257 = arith.constant 0 : i32
      %dma_wait3A_258 = arith.constant 0 : i32
      %dma_wait3A_259 = arith.constant 0 : i32
      %dma_wait3A_260 = tpu.memref_slice %arg2[%dma_wait3A_257, %dma_wait3A_258, %dma_wait3A_259] : memref<26x20x1024xi32, #tpu.memory_space<hbm>> -> memref<1x1x1024xi32, #tpu.memory_space<hbm>>
      %dma_wait3A_261 = tpu.memref_squeeze %dma_wait3A_260 : memref<1x1x1024xi32, #tpu.memory_space<hbm>> -> memref<1024xi32, #tpu.memory_space<hbm>>
      %dma_wait3A_262 = arith.constant 0 : i32
      %dma_wait3A_263 = tpu.memref_slice %arg2[%dma_wait3A_257, %dma_wait3A_258, %dma_wait3A_262] : memref<26x20x1024xi32, #tpu.memory_space<hbm>> -> memref<1x1x1024xi32, #tpu.memory_space<hbm>>
      %dma_wait3A_264 = tpu.memref_squeeze %dma_wait3A_263 : memref<1x1x1024xi32, #tpu.memory_space<hbm>> -> memref<1024xi32, #tpu.memory_space<hbm>>
      tpu.wait_dma2 semaphore(%arg17 : memref<!tpu.dma_semaphore, #tpu.memory_space<semaphore_mem>>) src(%dma_wait3A_264 : memref<1024xi32, #tpu.memory_space<hbm>>) dst(%arg8 : memref<1024xi32, #tpu.memory_space<vmem>>)
      %dma_wait3A_265 = arith.constant 0 : i32
      %dma_wait3A_266 = arith.constant 0 : i32
      %dma_wait3A_267 = arith.constant 0 : i32
      %dma_wait3A_268 = arith.constant 0 : i32
      %dma_wait3A_269 = tpu.memref_slice %arg4[%dma_wait3A_265, %dma_wait3A_266, %dma_wait3A_267, %dma_wait3A_268] : memref<20x26x32x1024xf32, #tpu.memory_space<hbm>> -> memref<1x1x1x1024xf32, #tpu.memory_space<hbm>>
      %dma_wait3A_270 = tpu.memref_squeeze %dma_wait3A_269 : memref<1x1x1x1024xf32, #tpu.memory_space<hbm>> -> memref<1024xf32, #tpu.memory_space<hbm>>
      %dma_wait3A_271 = arith.constant 0 : i32
      %dma_wait3A_272 = tpu.memref_slice %arg4[%dma_wait3A_265, %dma_wait3A_266, %dma_wait3A_267, %dma_wait3A_271] : memref<20x26x32x1024xf32, #tpu.memory_space<hbm>> -> memref<1x1x1x1024xf32, #tpu.memory_space<hbm>>
      %dma_wait3A_273 = tpu.memref_squeeze %dma_wait3A_272 : memref<1x1x1x1024xf32, #tpu.memory_space<hbm>> -> memref<1024xf32, #tpu.memory_space<hbm>>
      tpu.wait_dma2 semaphore(%arg21 : memref<!tpu.dma_semaphore, #tpu.memory_space<semaphore_mem>>) src(%dma_wait3A_273 : memref<1024xf32, #tpu.memory_space<hbm>>) dst(%arg12 : memref<1024xf32, #tpu.memory_space<vmem>>)
      %parallel_loop3A_274 = arith.constant 0 : i32
      %parallel_loop3A_275 = arith.constant 64 : i32
      %parallel_loop3A_276 = arith.constant 1 : i32
      scf.for %parallel_loop3A_732 = %parallel_loop3A_274 to %parallel_loop3A_275 step %parallel_loop3A_276  : i32 {
        %parallel_loop3A_733 = arith.constant 16 : i32
        %parallel_loop3A_734 = arith.muli %parallel_loop3A_732, %parallel_loop3A_733 : i32
        %parallel_loop3A_735 = arith.index_cast %parallel_loop3A_734 : i32 to index
        %parallel_loop3A_736 = tpu.vector_load %arg8[%parallel_loop3A_735] {strides = array<i32>} : memref<1024xi32, #tpu.memory_space<vmem>>, vector<16xi32>,
        %parallel_loop3A_737 = tpu.vector_load_idx %arg5[%parallel_loop3A_736] : memref<100000xf32, #tpu.memory_space<vmem>>[vector<16xi32>], vector<16xf32>,
        %parallel_loop3A_738 = arith.constant 16 : i32
        %parallel_loop3A_739 = arith.muli %parallel_loop3A_732, %parallel_loop3A_738 : i32
        %parallel_loop3A_740 = arith.index_cast %parallel_loop3A_739 : i32 to index
        %parallel_loop3A_741 = tpu.vector_load %arg12[%parallel_loop3A_740] {strides = array<i32>} : memref<1024xf32, #tpu.memory_space<vmem>>, vector<16xf32>,
        tpu.vector_store %arg12[%parallel_loop3A_740], %parallel_loop3A_737 {strides = array<i32>} : memref<1024xf32, #tpu.memory_space<vmem>>, vector<16xf32>,
      } {sc.loop_unroll_factor = 8 : i64, sc.parallel_access}
      %dma_start3A_277 = arith.constant 6 : i32
      %dma_start3A_278 = arith.constant 0 : i32
      %dma_start3A_279 = tpu.memref_slice %arg4[%dma_start3A_277, %scan3A_72, %add3A, %dma_start3A_278] : memref<20x26x32x1024xf32, #tpu.memory_space<hbm>> -> memref<1x1x1x1024xf32, #tpu.memory_space<hbm>>
      %dma_start3A_280 = tpu.memref_squeeze %dma_start3A_279 : memref<1x1x1x1024xf32, #tpu.memory_space<hbm>> -> memref<1024xf32, #tpu.memory_space<hbm>>
      %dma_start3A_281 = arith.constant 0 : i32
      %dma_start3A_282 = tpu.memref_slice %arg4[%dma_start3A_277, %scan3A_72, %add3A, %dma_start3A_281] : memref<20x26x32x1024xf32, #tpu.memory_space<hbm>> -> memref<1x1x1x1024xf32, #tpu.memory_space<hbm>>
      %dma_start3A_283 = tpu.memref_squeeze %dma_start3A_282 : memref<1x1x1x1024xf32, #tpu.memory_space<hbm>> -> memref<1024xf32, #tpu.memory_space<hbm>>
      tpu.enqueue_dma source(%arg12 : memref<1024xf32, #tpu.memory_space<vmem>>) target(%dma_start3A_283 : memref<1024xf32, #tpu.memory_space<hbm>>) target_semaphore(%arg21 : memref<!tpu.dma_semaphore, #tpu.memory_space<semaphore_mem>>)
      %dma_start3A_284 = arith.constant 10 : i32
      %dma_start3A_285 = arith.constant 0 : i32
      %dma_start3A_286 = tpu.memref_slice %arg2[%scan3A_72, %dma_start3A_284, %dma_start3A_285] : memref<26x20x1024xi32, #tpu.memory_space<hbm>> -> memref<1x1x1024xi32, #tpu.memory_space<hbm>>
      %dma_start3A_287 = tpu.memref_squeeze %dma_start3A_286 : memref<1x1x1024xi32, #tpu.memory_space<hbm>> -> memref<1024xi32, #tpu.memory_space<hbm>>
      %dma_start3A_288 = arith.constant 0 : i32
      %dma_start3A_289 = tpu.memref_slice %arg2[%scan3A_72, %dma_start3A_284, %dma_start3A_288] : memref<26x20x1024xi32, #tpu.memory_space<hbm>> -> memref<1x1x1024xi32, #tpu.memory_space<hbm>>
      %dma_start3A_290 = tpu.memref_squeeze %dma_start3A_289 : memref<1x1x1024xi32, #tpu.memory_space<hbm>> -> memref<1024xi32, #tpu.memory_space<hbm>>
      tpu.enqueue_dma source(%dma_start3A_290 : memref<1024xi32, #tpu.memory_space<hbm>>) target(%arg8 : memref<1024xi32, #tpu.memory_space<vmem>>) target_semaphore(%arg17 : memref<!tpu.dma_semaphore, #tpu.memory_space<semaphore_mem>>)
      %dma_wait3A_291 = arith.constant 0 : i32
      %dma_wait3A_292 = arith.constant 0 : i32
      %dma_wait3A_293 = arith.constant 0 : i32
      %dma_wait3A_294 = tpu.memref_slice %arg2[%dma_wait3A_291, %dma_wait3A_292, %dma_wait3A_293] : memref<26x20x1024xi32, #tpu.memory_space<hbm>> -> memref<1x1x1024xi32, #tpu.memory_space<hbm>>
      %dma_wait3A_295 = tpu.memref_squeeze %dma_wait3A_294 : memref<1x1x1024xi32, #tpu.memory_space<hbm>> -> memref<1024xi32, #tpu.memory_space<hbm>>
      %dma_wait3A_296 = arith.constant 0 : i32
      %dma_wait3A_297 = tpu.memref_slice %arg2[%dma_wait3A_291, %dma_wait3A_292, %dma_wait3A_296] : memref<26x20x1024xi32, #tpu.memory_space<hbm>> -> memref<1x1x1024xi32, #tpu.memory_space<hbm>>
      %dma_wait3A_298 = tpu.memref_squeeze %dma_wait3A_297 : memref<1x1x1024xi32, #tpu.memory_space<hbm>> -> memref<1024xi32, #tpu.memory_space<hbm>>
      tpu.wait_dma2 semaphore(%arg18 : memref<!tpu.dma_semaphore, #tpu.memory_space<semaphore_mem>>) src(%dma_wait3A_298 : memref<1024xi32, #tpu.memory_space<hbm>>) dst(%arg9 : memref<1024xi32, #tpu.memory_space<vmem>>)
      %dma_wait3A_299 = arith.constant 0 : i32
      %dma_wait3A_300 = arith.constant 0 : i32
      %dma_wait3A_301 = arith.constant 0 : i32
      %dma_wait3A_302 = arith.constant 0 : i32
      %dma_wait3A_303 = tpu.memref_slice %arg4[%dma_wait3A_299, %dma_wait3A_300, %dma_wait3A_301, %dma_wait3A_302] : memref<20x26x32x1024xf32, #tpu.memory_space<hbm>> -> memref<1x1x1x1024xf32, #tpu.memory_space<hbm>>
      %dma_wait3A_304 = tpu.memref_squeeze %dma_wait3A_303 : memref<1x1x1x1024xf32, #tpu.memory_space<hbm>> -> memref<1024xf32, #tpu.memory_space<hbm>>
      %dma_wait3A_305 = arith.constant 0 : i32
      %dma_wait3A_306 = tpu.memref_slice %arg4[%dma_wait3A_299, %dma_wait3A_300, %dma_wait3A_301, %dma_wait3A_305] : memref<20x26x32x1024xf32, #tpu.memory_space<hbm>> -> memref<1x1x1x1024xf32, #tpu.memory_space<hbm>>
      %dma_wait3A_307 = tpu.memref_squeeze %dma_wait3A_306 : memref<1x1x1x1024xf32, #tpu.memory_space<hbm>> -> memref<1024xf32, #tpu.memory_space<hbm>>
      tpu.wait_dma2 semaphore(%arg22 : memref<!tpu.dma_semaphore, #tpu.memory_space<semaphore_mem>>) src(%dma_wait3A_307 : memref<1024xf32, #tpu.memory_space<hbm>>) dst(%arg13 : memref<1024xf32, #tpu.memory_space<vmem>>)
      %parallel_loop3A_308 = arith.constant 0 : i32
      %parallel_loop3A_309 = arith.constant 64 : i32
      %parallel_loop3A_310 = arith.constant 1 : i32
      scf.for %parallel_loop3A_732 = %parallel_loop3A_308 to %parallel_loop3A_309 step %parallel_loop3A_310  : i32 {
        %parallel_loop3A_733 = arith.constant 16 : i32
        %parallel_loop3A_734 = arith.muli %parallel_loop3A_732, %parallel_loop3A_733 : i32
        %parallel_loop3A_735 = arith.index_cast %parallel_loop3A_734 : i32 to index
        %parallel_loop3A_736 = tpu.vector_load %arg9[%parallel_loop3A_735] {strides = array<i32>} : memref<1024xi32, #tpu.memory_space<vmem>>, vector<16xi32>,
        %parallel_loop3A_737 = tpu.vector_load_idx %arg5[%parallel_loop3A_736] : memref<100000xf32, #tpu.memory_space<vmem>>[vector<16xi32>], vector<16xf32>,
        %parallel_loop3A_738 = arith.constant 16 : i32
        %parallel_loop3A_739 = arith.muli %parallel_loop3A_732, %parallel_loop3A_738 : i32
        %parallel_loop3A_740 = arith.index_cast %parallel_loop3A_739 : i32 to index
        %parallel_loop3A_741 = tpu.vector_load %arg13[%parallel_loop3A_740] {strides = array<i32>} : memref<1024xf32, #tpu.memory_space<vmem>>, vector<16xf32>,
        tpu.vector_store %arg13[%parallel_loop3A_740], %parallel_loop3A_737 {strides = array<i32>} : memref<1024xf32, #tpu.memory_space<vmem>>, vector<16xf32>,
      } {sc.loop_unroll_factor = 8 : i64, sc.parallel_access}
      %dma_start3A_311 = arith.constant 7 : i32
      %dma_start3A_312 = arith.constant 0 : i32
      %dma_start3A_313 = tpu.memref_slice %arg4[%dma_start3A_311, %scan3A_72, %add3A, %dma_start3A_312] : memref<20x26x32x1024xf32, #tpu.memory_space<hbm>> -> memref<1x1x1x1024xf32, #tpu.memory_space<hbm>>
      %dma_start3A_314 = tpu.memref_squeeze %dma_start3A_313 : memref<1x1x1x1024xf32, #tpu.memory_space<hbm>> -> memref<1024xf32, #tpu.memory_space<hbm>>
      %dma_start3A_315 = arith.constant 0 : i32
      %dma_start3A_316 = tpu.memref_slice %arg4[%dma_start3A_311, %scan3A_72, %add3A, %dma_start3A_315] : memref<20x26x32x1024xf32, #tpu.memory_space<hbm>> -> memref<1x1x1x1024xf32, #tpu.memory_space<hbm>>
      %dma_start3A_317 = tpu.memref_squeeze %dma_start3A_316 : memref<1x1x1x1024xf32, #tpu.memory_space<hbm>> -> memref<1024xf32, #tpu.memory_space<hbm>>
      tpu.enqueue_dma source(%arg13 : memref<1024xf32, #tpu.memory_space<vmem>>) target(%dma_start3A_317 : memref<1024xf32, #tpu.memory_space<hbm>>) target_semaphore(%arg22 : memref<!tpu.dma_semaphore, #tpu.memory_space<semaphore_mem>>)
      %dma_start3A_318 = arith.constant 11 : i32
      %dma_start3A_319 = arith.constant 0 : i32
      %dma_start3A_320 = tpu.memref_slice %arg2[%scan3A_72, %dma_start3A_318, %dma_start3A_319] : memref<26x20x1024xi32, #tpu.memory_space<hbm>> -> memref<1x1x1024xi32, #tpu.memory_space<hbm>>
      %dma_start3A_321 = tpu.memref_squeeze %dma_start3A_320 : memref<1x1x1024xi32, #tpu.memory_space<hbm>> -> memref<1024xi32, #tpu.memory_space<hbm>>
      %dma_start3A_322 = arith.constant 0 : i32
      %dma_start3A_323 = tpu.memref_slice %arg2[%scan3A_72, %dma_start3A_318, %dma_start3A_322] : memref<26x20x1024xi32, #tpu.memory_space<hbm>> -> memref<1x1x1024xi32, #tpu.memory_space<hbm>>
      %dma_start3A_324 = tpu.memref_squeeze %dma_start3A_323 : memref<1x1x1024xi32, #tpu.memory_space<hbm>> -> memref<1024xi32, #tpu.memory_space<hbm>>
      tpu.enqueue_dma source(%dma_start3A_324 : memref<1024xi32, #tpu.memory_space<hbm>>) target(%arg9 : memref<1024xi32, #tpu.memory_space<vmem>>) target_semaphore(%arg18 : memref<!tpu.dma_semaphore, #tpu.memory_space<semaphore_mem>>)
      %dma_wait3A_325 = arith.constant 0 : i32
      %dma_wait3A_326 = arith.constant 0 : i32
      %dma_wait3A_327 = arith.constant 0 : i32
      %dma_wait3A_328 = tpu.memref_slice %arg2[%dma_wait3A_325, %dma_wait3A_326, %dma_wait3A_327] : memref<26x20x1024xi32, #tpu.memory_space<hbm>> -> memref<1x1x1024xi32, #tpu.memory_space<hbm>>
      %dma_wait3A_329 = tpu.memref_squeeze %dma_wait3A_328 : memref<1x1x1024xi32, #tpu.memory_space<hbm>> -> memref<1024xi32, #tpu.memory_space<hbm>>
      %dma_wait3A_330 = arith.constant 0 : i32
      %dma_wait3A_331 = tpu.memref_slice %arg2[%dma_wait3A_325, %dma_wait3A_326, %dma_wait3A_330] : memref<26x20x1024xi32, #tpu.memory_space<hbm>> -> memref<1x1x1024xi32, #tpu.memory_space<hbm>>
      %dma_wait3A_332 = tpu.memref_squeeze %dma_wait3A_331 : memref<1x1x1024xi32, #tpu.memory_space<hbm>> -> memref<1024xi32, #tpu.memory_space<hbm>>
      tpu.wait_dma2 semaphore(%arg15 : memref<!tpu.dma_semaphore, #tpu.memory_space<semaphore_mem>>) src(%dma_wait3A_332 : memref<1024xi32, #tpu.memory_space<hbm>>) dst(%arg6 : memref<1024xi32, #tpu.memory_space<vmem>>)
      %dma_wait3A_333 = arith.constant 0 : i32
      %dma_wait3A_334 = arith.constant 0 : i32
      %dma_wait3A_335 = arith.constant 0 : i32
      %dma_wait3A_336 = arith.constant 0 : i32
      %dma_wait3A_337 = tpu.memref_slice %arg4[%dma_wait3A_333, %dma_wait3A_334, %dma_wait3A_335, %dma_wait3A_336] : memref<20x26x32x1024xf32, #tpu.memory_space<hbm>> -> memref<1x1x1x1024xf32, #tpu.memory_space<hbm>>
      %dma_wait3A_338 = tpu.memref_squeeze %dma_wait3A_337 : memref<1x1x1x1024xf32, #tpu.memory_space<hbm>> -> memref<1024xf32, #tpu.memory_space<hbm>>
      %dma_wait3A_339 = arith.constant 0 : i32
      %dma_wait3A_340 = tpu.memref_slice %arg4[%dma_wait3A_333, %dma_wait3A_334, %dma_wait3A_335, %dma_wait3A_339] : memref<20x26x32x1024xf32, #tpu.memory_space<hbm>> -> memref<1x1x1x1024xf32, #tpu.memory_space<hbm>>
      %dma_wait3A_341 = tpu.memref_squeeze %dma_wait3A_340 : memref<1x1x1x1024xf32, #tpu.memory_space<hbm>> -> memref<1024xf32, #tpu.memory_space<hbm>>
      tpu.wait_dma2 semaphore(%arg19 : memref<!tpu.dma_semaphore, #tpu.memory_space<semaphore_mem>>) src(%dma_wait3A_341 : memref<1024xf32, #tpu.memory_space<hbm>>) dst(%arg10 : memref<1024xf32, #tpu.memory_space<vmem>>)
      %parallel_loop3A_342 = arith.constant 0 : i32
      %parallel_loop3A_343 = arith.constant 64 : i32
      %parallel_loop3A_344 = arith.constant 1 : i32
      scf.for %parallel_loop3A_732 = %parallel_loop3A_342 to %parallel_loop3A_343 step %parallel_loop3A_344  : i32 {
        %parallel_loop3A_733 = arith.constant 16 : i32
        %parallel_loop3A_734 = arith.muli %parallel_loop3A_732, %parallel_loop3A_733 : i32
        %parallel_loop3A_735 = arith.index_cast %parallel_loop3A_734 : i32 to index
        %parallel_loop3A_736 = tpu.vector_load %arg6[%parallel_loop3A_735] {strides = array<i32>} : memref<1024xi32, #tpu.memory_space<vmem>>, vector<16xi32>,
        %parallel_loop3A_737 = tpu.vector_load_idx %arg5[%parallel_loop3A_736] : memref<100000xf32, #tpu.memory_space<vmem>>[vector<16xi32>], vector<16xf32>,
        %parallel_loop3A_738 = arith.constant 16 : i32
        %parallel_loop3A_739 = arith.muli %parallel_loop3A_732, %parallel_loop3A_738 : i32
        %parallel_loop3A_740 = arith.index_cast %parallel_loop3A_739 : i32 to index
        %parallel_loop3A_741 = tpu.vector_load %arg10[%parallel_loop3A_740] {strides = array<i32>} : memref<1024xf32, #tpu.memory_space<vmem>>, vector<16xf32>,
        tpu.vector_store %arg10[%parallel_loop3A_740], %parallel_loop3A_737 {strides = array<i32>} : memref<1024xf32, #tpu.memory_space<vmem>>, vector<16xf32>,
      } {sc.loop_unroll_factor = 8 : i64, sc.parallel_access}
      %dma_start3A_345 = arith.constant 8 : i32
      %dma_start3A_346 = arith.constant 0 : i32
      %dma_start3A_347 = tpu.memref_slice %arg4[%dma_start3A_345, %scan3A_72, %add3A, %dma_start3A_346] : memref<20x26x32x1024xf32, #tpu.memory_space<hbm>> -> memref<1x1x1x1024xf32, #tpu.memory_space<hbm>>
      %dma_start3A_348 = tpu.memref_squeeze %dma_start3A_347 : memref<1x1x1x1024xf32, #tpu.memory_space<hbm>> -> memref<1024xf32, #tpu.memory_space<hbm>>
      %dma_start3A_349 = arith.constant 0 : i32
      %dma_start3A_350 = tpu.memref_slice %arg4[%dma_start3A_345, %scan3A_72, %add3A, %dma_start3A_349] : memref<20x26x32x1024xf32, #tpu.memory_space<hbm>> -> memref<1x1x1x1024xf32, #tpu.memory_space<hbm>>
      %dma_start3A_351 = tpu.memref_squeeze %dma_start3A_350 : memref<1x1x1x1024xf32, #tpu.memory_space<hbm>> -> memref<1024xf32, #tpu.memory_space<hbm>>
      tpu.enqueue_dma source(%arg10 : memref<1024xf32, #tpu.memory_space<vmem>>) target(%dma_start3A_351 : memref<1024xf32, #tpu.memory_space<hbm>>) target_semaphore(%arg19 : memref<!tpu.dma_semaphore, #tpu.memory_space<semaphore_mem>>)
      %dma_start3A_352 = arith.constant 12 : i32
      %dma_start3A_353 = arith.constant 0 : i32
      %dma_start3A_354 = tpu.memref_slice %arg2[%scan3A_72, %dma_start3A_352, %dma_start3A_353] : memref<26x20x1024xi32, #tpu.memory_space<hbm>> -> memref<1x1x1024xi32, #tpu.memory_space<hbm>>
      %dma_start3A_355 = tpu.memref_squeeze %dma_start3A_354 : memref<1x1x1024xi32, #tpu.memory_space<hbm>> -> memref<1024xi32, #tpu.memory_space<hbm>>
      %dma_start3A_356 = arith.constant 0 : i32
      %dma_start3A_357 = tpu.memref_slice %arg2[%scan3A_72, %dma_start3A_352, %dma_start3A_356] : memref<26x20x1024xi32, #tpu.memory_space<hbm>> -> memref<1x1x1024xi32, #tpu.memory_space<hbm>>
      %dma_start3A_358 = tpu.memref_squeeze %dma_start3A_357 : memref<1x1x1024xi32, #tpu.memory_space<hbm>> -> memref<1024xi32, #tpu.memory_space<hbm>>
      tpu.enqueue_dma source(%dma_start3A_358 : memref<1024xi32, #tpu.memory_space<hbm>>) target(%arg6 : memref<1024xi32, #tpu.memory_space<vmem>>) target_semaphore(%arg15 : memref<!tpu.dma_semaphore, #tpu.memory_space<semaphore_mem>>)
      %dma_wait3A_359 = arith.constant 0 : i32
      %dma_wait3A_360 = arith.constant 0 : i32
      %dma_wait3A_361 = arith.constant 0 : i32
      %dma_wait3A_362 = tpu.memref_slice %arg2[%dma_wait3A_359, %dma_wait3A_360, %dma_wait3A_361] : memref<26x20x1024xi32, #tpu.memory_space<hbm>> -> memref<1x1x1024xi32, #tpu.memory_space<hbm>>
      %dma_wait3A_363 = tpu.memref_squeeze %dma_wait3A_362 : memref<1x1x1024xi32, #tpu.memory_space<hbm>> -> memref<1024xi32, #tpu.memory_space<hbm>>
      %dma_wait3A_364 = arith.constant 0 : i32
      %dma_wait3A_365 = tpu.memref_slice %arg2[%dma_wait3A_359, %dma_wait3A_360, %dma_wait3A_364] : memref<26x20x1024xi32, #tpu.memory_space<hbm>> -> memref<1x1x1024xi32, #tpu.memory_space<hbm>>
      %dma_wait3A_366 = tpu.memref_squeeze %dma_wait3A_365 : memref<1x1x1024xi32, #tpu.memory_space<hbm>> -> memref<1024xi32, #tpu.memory_space<hbm>>
      tpu.wait_dma2 semaphore(%arg16 : memref<!tpu.dma_semaphore, #tpu.memory_space<semaphore_mem>>) src(%dma_wait3A_366 : memref<1024xi32, #tpu.memory_space<hbm>>) dst(%arg7 : memref<1024xi32, #tpu.memory_space<vmem>>)
      %dma_wait3A_367 = arith.constant 0 : i32
      %dma_wait3A_368 = arith.constant 0 : i32
      %dma_wait3A_369 = arith.constant 0 : i32
      %dma_wait3A_370 = arith.constant 0 : i32
      %dma_wait3A_371 = tpu.memref_slice %arg4[%dma_wait3A_367, %dma_wait3A_368, %dma_wait3A_369, %dma_wait3A_370] : memref<20x26x32x1024xf32, #tpu.memory_space<hbm>> -> memref<1x1x1x1024xf32, #tpu.memory_space<hbm>>
      %dma_wait3A_372 = tpu.memref_squeeze %dma_wait3A_371 : memref<1x1x1x1024xf32, #tpu.memory_space<hbm>> -> memref<1024xf32, #tpu.memory_space<hbm>>
      %dma_wait3A_373 = arith.constant 0 : i32
      %dma_wait3A_374 = tpu.memref_slice %arg4[%dma_wait3A_367, %dma_wait3A_368, %dma_wait3A_369, %dma_wait3A_373] : memref<20x26x32x1024xf32, #tpu.memory_space<hbm>> -> memref<1x1x1x1024xf32, #tpu.memory_space<hbm>>
      %dma_wait3A_375 = tpu.memref_squeeze %dma_wait3A_374 : memref<1x1x1x1024xf32, #tpu.memory_space<hbm>> -> memref<1024xf32, #tpu.memory_space<hbm>>
      tpu.wait_dma2 semaphore(%arg20 : memref<!tpu.dma_semaphore, #tpu.memory_space<semaphore_mem>>) src(%dma_wait3A_375 : memref<1024xf32, #tpu.memory_space<hbm>>) dst(%arg11 : memref<1024xf32, #tpu.memory_space<vmem>>)
      %parallel_loop3A_376 = arith.constant 0 : i32
      %parallel_loop3A_377 = arith.constant 64 : i32
      %parallel_loop3A_378 = arith.constant 1 : i32
      scf.for %parallel_loop3A_732 = %parallel_loop3A_376 to %parallel_loop3A_377 step %parallel_loop3A_378  : i32 {
        %parallel_loop3A_733 = arith.constant 16 : i32
        %parallel_loop3A_734 = arith.muli %parallel_loop3A_732, %parallel_loop3A_733 : i32
        %parallel_loop3A_735 = arith.index_cast %parallel_loop3A_734 : i32 to index
        %parallel_loop3A_736 = tpu.vector_load %arg7[%parallel_loop3A_735] {strides = array<i32>} : memref<1024xi32, #tpu.memory_space<vmem>>, vector<16xi32>,
        %parallel_loop3A_737 = tpu.vector_load_idx %arg5[%parallel_loop3A_736] : memref<100000xf32, #tpu.memory_space<vmem>>[vector<16xi32>], vector<16xf32>,
        %parallel_loop3A_738 = arith.constant 16 : i32
        %parallel_loop3A_739 = arith.muli %parallel_loop3A_732, %parallel_loop3A_738 : i32
        %parallel_loop3A_740 = arith.index_cast %parallel_loop3A_739 : i32 to index
        %parallel_loop3A_741 = tpu.vector_load %arg11[%parallel_loop3A_740] {strides = array<i32>} : memref<1024xf32, #tpu.memory_space<vmem>>, vector<16xf32>,
        tpu.vector_store %arg11[%parallel_loop3A_740], %parallel_loop3A_737 {strides = array<i32>} : memref<1024xf32, #tpu.memory_space<vmem>>, vector<16xf32>,
      } {sc.loop_unroll_factor = 8 : i64, sc.parallel_access}
      %dma_start3A_379 = arith.constant 9 : i32
      %dma_start3A_380 = arith.constant 0 : i32
      %dma_start3A_381 = tpu.memref_slice %arg4[%dma_start3A_379, %scan3A_72, %add3A, %dma_start3A_380] : memref<20x26x32x1024xf32, #tpu.memory_space<hbm>> -> memref<1x1x1x1024xf32, #tpu.memory_space<hbm>>
      %dma_start3A_382 = tpu.memref_squeeze %dma_start3A_381 : memref<1x1x1x1024xf32, #tpu.memory_space<hbm>> -> memref<1024xf32, #tpu.memory_space<hbm>>
      %dma_start3A_383 = arith.constant 0 : i32
      %dma_start3A_384 = tpu.memref_slice %arg4[%dma_start3A_379, %scan3A_72, %add3A, %dma_start3A_383] : memref<20x26x32x1024xf32, #tpu.memory_space<hbm>> -> memref<1x1x1x1024xf32, #tpu.memory_space<hbm>>
      %dma_start3A_385 = tpu.memref_squeeze %dma_start3A_384 : memref<1x1x1x1024xf32, #tpu.memory_space<hbm>> -> memref<1024xf32, #tpu.memory_space<hbm>>
      tpu.enqueue_dma source(%arg11 : memref<1024xf32, #tpu.memory_space<vmem>>) target(%dma_start3A_385 : memref<1024xf32, #tpu.memory_space<hbm>>) target_semaphore(%arg20 : memref<!tpu.dma_semaphore, #tpu.memory_space<semaphore_mem>>)
      %dma_start3A_386 = arith.constant 13 : i32
      %dma_start3A_387 = arith.constant 0 : i32
      %dma_start3A_388 = tpu.memref_slice %arg2[%scan3A_72, %dma_start3A_386, %dma_start3A_387] : memref<26x20x1024xi32, #tpu.memory_space<hbm>> -> memref<1x1x1024xi32, #tpu.memory_space<hbm>>
      %dma_start3A_389 = tpu.memref_squeeze %dma_start3A_388 : memref<1x1x1024xi32, #tpu.memory_space<hbm>> -> memref<1024xi32, #tpu.memory_space<hbm>>
      %dma_start3A_390 = arith.constant 0 : i32
      %dma_start3A_391 = tpu.memref_slice %arg2[%scan3A_72, %dma_start3A_386, %dma_start3A_390] : memref<26x20x1024xi32, #tpu.memory_space<hbm>> -> memref<1x1x1024xi32, #tpu.memory_space<hbm>>
      %dma_start3A_392 = tpu.memref_squeeze %dma_start3A_391 : memref<1x1x1024xi32, #tpu.memory_space<hbm>> -> memref<1024xi32, #tpu.memory_space<hbm>>
      tpu.enqueue_dma source(%dma_start3A_392 : memref<1024xi32, #tpu.memory_space<hbm>>) target(%arg7 : memref<1024xi32, #tpu.memory_space<vmem>>) target_semaphore(%arg16 : memref<!tpu.dma_semaphore, #tpu.memory_space<semaphore_mem>>)
      %dma_wait3A_393 = arith.constant 0 : i32
      %dma_wait3A_394 = arith.constant 0 : i32
      %dma_wait3A_395 = arith.constant 0 : i32
      %dma_wait3A_396 = tpu.memref_slice %arg2[%dma_wait3A_393, %dma_wait3A_394, %dma_wait3A_395] : memref<26x20x1024xi32, #tpu.memory_space<hbm>> -> memref<1x1x1024xi32, #tpu.memory_space<hbm>>
      %dma_wait3A_397 = tpu.memref_squeeze %dma_wait3A_396 : memref<1x1x1024xi32, #tpu.memory_space<hbm>> -> memref<1024xi32, #tpu.memory_space<hbm>>
      %dma_wait3A_398 = arith.constant 0 : i32
      %dma_wait3A_399 = tpu.memref_slice %arg2[%dma_wait3A_393, %dma_wait3A_394, %dma_wait3A_398] : memref<26x20x1024xi32, #tpu.memory_space<hbm>> -> memref<1x1x1024xi32, #tpu.memory_space<hbm>>
      %dma_wait3A_400 = tpu.memref_squeeze %dma_wait3A_399 : memref<1x1x1024xi32, #tpu.memory_space<hbm>> -> memref<1024xi32, #tpu.memory_space<hbm>>
      tpu.wait_dma2 semaphore(%arg17 : memref<!tpu.dma_semaphore, #tpu.memory_space<semaphore_mem>>) src(%dma_wait3A_400 : memref<1024xi32, #tpu.memory_space<hbm>>) dst(%arg8 : memref<1024xi32, #tpu.memory_space<vmem>>)
      %dma_wait3A_401 = arith.constant 0 : i32
      %dma_wait3A_402 = arith.constant 0 : i32
      %dma_wait3A_403 = arith.constant 0 : i32
      %dma_wait3A_404 = arith.constant 0 : i32
      %dma_wait3A_405 = tpu.memref_slice %arg4[%dma_wait3A_401, %dma_wait3A_402, %dma_wait3A_403, %dma_wait3A_404] : memref<20x26x32x1024xf32, #tpu.memory_space<hbm>> -> memref<1x1x1x1024xf32, #tpu.memory_space<hbm>>
      %dma_wait3A_406 = tpu.memref_squeeze %dma_wait3A_405 : memref<1x1x1x1024xf32, #tpu.memory_space<hbm>> -> memref<1024xf32, #tpu.memory_space<hbm>>
      %dma_wait3A_407 = arith.constant 0 : i32
      %dma_wait3A_408 = tpu.memref_slice %arg4[%dma_wait3A_401, %dma_wait3A_402, %dma_wait3A_403, %dma_wait3A_407] : memref<20x26x32x1024xf32, #tpu.memory_space<hbm>> -> memref<1x1x1x1024xf32, #tpu.memory_space<hbm>>
      %dma_wait3A_409 = tpu.memref_squeeze %dma_wait3A_408 : memref<1x1x1x1024xf32, #tpu.memory_space<hbm>> -> memref<1024xf32, #tpu.memory_space<hbm>>
      tpu.wait_dma2 semaphore(%arg21 : memref<!tpu.dma_semaphore, #tpu.memory_space<semaphore_mem>>) src(%dma_wait3A_409 : memref<1024xf32, #tpu.memory_space<hbm>>) dst(%arg12 : memref<1024xf32, #tpu.memory_space<vmem>>)
      %parallel_loop3A_410 = arith.constant 0 : i32
      %parallel_loop3A_411 = arith.constant 64 : i32
      %parallel_loop3A_412 = arith.constant 1 : i32
      scf.for %parallel_loop3A_732 = %parallel_loop3A_410 to %parallel_loop3A_411 step %parallel_loop3A_412  : i32 {
        %parallel_loop3A_733 = arith.constant 16 : i32
        %parallel_loop3A_734 = arith.muli %parallel_loop3A_732, %parallel_loop3A_733 : i32
        %parallel_loop3A_735 = arith.index_cast %parallel_loop3A_734 : i32 to index
        %parallel_loop3A_736 = tpu.vector_load %arg8[%parallel_loop3A_735] {strides = array<i32>} : memref<1024xi32, #tpu.memory_space<vmem>>, vector<16xi32>,
        %parallel_loop3A_737 = tpu.vector_load_idx %arg5[%parallel_loop3A_736] : memref<100000xf32, #tpu.memory_space<vmem>>[vector<16xi32>], vector<16xf32>,
        %parallel_loop3A_738 = arith.constant 16 : i32
        %parallel_loop3A_739 = arith.muli %parallel_loop3A_732, %parallel_loop3A_738 : i32
        %parallel_loop3A_740 = arith.index_cast %parallel_loop3A_739 : i32 to index
        %parallel_loop3A_741 = tpu.vector_load %arg12[%parallel_loop3A_740] {strides = array<i32>} : memref<1024xf32, #tpu.memory_space<vmem>>, vector<16xf32>,
        tpu.vector_store %arg12[%parallel_loop3A_740], %parallel_loop3A_737 {strides = array<i32>} : memref<1024xf32, #tpu.memory_space<vmem>>, vector<16xf32>,
      } {sc.loop_unroll_factor = 8 : i64, sc.parallel_access}
      %dma_start3A_413 = arith.constant 10 : i32
      %dma_start3A_414 = arith.constant 0 : i32
      %dma_start3A_415 = tpu.memref_slice %arg4[%dma_start3A_413, %scan3A_72, %add3A, %dma_start3A_414] : memref<20x26x32x1024xf32, #tpu.memory_space<hbm>> -> memref<1x1x1x1024xf32, #tpu.memory_space<hbm>>
      %dma_start3A_416 = tpu.memref_squeeze %dma_start3A_415 : memref<1x1x1x1024xf32, #tpu.memory_space<hbm>> -> memref<1024xf32, #tpu.memory_space<hbm>>
      %dma_start3A_417 = arith.constant 0 : i32
      %dma_start3A_418 = tpu.memref_slice %arg4[%dma_start3A_413, %scan3A_72, %add3A, %dma_start3A_417] : memref<20x26x32x1024xf32, #tpu.memory_space<hbm>> -> memref<1x1x1x1024xf32, #tpu.memory_space<hbm>>
      %dma_start3A_419 = tpu.memref_squeeze %dma_start3A_418 : memref<1x1x1x1024xf32, #tpu.memory_space<hbm>> -> memref<1024xf32, #tpu.memory_space<hbm>>
      tpu.enqueue_dma source(%arg12 : memref<1024xf32, #tpu.memory_space<vmem>>) target(%dma_start3A_419 : memref<1024xf32, #tpu.memory_space<hbm>>) target_semaphore(%arg21 : memref<!tpu.dma_semaphore, #tpu.memory_space<semaphore_mem>>)
      %dma_start3A_420 = arith.constant 14 : i32
      %dma_start3A_421 = arith.constant 0 : i32
      %dma_start3A_422 = tpu.memref_slice %arg2[%scan3A_72, %dma_start3A_420, %dma_start3A_421] : memref<26x20x1024xi32, #tpu.memory_space<hbm>> -> memref<1x1x1024xi32, #tpu.memory_space<hbm>>
      %dma_start3A_423 = tpu.memref_squeeze %dma_start3A_422 : memref<1x1x1024xi32, #tpu.memory_space<hbm>> -> memref<1024xi32, #tpu.memory_space<hbm>>
      %dma_start3A_424 = arith.constant 0 : i32
      %dma_start3A_425 = tpu.memref_slice %arg2[%scan3A_72, %dma_start3A_420, %dma_start3A_424] : memref<26x20x1024xi32, #tpu.memory_space<hbm>> -> memref<1x1x1024xi32, #tpu.memory_space<hbm>>
      %dma_start3A_426 = tpu.memref_squeeze %dma_start3A_425 : memref<1x1x1024xi32, #tpu.memory_space<hbm>> -> memref<1024xi32, #tpu.memory_space<hbm>>
      tpu.enqueue_dma source(%dma_start3A_426 : memref<1024xi32, #tpu.memory_space<hbm>>) target(%arg8 : memref<1024xi32, #tpu.memory_space<vmem>>) target_semaphore(%arg17 : memref<!tpu.dma_semaphore, #tpu.memory_space<semaphore_mem>>)
      %dma_wait3A_427 = arith.constant 0 : i32
      %dma_wait3A_428 = arith.constant 0 : i32
      %dma_wait3A_429 = arith.constant 0 : i32
      %dma_wait3A_430 = tpu.memref_slice %arg2[%dma_wait3A_427, %dma_wait3A_428, %dma_wait3A_429] : memref<26x20x1024xi32, #tpu.memory_space<hbm>> -> memref<1x1x1024xi32, #tpu.memory_space<hbm>>
      %dma_wait3A_431 = tpu.memref_squeeze %dma_wait3A_430 : memref<1x1x1024xi32, #tpu.memory_space<hbm>> -> memref<1024xi32, #tpu.memory_space<hbm>>
      %dma_wait3A_432 = arith.constant 0 : i32
      %dma_wait3A_433 = tpu.memref_slice %arg2[%dma_wait3A_427, %dma_wait3A_428, %dma_wait3A_432] : memref<26x20x1024xi32, #tpu.memory_space<hbm>> -> memref<1x1x1024xi32, #tpu.memory_space<hbm>>
      %dma_wait3A_434 = tpu.memref_squeeze %dma_wait3A_433 : memref<1x1x1024xi32, #tpu.memory_space<hbm>> -> memref<1024xi32, #tpu.memory_space<hbm>>
      tpu.wait_dma2 semaphore(%arg18 : memref<!tpu.dma_semaphore, #tpu.memory_space<semaphore_mem>>) src(%dma_wait3A_434 : memref<1024xi32, #tpu.memory_space<hbm>>) dst(%arg9 : memref<1024xi32, #tpu.memory_space<vmem>>)
      %dma_wait3A_435 = arith.constant 0 : i32
      %dma_wait3A_436 = arith.constant 0 : i32
      %dma_wait3A_437 = arith.constant 0 : i32
      %dma_wait3A_438 = arith.constant 0 : i32
      %dma_wait3A_439 = tpu.memref_slice %arg4[%dma_wait3A_435, %dma_wait3A_436, %dma_wait3A_437, %dma_wait3A_438] : memref<20x26x32x1024xf32, #tpu.memory_space<hbm>> -> memref<1x1x1x1024xf32, #tpu.memory_space<hbm>>
      %dma_wait3A_440 = tpu.memref_squeeze %dma_wait3A_439 : memref<1x1x1x1024xf32, #tpu.memory_space<hbm>> -> memref<1024xf32, #tpu.memory_space<hbm>>
      %dma_wait3A_441 = arith.constant 0 : i32
      %dma_wait3A_442 = tpu.memref_slice %arg4[%dma_wait3A_435, %dma_wait3A_436, %dma_wait3A_437, %dma_wait3A_441] : memref<20x26x32x1024xf32, #tpu.memory_space<hbm>> -> memref<1x1x1x1024xf32, #tpu.memory_space<hbm>>
      %dma_wait3A_443 = tpu.memref_squeeze %dma_wait3A_442 : memref<1x1x1x1024xf32, #tpu.memory_space<hbm>> -> memref<1024xf32, #tpu.memory_space<hbm>>
      tpu.wait_dma2 semaphore(%arg22 : memref<!tpu.dma_semaphore, #tpu.memory_space<semaphore_mem>>) src(%dma_wait3A_443 : memref<1024xf32, #tpu.memory_space<hbm>>) dst(%arg13 : memref<1024xf32, #tpu.memory_space<vmem>>)
      %parallel_loop3A_444 = arith.constant 0 : i32
      %parallel_loop3A_445 = arith.constant 64 : i32
      %parallel_loop3A_446 = arith.constant 1 : i32
      scf.for %parallel_loop3A_732 = %parallel_loop3A_444 to %parallel_loop3A_445 step %parallel_loop3A_446  : i32 {
        %parallel_loop3A_733 = arith.constant 16 : i32
        %parallel_loop3A_734 = arith.muli %parallel_loop3A_732, %parallel_loop3A_733 : i32
        %parallel_loop3A_735 = arith.index_cast %parallel_loop3A_734 : i32 to index
        %parallel_loop3A_736 = tpu.vector_load %arg9[%parallel_loop3A_735] {strides = array<i32>} : memref<1024xi32, #tpu.memory_space<vmem>>, vector<16xi32>,
        %parallel_loop3A_737 = tpu.vector_load_idx %arg5[%parallel_loop3A_736] : memref<100000xf32, #tpu.memory_space<vmem>>[vector<16xi32>], vector<16xf32>,
        %parallel_loop3A_738 = arith.constant 16 : i32
        %parallel_loop3A_739 = arith.muli %parallel_loop3A_732, %parallel_loop3A_738 : i32
        %parallel_loop3A_740 = arith.index_cast %parallel_loop3A_739 : i32 to index
        %parallel_loop3A_741 = tpu.vector_load %arg13[%parallel_loop3A_740] {strides = array<i32>} : memref<1024xf32, #tpu.memory_space<vmem>>, vector<16xf32>,
        tpu.vector_store %arg13[%parallel_loop3A_740], %parallel_loop3A_737 {strides = array<i32>} : memref<1024xf32, #tpu.memory_space<vmem>>, vector<16xf32>,
      } {sc.loop_unroll_factor = 8 : i64, sc.parallel_access}
      %dma_start3A_447 = arith.constant 11 : i32
      %dma_start3A_448 = arith.constant 0 : i32
      %dma_start3A_449 = tpu.memref_slice %arg4[%dma_start3A_447, %scan3A_72, %add3A, %dma_start3A_448] : memref<20x26x32x1024xf32, #tpu.memory_space<hbm>> -> memref<1x1x1x1024xf32, #tpu.memory_space<hbm>>
      %dma_start3A_450 = tpu.memref_squeeze %dma_start3A_449 : memref<1x1x1x1024xf32, #tpu.memory_space<hbm>> -> memref<1024xf32, #tpu.memory_space<hbm>>
      %dma_start3A_451 = arith.constant 0 : i32
      %dma_start3A_452 = tpu.memref_slice %arg4[%dma_start3A_447, %scan3A_72, %add3A, %dma_start3A_451] : memref<20x26x32x1024xf32, #tpu.memory_space<hbm>> -> memref<1x1x1x1024xf32, #tpu.memory_space<hbm>>
      %dma_start3A_453 = tpu.memref_squeeze %dma_start3A_452 : memref<1x1x1x1024xf32, #tpu.memory_space<hbm>> -> memref<1024xf32, #tpu.memory_space<hbm>>
      tpu.enqueue_dma source(%arg13 : memref<1024xf32, #tpu.memory_space<vmem>>) target(%dma_start3A_453 : memref<1024xf32, #tpu.memory_space<hbm>>) target_semaphore(%arg22 : memref<!tpu.dma_semaphore, #tpu.memory_space<semaphore_mem>>)
      %dma_start3A_454 = arith.constant 15 : i32
      %dma_start3A_455 = arith.constant 0 : i32
      %dma_start3A_456 = tpu.memref_slice %arg2[%scan3A_72, %dma_start3A_454, %dma_start3A_455] : memref<26x20x1024xi32, #tpu.memory_space<hbm>> -> memref<1x1x1024xi32, #tpu.memory_space<hbm>>
      %dma_start3A_457 = tpu.memref_squeeze %dma_start3A_456 : memref<1x1x1024xi32, #tpu.memory_space<hbm>> -> memref<1024xi32, #tpu.memory_space<hbm>>
      %dma_start3A_458 = arith.constant 0 : i32
      %dma_start3A_459 = tpu.memref_slice %arg2[%scan3A_72, %dma_start3A_454, %dma_start3A_458] : memref<26x20x1024xi32, #tpu.memory_space<hbm>> -> memref<1x1x1024xi32, #tpu.memory_space<hbm>>
      %dma_start3A_460 = tpu.memref_squeeze %dma_start3A_459 : memref<1x1x1024xi32, #tpu.memory_space<hbm>> -> memref<1024xi32, #tpu.memory_space<hbm>>
      tpu.enqueue_dma source(%dma_start3A_460 : memref<1024xi32, #tpu.memory_space<hbm>>) target(%arg9 : memref<1024xi32, #tpu.memory_space<vmem>>) target_semaphore(%arg18 : memref<!tpu.dma_semaphore, #tpu.memory_space<semaphore_mem>>)
      %dma_wait3A_461 = arith.constant 0 : i32
      %dma_wait3A_462 = arith.constant 0 : i32
      %dma_wait3A_463 = arith.constant 0 : i32
      %dma_wait3A_464 = tpu.memref_slice %arg2[%dma_wait3A_461, %dma_wait3A_462, %dma_wait3A_463] : memref<26x20x1024xi32, #tpu.memory_space<hbm>> -> memref<1x1x1024xi32, #tpu.memory_space<hbm>>
      %dma_wait3A_465 = tpu.memref_squeeze %dma_wait3A_464 : memref<1x1x1024xi32, #tpu.memory_space<hbm>> -> memref<1024xi32, #tpu.memory_space<hbm>>
      %dma_wait3A_466 = arith.constant 0 : i32
      %dma_wait3A_467 = tpu.memref_slice %arg2[%dma_wait3A_461, %dma_wait3A_462, %dma_wait3A_466] : memref<26x20x1024xi32, #tpu.memory_space<hbm>> -> memref<1x1x1024xi32, #tpu.memory_space<hbm>>
      %dma_wait3A_468 = tpu.memref_squeeze %dma_wait3A_467 : memref<1x1x1024xi32, #tpu.memory_space<hbm>> -> memref<1024xi32, #tpu.memory_space<hbm>>
      tpu.wait_dma2 semaphore(%arg15 : memref<!tpu.dma_semaphore, #tpu.memory_space<semaphore_mem>>) src(%dma_wait3A_468 : memref<1024xi32, #tpu.memory_space<hbm>>) dst(%arg6 : memref<1024xi32, #tpu.memory_space<vmem>>)
      %dma_wait3A_469 = arith.constant 0 : i32
      %dma_wait3A_470 = arith.constant 0 : i32
      %dma_wait3A_471 = arith.constant 0 : i32
      %dma_wait3A_472 = arith.constant 0 : i32
      %dma_wait3A_473 = tpu.memref_slice %arg4[%dma_wait3A_469, %dma_wait3A_470, %dma_wait3A_471, %dma_wait3A_472] : memref<20x26x32x1024xf32, #tpu.memory_space<hbm>> -> memref<1x1x1x1024xf32, #tpu.memory_space<hbm>>
      %dma_wait3A_474 = tpu.memref_squeeze %dma_wait3A_473 : memref<1x1x1x1024xf32, #tpu.memory_space<hbm>> -> memref<1024xf32, #tpu.memory_space<hbm>>
      %dma_wait3A_475 = arith.constant 0 : i32
      %dma_wait3A_476 = tpu.memref_slice %arg4[%dma_wait3A_469, %dma_wait3A_470, %dma_wait3A_471, %dma_wait3A_475] : memref<20x26x32x1024xf32, #tpu.memory_space<hbm>> -> memref<1x1x1x1024xf32, #tpu.memory_space<hbm>>
      %dma_wait3A_477 = tpu.memref_squeeze %dma_wait3A_476 : memref<1x1x1x1024xf32, #tpu.memory_space<hbm>> -> memref<1024xf32, #tpu.memory_space<hbm>>
      tpu.wait_dma2 semaphore(%arg19 : memref<!tpu.dma_semaphore, #tpu.memory_space<semaphore_mem>>) src(%dma_wait3A_477 : memref<1024xf32, #tpu.memory_space<hbm>>) dst(%arg10 : memref<1024xf32, #tpu.memory_space<vmem>>)
      %parallel_loop3A_478 = arith.constant 0 : i32
      %parallel_loop3A_479 = arith.constant 64 : i32
      %parallel_loop3A_480 = arith.constant 1 : i32
      scf.for %parallel_loop3A_732 = %parallel_loop3A_478 to %parallel_loop3A_479 step %parallel_loop3A_480  : i32 {
        %parallel_loop3A_733 = arith.constant 16 : i32
        %parallel_loop3A_734 = arith.muli %parallel_loop3A_732, %parallel_loop3A_733 : i32
        %parallel_loop3A_735 = arith.index_cast %parallel_loop3A_734 : i32 to index
        %parallel_loop3A_736 = tpu.vector_load %arg6[%parallel_loop3A_735] {strides = array<i32>} : memref<1024xi32, #tpu.memory_space<vmem>>, vector<16xi32>,
        %parallel_loop3A_737 = tpu.vector_load_idx %arg5[%parallel_loop3A_736] : memref<100000xf32, #tpu.memory_space<vmem>>[vector<16xi32>], vector<16xf32>,
        %parallel_loop3A_738 = arith.constant 16 : i32
        %parallel_loop3A_739 = arith.muli %parallel_loop3A_732, %parallel_loop3A_738 : i32
        %parallel_loop3A_740 = arith.index_cast %parallel_loop3A_739 : i32 to index
        %parallel_loop3A_741 = tpu.vector_load %arg10[%parallel_loop3A_740] {strides = array<i32>} : memref<1024xf32, #tpu.memory_space<vmem>>, vector<16xf32>,
        tpu.vector_store %arg10[%parallel_loop3A_740], %parallel_loop3A_737 {strides = array<i32>} : memref<1024xf32, #tpu.memory_space<vmem>>, vector<16xf32>,
      } {sc.loop_unroll_factor = 8 : i64, sc.parallel_access}
      %dma_start3A_481 = arith.constant 12 : i32
      %dma_start3A_482 = arith.constant 0 : i32
      %dma_start3A_483 = tpu.memref_slice %arg4[%dma_start3A_481, %scan3A_72, %add3A, %dma_start3A_482] : memref<20x26x32x1024xf32, #tpu.memory_space<hbm>> -> memref<1x1x1x1024xf32, #tpu.memory_space<hbm>>
      %dma_start3A_484 = tpu.memref_squeeze %dma_start3A_483 : memref<1x1x1x1024xf32, #tpu.memory_space<hbm>> -> memref<1024xf32, #tpu.memory_space<hbm>>
      %dma_start3A_485 = arith.constant 0 : i32
      %dma_start3A_486 = tpu.memref_slice %arg4[%dma_start3A_481, %scan3A_72, %add3A, %dma_start3A_485] : memref<20x26x32x1024xf32, #tpu.memory_space<hbm>> -> memref<1x1x1x1024xf32, #tpu.memory_space<hbm>>
      %dma_start3A_487 = tpu.memref_squeeze %dma_start3A_486 : memref<1x1x1x1024xf32, #tpu.memory_space<hbm>> -> memref<1024xf32, #tpu.memory_space<hbm>>
      tpu.enqueue_dma source(%arg10 : memref<1024xf32, #tpu.memory_space<vmem>>) target(%dma_start3A_487 : memref<1024xf32, #tpu.memory_space<hbm>>) target_semaphore(%arg19 : memref<!tpu.dma_semaphore, #tpu.memory_space<semaphore_mem>>)
      %dma_start3A_488 = arith.constant 16 : i32
      %dma_start3A_489 = arith.constant 0 : i32
      %dma_start3A_490 = tpu.memref_slice %arg2[%scan3A_72, %dma_start3A_488, %dma_start3A_489] : memref<26x20x1024xi32, #tpu.memory_space<hbm>> -> memref<1x1x1024xi32, #tpu.memory_space<hbm>>
      %dma_start3A_491 = tpu.memref_squeeze %dma_start3A_490 : memref<1x1x1024xi32, #tpu.memory_space<hbm>> -> memref<1024xi32, #tpu.memory_space<hbm>>
      %dma_start3A_492 = arith.constant 0 : i32
      %dma_start3A_493 = tpu.memref_slice %arg2[%scan3A_72, %dma_start3A_488, %dma_start3A_492] : memref<26x20x1024xi32, #tpu.memory_space<hbm>> -> memref<1x1x1024xi32, #tpu.memory_space<hbm>>
      %dma_start3A_494 = tpu.memref_squeeze %dma_start3A_493 : memref<1x1x1024xi32, #tpu.memory_space<hbm>> -> memref<1024xi32, #tpu.memory_space<hbm>>
      tpu.enqueue_dma source(%dma_start3A_494 : memref<1024xi32, #tpu.memory_space<hbm>>) target(%arg6 : memref<1024xi32, #tpu.memory_space<vmem>>) target_semaphore(%arg15 : memref<!tpu.dma_semaphore, #tpu.memory_space<semaphore_mem>>)
      %dma_wait3A_495 = arith.constant 0 : i32
      %dma_wait3A_496 = arith.constant 0 : i32
      %dma_wait3A_497 = arith.constant 0 : i32
      %dma_wait3A_498 = tpu.memref_slice %arg2[%dma_wait3A_495, %dma_wait3A_496, %dma_wait3A_497] : memref<26x20x1024xi32, #tpu.memory_space<hbm>> -> memref<1x1x1024xi32, #tpu.memory_space<hbm>>
      %dma_wait3A_499 = tpu.memref_squeeze %dma_wait3A_498 : memref<1x1x1024xi32, #tpu.memory_space<hbm>> -> memref<1024xi32, #tpu.memory_space<hbm>>
      %dma_wait3A_500 = arith.constant 0 : i32
      %dma_wait3A_501 = tpu.memref_slice %arg2[%dma_wait3A_495, %dma_wait3A_496, %dma_wait3A_500] : memref<26x20x1024xi32, #tpu.memory_space<hbm>> -> memref<1x1x1024xi32, #tpu.memory_space<hbm>>
      %dma_wait3A_502 = tpu.memref_squeeze %dma_wait3A_501 : memref<1x1x1024xi32, #tpu.memory_space<hbm>> -> memref<1024xi32, #tpu.memory_space<hbm>>
      tpu.wait_dma2 semaphore(%arg16 : memref<!tpu.dma_semaphore, #tpu.memory_space<semaphore_mem>>) src(%dma_wait3A_502 : memref<1024xi32, #tpu.memory_space<hbm>>) dst(%arg7 : memref<1024xi32, #tpu.memory_space<vmem>>)
      %dma_wait3A_503 = arith.constant 0 : i32
      %dma_wait3A_504 = arith.constant 0 : i32
      %dma_wait3A_505 = arith.constant 0 : i32
      %dma_wait3A_506 = arith.constant 0 : i32
      %dma_wait3A_507 = tpu.memref_slice %arg4[%dma_wait3A_503, %dma_wait3A_504, %dma_wait3A_505, %dma_wait3A_506] : memref<20x26x32x1024xf32, #tpu.memory_space<hbm>> -> memref<1x1x1x1024xf32, #tpu.memory_space<hbm>>
      %dma_wait3A_508 = tpu.memref_squeeze %dma_wait3A_507 : memref<1x1x1x1024xf32, #tpu.memory_space<hbm>> -> memref<1024xf32, #tpu.memory_space<hbm>>
      %dma_wait3A_509 = arith.constant 0 : i32
      %dma_wait3A_510 = tpu.memref_slice %arg4[%dma_wait3A_503, %dma_wait3A_504, %dma_wait3A_505, %dma_wait3A_509] : memref<20x26x32x1024xf32, #tpu.memory_space<hbm>> -> memref<1x1x1x1024xf32, #tpu.memory_space<hbm>>
      %dma_wait3A_511 = tpu.memref_squeeze %dma_wait3A_510 : memref<1x1x1x1024xf32, #tpu.memory_space<hbm>> -> memref<1024xf32, #tpu.memory_space<hbm>>
      tpu.wait_dma2 semaphore(%arg20 : memref<!tpu.dma_semaphore, #tpu.memory_space<semaphore_mem>>) src(%dma_wait3A_511 : memref<1024xf32, #tpu.memory_space<hbm>>) dst(%arg11 : memref<1024xf32, #tpu.memory_space<vmem>>)
      %parallel_loop3A_512 = arith.constant 0 : i32
      %parallel_loop3A_513 = arith.constant 64 : i32
      %parallel_loop3A_514 = arith.constant 1 : i32
      scf.for %parallel_loop3A_732 = %parallel_loop3A_512 to %parallel_loop3A_513 step %parallel_loop3A_514  : i32 {
        %parallel_loop3A_733 = arith.constant 16 : i32
        %parallel_loop3A_734 = arith.muli %parallel_loop3A_732, %parallel_loop3A_733 : i32
        %parallel_loop3A_735 = arith.index_cast %parallel_loop3A_734 : i32 to index
        %parallel_loop3A_736 = tpu.vector_load %arg7[%parallel_loop3A_735] {strides = array<i32>} : memref<1024xi32, #tpu.memory_space<vmem>>, vector<16xi32>,
        %parallel_loop3A_737 = tpu.vector_load_idx %arg5[%parallel_loop3A_736] : memref<100000xf32, #tpu.memory_space<vmem>>[vector<16xi32>], vector<16xf32>,
        %parallel_loop3A_738 = arith.constant 16 : i32
        %parallel_loop3A_739 = arith.muli %parallel_loop3A_732, %parallel_loop3A_738 : i32
        %parallel_loop3A_740 = arith.index_cast %parallel_loop3A_739 : i32 to index
        %parallel_loop3A_741 = tpu.vector_load %arg11[%parallel_loop3A_740] {strides = array<i32>} : memref<1024xf32, #tpu.memory_space<vmem>>, vector<16xf32>,
        tpu.vector_store %arg11[%parallel_loop3A_740], %parallel_loop3A_737 {strides = array<i32>} : memref<1024xf32, #tpu.memory_space<vmem>>, vector<16xf32>,
      } {sc.loop_unroll_factor = 8 : i64, sc.parallel_access}
      %dma_start3A_515 = arith.constant 13 : i32
      %dma_start3A_516 = arith.constant 0 : i32
      %dma_start3A_517 = tpu.memref_slice %arg4[%dma_start3A_515, %scan3A_72, %add3A, %dma_start3A_516] : memref<20x26x32x1024xf32, #tpu.memory_space<hbm>> -> memref<1x1x1x1024xf32, #tpu.memory_space<hbm>>
      %dma_start3A_518 = tpu.memref_squeeze %dma_start3A_517 : memref<1x1x1x1024xf32, #tpu.memory_space<hbm>> -> memref<1024xf32, #tpu.memory_space<hbm>>
      %dma_start3A_519 = arith.constant 0 : i32
      %dma_start3A_520 = tpu.memref_slice %arg4[%dma_start3A_515, %scan3A_72, %add3A, %dma_start3A_519] : memref<20x26x32x1024xf32, #tpu.memory_space<hbm>> -> memref<1x1x1x1024xf32, #tpu.memory_space<hbm>>
      %dma_start3A_521 = tpu.memref_squeeze %dma_start3A_520 : memref<1x1x1x1024xf32, #tpu.memory_space<hbm>> -> memref<1024xf32, #tpu.memory_space<hbm>>
      tpu.enqueue_dma source(%arg11 : memref<1024xf32, #tpu.memory_space<vmem>>) target(%dma_start3A_521 : memref<1024xf32, #tpu.memory_space<hbm>>) target_semaphore(%arg20 : memref<!tpu.dma_semaphore, #tpu.memory_space<semaphore_mem>>)
      %dma_start3A_522 = arith.constant 17 : i32
      %dma_start3A_523 = arith.constant 0 : i32
      %dma_start3A_524 = tpu.memref_slice %arg2[%scan3A_72, %dma_start3A_522, %dma_start3A_523] : memref<26x20x1024xi32, #tpu.memory_space<hbm>> -> memref<1x1x1024xi32, #tpu.memory_space<hbm>>
      %dma_start3A_525 = tpu.memref_squeeze %dma_start3A_524 : memref<1x1x1024xi32, #tpu.memory_space<hbm>> -> memref<1024xi32, #tpu.memory_space<hbm>>
      %dma_start3A_526 = arith.constant 0 : i32
      %dma_start3A_527 = tpu.memref_slice %arg2[%scan3A_72, %dma_start3A_522, %dma_start3A_526] : memref<26x20x1024xi32, #tpu.memory_space<hbm>> -> memref<1x1x1024xi32, #tpu.memory_space<hbm>>
      %dma_start3A_528 = tpu.memref_squeeze %dma_start3A_527 : memref<1x1x1024xi32, #tpu.memory_space<hbm>> -> memref<1024xi32, #tpu.memory_space<hbm>>
      tpu.enqueue_dma source(%dma_start3A_528 : memref<1024xi32, #tpu.memory_space<hbm>>) target(%arg7 : memref<1024xi32, #tpu.memory_space<vmem>>) target_semaphore(%arg16 : memref<!tpu.dma_semaphore, #tpu.memory_space<semaphore_mem>>)
      %dma_wait3A_529 = arith.constant 0 : i32
      %dma_wait3A_530 = arith.constant 0 : i32
      %dma_wait3A_531 = arith.constant 0 : i32
      %dma_wait3A_532 = tpu.memref_slice %arg2[%dma_wait3A_529, %dma_wait3A_530, %dma_wait3A_531] : memref<26x20x1024xi32, #tpu.memory_space<hbm>> -> memref<1x1x1024xi32, #tpu.memory_space<hbm>>
      %dma_wait3A_533 = tpu.memref_squeeze %dma_wait3A_532 : memref<1x1x1024xi32, #tpu.memory_space<hbm>> -> memref<1024xi32, #tpu.memory_space<hbm>>
      %dma_wait3A_534 = arith.constant 0 : i32
      %dma_wait3A_535 = tpu.memref_slice %arg2[%dma_wait3A_529, %dma_wait3A_530, %dma_wait3A_534] : memref<26x20x1024xi32, #tpu.memory_space<hbm>> -> memref<1x1x1024xi32, #tpu.memory_space<hbm>>
      %dma_wait3A_536 = tpu.memref_squeeze %dma_wait3A_535 : memref<1x1x1024xi32, #tpu.memory_space<hbm>> -> memref<1024xi32, #tpu.memory_space<hbm>>
      tpu.wait_dma2 semaphore(%arg17 : memref<!tpu.dma_semaphore, #tpu.memory_space<semaphore_mem>>) src(%dma_wait3A_536 : memref<1024xi32, #tpu.memory_space<hbm>>) dst(%arg8 : memref<1024xi32, #tpu.memory_space<vmem>>)
      %dma_wait3A_537 = arith.constant 0 : i32
      %dma_wait3A_538 = arith.constant 0 : i32
      %dma_wait3A_539 = arith.constant 0 : i32
      %dma_wait3A_540 = arith.constant 0 : i32
      %dma_wait3A_541 = tpu.memref_slice %arg4[%dma_wait3A_537, %dma_wait3A_538, %dma_wait3A_539, %dma_wait3A_540] : memref<20x26x32x1024xf32, #tpu.memory_space<hbm>> -> memref<1x1x1x1024xf32, #tpu.memory_space<hbm>>
      %dma_wait3A_542 = tpu.memref_squeeze %dma_wait3A_541 : memref<1x1x1x1024xf32, #tpu.memory_space<hbm>> -> memref<1024xf32, #tpu.memory_space<hbm>>
      %dma_wait3A_543 = arith.constant 0 : i32
      %dma_wait3A_544 = tpu.memref_slice %arg4[%dma_wait3A_537, %dma_wait3A_538, %dma_wait3A_539, %dma_wait3A_543] : memref<20x26x32x1024xf32, #tpu.memory_space<hbm>> -> memref<1x1x1x1024xf32, #tpu.memory_space<hbm>>
      %dma_wait3A_545 = tpu.memref_squeeze %dma_wait3A_544 : memref<1x1x1x1024xf32, #tpu.memory_space<hbm>> -> memref<1024xf32, #tpu.memory_space<hbm>>
      tpu.wait_dma2 semaphore(%arg21 : memref<!tpu.dma_semaphore, #tpu.memory_space<semaphore_mem>>) src(%dma_wait3A_545 : memref<1024xf32, #tpu.memory_space<hbm>>) dst(%arg12 : memref<1024xf32, #tpu.memory_space<vmem>>)
      %parallel_loop3A_546 = arith.constant 0 : i32
      %parallel_loop3A_547 = arith.constant 64 : i32
      %parallel_loop3A_548 = arith.constant 1 : i32
      scf.for %parallel_loop3A_732 = %parallel_loop3A_546 to %parallel_loop3A_547 step %parallel_loop3A_548  : i32 {
        %parallel_loop3A_733 = arith.constant 16 : i32
        %parallel_loop3A_734 = arith.muli %parallel_loop3A_732, %parallel_loop3A_733 : i32
        %parallel_loop3A_735 = arith.index_cast %parallel_loop3A_734 : i32 to index
        %parallel_loop3A_736 = tpu.vector_load %arg8[%parallel_loop3A_735] {strides = array<i32>} : memref<1024xi32, #tpu.memory_space<vmem>>, vector<16xi32>,
        %parallel_loop3A_737 = tpu.vector_load_idx %arg5[%parallel_loop3A_736] : memref<100000xf32, #tpu.memory_space<vmem>>[vector<16xi32>], vector<16xf32>,
        %parallel_loop3A_738 = arith.constant 16 : i32
        %parallel_loop3A_739 = arith.muli %parallel_loop3A_732, %parallel_loop3A_738 : i32
        %parallel_loop3A_740 = arith.index_cast %parallel_loop3A_739 : i32 to index
        %parallel_loop3A_741 = tpu.vector_load %arg12[%parallel_loop3A_740] {strides = array<i32>} : memref<1024xf32, #tpu.memory_space<vmem>>, vector<16xf32>,
        tpu.vector_store %arg12[%parallel_loop3A_740], %parallel_loop3A_737 {strides = array<i32>} : memref<1024xf32, #tpu.memory_space<vmem>>, vector<16xf32>,
      } {sc.loop_unroll_factor = 8 : i64, sc.parallel_access}
      %dma_start3A_549 = arith.constant 14 : i32
      %dma_start3A_550 = arith.constant 0 : i32
      %dma_start3A_551 = tpu.memref_slice %arg4[%dma_start3A_549, %scan3A_72, %add3A, %dma_start3A_550] : memref<20x26x32x1024xf32, #tpu.memory_space<hbm>> -> memref<1x1x1x1024xf32, #tpu.memory_space<hbm>>
      %dma_start3A_552 = tpu.memref_squeeze %dma_start3A_551 : memref<1x1x1x1024xf32, #tpu.memory_space<hbm>> -> memref<1024xf32, #tpu.memory_space<hbm>>
      %dma_start3A_553 = arith.constant 0 : i32
      %dma_start3A_554 = tpu.memref_slice %arg4[%dma_start3A_549, %scan3A_72, %add3A, %dma_start3A_553] : memref<20x26x32x1024xf32, #tpu.memory_space<hbm>> -> memref<1x1x1x1024xf32, #tpu.memory_space<hbm>>
      %dma_start3A_555 = tpu.memref_squeeze %dma_start3A_554 : memref<1x1x1x1024xf32, #tpu.memory_space<hbm>> -> memref<1024xf32, #tpu.memory_space<hbm>>
      tpu.enqueue_dma source(%arg12 : memref<1024xf32, #tpu.memory_space<vmem>>) target(%dma_start3A_555 : memref<1024xf32, #tpu.memory_space<hbm>>) target_semaphore(%arg21 : memref<!tpu.dma_semaphore, #tpu.memory_space<semaphore_mem>>)
      %dma_start3A_556 = arith.constant 18 : i32
      %dma_start3A_557 = arith.constant 0 : i32
      %dma_start3A_558 = tpu.memref_slice %arg2[%scan3A_72, %dma_start3A_556, %dma_start3A_557] : memref<26x20x1024xi32, #tpu.memory_space<hbm>> -> memref<1x1x1024xi32, #tpu.memory_space<hbm>>
      %dma_start3A_559 = tpu.memref_squeeze %dma_start3A_558 : memref<1x1x1024xi32, #tpu.memory_space<hbm>> -> memref<1024xi32, #tpu.memory_space<hbm>>
      %dma_start3A_560 = arith.constant 0 : i32
      %dma_start3A_561 = tpu.memref_slice %arg2[%scan3A_72, %dma_start3A_556, %dma_start3A_560] : memref<26x20x1024xi32, #tpu.memory_space<hbm>> -> memref<1x1x1024xi32, #tpu.memory_space<hbm>>
      %dma_start3A_562 = tpu.memref_squeeze %dma_start3A_561 : memref<1x1x1024xi32, #tpu.memory_space<hbm>> -> memref<1024xi32, #tpu.memory_space<hbm>>
      tpu.enqueue_dma source(%dma_start3A_562 : memref<1024xi32, #tpu.memory_space<hbm>>) target(%arg8 : memref<1024xi32, #tpu.memory_space<vmem>>) target_semaphore(%arg17 : memref<!tpu.dma_semaphore, #tpu.memory_space<semaphore_mem>>)
      %dma_wait3A_563 = arith.constant 0 : i32
      %dma_wait3A_564 = arith.constant 0 : i32
      %dma_wait3A_565 = arith.constant 0 : i32
      %dma_wait3A_566 = tpu.memref_slice %arg2[%dma_wait3A_563, %dma_wait3A_564, %dma_wait3A_565] : memref<26x20x1024xi32, #tpu.memory_space<hbm>> -> memref<1x1x1024xi32, #tpu.memory_space<hbm>>
      %dma_wait3A_567 = tpu.memref_squeeze %dma_wait3A_566 : memref<1x1x1024xi32, #tpu.memory_space<hbm>> -> memref<1024xi32, #tpu.memory_space<hbm>>
      %dma_wait3A_568 = arith.constant 0 : i32
      %dma_wait3A_569 = tpu.memref_slice %arg2[%dma_wait3A_563, %dma_wait3A_564, %dma_wait3A_568] : memref<26x20x1024xi32, #tpu.memory_space<hbm>> -> memref<1x1x1024xi32, #tpu.memory_space<hbm>>
      %dma_wait3A_570 = tpu.memref_squeeze %dma_wait3A_569 : memref<1x1x1024xi32, #tpu.memory_space<hbm>> -> memref<1024xi32, #tpu.memory_space<hbm>>
      tpu.wait_dma2 semaphore(%arg18 : memref<!tpu.dma_semaphore, #tpu.memory_space<semaphore_mem>>) src(%dma_wait3A_570 : memref<1024xi32, #tpu.memory_space<hbm>>) dst(%arg9 : memref<1024xi32, #tpu.memory_space<vmem>>)
      %dma_wait3A_571 = arith.constant 0 : i32
      %dma_wait3A_572 = arith.constant 0 : i32
      %dma_wait3A_573 = arith.constant 0 : i32
      %dma_wait3A_574 = arith.constant 0 : i32
      %dma_wait3A_575 = tpu.memref_slice %arg4[%dma_wait3A_571, %dma_wait3A_572, %dma_wait3A_573, %dma_wait3A_574] : memref<20x26x32x1024xf32, #tpu.memory_space<hbm>> -> memref<1x1x1x1024xf32, #tpu.memory_space<hbm>>
      %dma_wait3A_576 = tpu.memref_squeeze %dma_wait3A_575 : memref<1x1x1x1024xf32, #tpu.memory_space<hbm>> -> memref<1024xf32, #tpu.memory_space<hbm>>
      %dma_wait3A_577 = arith.constant 0 : i32
      %dma_wait3A_578 = tpu.memref_slice %arg4[%dma_wait3A_571, %dma_wait3A_572, %dma_wait3A_573, %dma_wait3A_577] : memref<20x26x32x1024xf32, #tpu.memory_space<hbm>> -> memref<1x1x1x1024xf32, #tpu.memory_space<hbm>>
      %dma_wait3A_579 = tpu.memref_squeeze %dma_wait3A_578 : memref<1x1x1x1024xf32, #tpu.memory_space<hbm>> -> memref<1024xf32, #tpu.memory_space<hbm>>
      tpu.wait_dma2 semaphore(%arg22 : memref<!tpu.dma_semaphore, #tpu.memory_space<semaphore_mem>>) src(%dma_wait3A_579 : memref<1024xf32, #tpu.memory_space<hbm>>) dst(%arg13 : memref<1024xf32, #tpu.memory_space<vmem>>)
      %parallel_loop3A_580 = arith.constant 0 : i32
      %parallel_loop3A_581 = arith.constant 64 : i32
      %parallel_loop3A_582 = arith.constant 1 : i32
      scf.for %parallel_loop3A_732 = %parallel_loop3A_580 to %parallel_loop3A_581 step %parallel_loop3A_582  : i32 {
        %parallel_loop3A_733 = arith.constant 16 : i32
        %parallel_loop3A_734 = arith.muli %parallel_loop3A_732, %parallel_loop3A_733 : i32
        %parallel_loop3A_735 = arith.index_cast %parallel_loop3A_734 : i32 to index
        %parallel_loop3A_736 = tpu.vector_load %arg9[%parallel_loop3A_735] {strides = array<i32>} : memref<1024xi32, #tpu.memory_space<vmem>>, vector<16xi32>,
        %parallel_loop3A_737 = tpu.vector_load_idx %arg5[%parallel_loop3A_736] : memref<100000xf32, #tpu.memory_space<vmem>>[vector<16xi32>], vector<16xf32>,
        %parallel_loop3A_738 = arith.constant 16 : i32
        %parallel_loop3A_739 = arith.muli %parallel_loop3A_732, %parallel_loop3A_738 : i32
        %parallel_loop3A_740 = arith.index_cast %parallel_loop3A_739 : i32 to index
        %parallel_loop3A_741 = tpu.vector_load %arg13[%parallel_loop3A_740] {strides = array<i32>} : memref<1024xf32, #tpu.memory_space<vmem>>, vector<16xf32>,
        tpu.vector_store %arg13[%parallel_loop3A_740], %parallel_loop3A_737 {strides = array<i32>} : memref<1024xf32, #tpu.memory_space<vmem>>, vector<16xf32>,
      } {sc.loop_unroll_factor = 8 : i64, sc.parallel_access}
      %dma_start3A_583 = arith.constant 15 : i32
      %dma_start3A_584 = arith.constant 0 : i32
      %dma_start3A_585 = tpu.memref_slice %arg4[%dma_start3A_583, %scan3A_72, %add3A, %dma_start3A_584] : memref<20x26x32x1024xf32, #tpu.memory_space<hbm>> -> memref<1x1x1x1024xf32, #tpu.memory_space<hbm>>
      %dma_start3A_586 = tpu.memref_squeeze %dma_start3A_585 : memref<1x1x1x1024xf32, #tpu.memory_space<hbm>> -> memref<1024xf32, #tpu.memory_space<hbm>>
      %dma_start3A_587 = arith.constant 0 : i32
      %dma_start3A_588 = tpu.memref_slice %arg4[%dma_start3A_583, %scan3A_72, %add3A, %dma_start3A_587] : memref<20x26x32x1024xf32, #tpu.memory_space<hbm>> -> memref<1x1x1x1024xf32, #tpu.memory_space<hbm>>
      %dma_start3A_589 = tpu.memref_squeeze %dma_start3A_588 : memref<1x1x1x1024xf32, #tpu.memory_space<hbm>> -> memref<1024xf32, #tpu.memory_space<hbm>>
      tpu.enqueue_dma source(%arg13 : memref<1024xf32, #tpu.memory_space<vmem>>) target(%dma_start3A_589 : memref<1024xf32, #tpu.memory_space<hbm>>) target_semaphore(%arg22 : memref<!tpu.dma_semaphore, #tpu.memory_space<semaphore_mem>>)
      %dma_start3A_590 = arith.constant 19 : i32
      %dma_start3A_591 = arith.constant 0 : i32
      %dma_start3A_592 = tpu.memref_slice %arg2[%scan3A_72, %dma_start3A_590, %dma_start3A_591] : memref<26x20x1024xi32, #tpu.memory_space<hbm>> -> memref<1x1x1024xi32, #tpu.memory_space<hbm>>
      %dma_start3A_593 = tpu.memref_squeeze %dma_start3A_592 : memref<1x1x1024xi32, #tpu.memory_space<hbm>> -> memref<1024xi32, #tpu.memory_space<hbm>>
      %dma_start3A_594 = arith.constant 0 : i32
      %dma_start3A_595 = tpu.memref_slice %arg2[%scan3A_72, %dma_start3A_590, %dma_start3A_594] : memref<26x20x1024xi32, #tpu.memory_space<hbm>> -> memref<1x1x1024xi32, #tpu.memory_space<hbm>>
      %dma_start3A_596 = tpu.memref_squeeze %dma_start3A_595 : memref<1x1x1024xi32, #tpu.memory_space<hbm>> -> memref<1024xi32, #tpu.memory_space<hbm>>
      tpu.enqueue_dma source(%dma_start3A_596 : memref<1024xi32, #tpu.memory_space<hbm>>) target(%arg9 : memref<1024xi32, #tpu.memory_space<vmem>>) target_semaphore(%arg18 : memref<!tpu.dma_semaphore, #tpu.memory_space<semaphore_mem>>)
      %dma_wait3A_597 = arith.constant 0 : i32
      %dma_wait3A_598 = arith.constant 0 : i32
      %dma_wait3A_599 = arith.constant 0 : i32
      %dma_wait3A_600 = tpu.memref_slice %arg2[%dma_wait3A_597, %dma_wait3A_598, %dma_wait3A_599] : memref<26x20x1024xi32, #tpu.memory_space<hbm>> -> memref<1x1x1024xi32, #tpu.memory_space<hbm>>
      %dma_wait3A_601 = tpu.memref_squeeze %dma_wait3A_600 : memref<1x1x1024xi32, #tpu.memory_space<hbm>> -> memref<1024xi32, #tpu.memory_space<hbm>>
      %dma_wait3A_602 = arith.constant 0 : i32
      %dma_wait3A_603 = tpu.memref_slice %arg2[%dma_wait3A_597, %dma_wait3A_598, %dma_wait3A_602] : memref<26x20x1024xi32, #tpu.memory_space<hbm>> -> memref<1x1x1024xi32, #tpu.memory_space<hbm>>
      %dma_wait3A_604 = tpu.memref_squeeze %dma_wait3A_603 : memref<1x1x1024xi32, #tpu.memory_space<hbm>> -> memref<1024xi32, #tpu.memory_space<hbm>>
      tpu.wait_dma2 semaphore(%arg15 : memref<!tpu.dma_semaphore, #tpu.memory_space<semaphore_mem>>) src(%dma_wait3A_604 : memref<1024xi32, #tpu.memory_space<hbm>>) dst(%arg6 : memref<1024xi32, #tpu.memory_space<vmem>>)
      %dma_wait3A_605 = arith.constant 0 : i32
      %dma_wait3A_606 = arith.constant 0 : i32
      %dma_wait3A_607 = arith.constant 0 : i32
      %dma_wait3A_608 = arith.constant 0 : i32
      %dma_wait3A_609 = tpu.memref_slice %arg4[%dma_wait3A_605, %dma_wait3A_606, %dma_wait3A_607, %dma_wait3A_608] : memref<20x26x32x1024xf32, #tpu.memory_space<hbm>> -> memref<1x1x1x1024xf32, #tpu.memory_space<hbm>>
      %dma_wait3A_610 = tpu.memref_squeeze %dma_wait3A_609 : memref<1x1x1x1024xf32, #tpu.memory_space<hbm>> -> memref<1024xf32, #tpu.memory_space<hbm>>
      %dma_wait3A_611 = arith.constant 0 : i32
      %dma_wait3A_612 = tpu.memref_slice %arg4[%dma_wait3A_605, %dma_wait3A_606, %dma_wait3A_607, %dma_wait3A_611] : memref<20x26x32x1024xf32, #tpu.memory_space<hbm>> -> memref<1x1x1x1024xf32, #tpu.memory_space<hbm>>
      %dma_wait3A_613 = tpu.memref_squeeze %dma_wait3A_612 : memref<1x1x1x1024xf32, #tpu.memory_space<hbm>> -> memref<1024xf32, #tpu.memory_space<hbm>>
      tpu.wait_dma2 semaphore(%arg19 : memref<!tpu.dma_semaphore, #tpu.memory_space<semaphore_mem>>) src(%dma_wait3A_613 : memref<1024xf32, #tpu.memory_space<hbm>>) dst(%arg10 : memref<1024xf32, #tpu.memory_space<vmem>>)
      %parallel_loop3A_614 = arith.constant 0 : i32
      %parallel_loop3A_615 = arith.constant 64 : i32
      %parallel_loop3A_616 = arith.constant 1 : i32
      scf.for %parallel_loop3A_732 = %parallel_loop3A_614 to %parallel_loop3A_615 step %parallel_loop3A_616  : i32 {
        %parallel_loop3A_733 = arith.constant 16 : i32
        %parallel_loop3A_734 = arith.muli %parallel_loop3A_732, %parallel_loop3A_733 : i32
        %parallel_loop3A_735 = arith.index_cast %parallel_loop3A_734 : i32 to index
        %parallel_loop3A_736 = tpu.vector_load %arg6[%parallel_loop3A_735] {strides = array<i32>} : memref<1024xi32, #tpu.memory_space<vmem>>, vector<16xi32>,
        %parallel_loop3A_737 = tpu.vector_load_idx %arg5[%parallel_loop3A_736] : memref<100000xf32, #tpu.memory_space<vmem>>[vector<16xi32>], vector<16xf32>,
        %parallel_loop3A_738 = arith.constant 16 : i32
        %parallel_loop3A_739 = arith.muli %parallel_loop3A_732, %parallel_loop3A_738 : i32
        %parallel_loop3A_740 = arith.index_cast %parallel_loop3A_739 : i32 to index
        %parallel_loop3A_741 = tpu.vector_load %arg10[%parallel_loop3A_740] {strides = array<i32>} : memref<1024xf32, #tpu.memory_space<vmem>>, vector<16xf32>,
        tpu.vector_store %arg10[%parallel_loop3A_740], %parallel_loop3A_737 {strides = array<i32>} : memref<1024xf32, #tpu.memory_space<vmem>>, vector<16xf32>,
      } {sc.loop_unroll_factor = 8 : i64, sc.parallel_access}
      %dma_start3A_617 = arith.constant 16 : i32
      %dma_start3A_618 = arith.constant 0 : i32
      %dma_start3A_619 = tpu.memref_slice %arg4[%dma_start3A_617, %scan3A_72, %add3A, %dma_start3A_618] : memref<20x26x32x1024xf32, #tpu.memory_space<hbm>> -> memref<1x1x1x1024xf32, #tpu.memory_space<hbm>>
      %dma_start3A_620 = tpu.memref_squeeze %dma_start3A_619 : memref<1x1x1x1024xf32, #tpu.memory_space<hbm>> -> memref<1024xf32, #tpu.memory_space<hbm>>
      %dma_start3A_621 = arith.constant 0 : i32
      %dma_start3A_622 = tpu.memref_slice %arg4[%dma_start3A_617, %scan3A_72, %add3A, %dma_start3A_621] : memref<20x26x32x1024xf32, #tpu.memory_space<hbm>> -> memref<1x1x1x1024xf32, #tpu.memory_space<hbm>>
      %dma_start3A_623 = tpu.memref_squeeze %dma_start3A_622 : memref<1x1x1x1024xf32, #tpu.memory_space<hbm>> -> memref<1024xf32, #tpu.memory_space<hbm>>
      tpu.enqueue_dma source(%arg10 : memref<1024xf32, #tpu.memory_space<vmem>>) target(%dma_start3A_623 : memref<1024xf32, #tpu.memory_space<hbm>>) target_semaphore(%arg19 : memref<!tpu.dma_semaphore, #tpu.memory_space<semaphore_mem>>)
      %add3A_624 = arith.constant 1 : i32
      %add3A_625 = arith.addi %scan3A_72, %add3A_624 : i32
      %lt3A = arith.constant 26 : i32
      %lt3A_626 = arith.cmpi slt, %add3A_625, %lt3A : i32
      %convert_element_type3A_627 = arith.extui %lt3A_626 : i1 to i32
      %cond3A_628 = arith.constant 0 : i32
      %cond3A_629 = arith.cmpi ne, %convert_element_type3A_627, %cond3A_628 : i32
      scf.if %cond3A_629 {
        %add3A_732 = arith.constant 1 : i32
        %add3A_733 = arith.addi %scan3A_72, %add3A_732 : i32
        %dma_start3A_734 = arith.constant 0 : i32
        %dma_start3A_735 = arith.constant 0 : i32
        %dma_start3A_736 = tpu.memref_slice %arg2[%add3A_733, %dma_start3A_734, %dma_start3A_735] : memref<26x20x1024xi32, #tpu.memory_space<hbm>> -> memref<1x1x1024xi32, #tpu.memory_space<hbm>>
        %dma_start3A_737 = tpu.memref_squeeze %dma_start3A_736 : memref<1x1x1024xi32, #tpu.memory_space<hbm>> -> memref<1024xi32, #tpu.memory_space<hbm>>
        %dma_start3A_738 = arith.constant 0 : i32
        %dma_start3A_739 = tpu.memref_slice %arg2[%add3A_733, %dma_start3A_734, %dma_start3A_738] : memref<26x20x1024xi32, #tpu.memory_space<hbm>> -> memref<1x1x1024xi32, #tpu.memory_space<hbm>>
        %dma_start3A_740 = tpu.memref_squeeze %dma_start3A_739 : memref<1x1x1024xi32, #tpu.memory_space<hbm>> -> memref<1024xi32, #tpu.memory_space<hbm>>
        tpu.enqueue_dma source(%dma_start3A_740 : memref<1024xi32, #tpu.memory_space<hbm>>) target(%arg6 : memref<1024xi32, #tpu.memory_space<vmem>>) target_semaphore(%arg15 : memref<!tpu.dma_semaphore, #tpu.memory_space<semaphore_mem>>)
      } else {
      }
      %dma_wait3A_630 = arith.constant 0 : i32
      %dma_wait3A_631 = arith.constant 0 : i32
      %dma_wait3A_632 = arith.constant 0 : i32
      %dma_wait3A_633 = tpu.memref_slice %arg2[%dma_wait3A_630, %dma_wait3A_631, %dma_wait3A_632] : memref<26x20x1024xi32, #tpu.memory_space<hbm>> -> memref<1x1x1024xi32, #tpu.memory_space<hbm>>
      %dma_wait3A_634 = tpu.memref_squeeze %dma_wait3A_633 : memref<1x1x1024xi32, #tpu.memory_space<hbm>> -> memref<1024xi32, #tpu.memory_space<hbm>>
      %dma_wait3A_635 = arith.constant 0 : i32
      %dma_wait3A_636 = tpu.memref_slice %arg2[%dma_wait3A_630, %dma_wait3A_631, %dma_wait3A_635] : memref<26x20x1024xi32, #tpu.memory_space<hbm>> -> memref<1x1x1024xi32, #tpu.memory_space<hbm>>
      %dma_wait3A_637 = tpu.memref_squeeze %dma_wait3A_636 : memref<1x1x1024xi32, #tpu.memory_space<hbm>> -> memref<1024xi32, #tpu.memory_space<hbm>>
      tpu.wait_dma2 semaphore(%arg16 : memref<!tpu.dma_semaphore, #tpu.memory_space<semaphore_mem>>) src(%dma_wait3A_637 : memref<1024xi32, #tpu.memory_space<hbm>>) dst(%arg7 : memref<1024xi32, #tpu.memory_space<vmem>>)
      %dma_wait3A_638 = arith.constant 0 : i32
      %dma_wait3A_639 = arith.constant 0 : i32
      %dma_wait3A_640 = arith.constant 0 : i32
      %dma_wait3A_641 = arith.constant 0 : i32
      %dma_wait3A_642 = tpu.memref_slice %arg4[%dma_wait3A_638, %dma_wait3A_639, %dma_wait3A_640, %dma_wait3A_641] : memref<20x26x32x1024xf32, #tpu.memory_space<hbm>> -> memref<1x1x1x1024xf32, #tpu.memory_space<hbm>>
      %dma_wait3A_643 = tpu.memref_squeeze %dma_wait3A_642 : memref<1x1x1x1024xf32, #tpu.memory_space<hbm>> -> memref<1024xf32, #tpu.memory_space<hbm>>
      %dma_wait3A_644 = arith.constant 0 : i32
      %dma_wait3A_645 = tpu.memref_slice %arg4[%dma_wait3A_638, %dma_wait3A_639, %dma_wait3A_640, %dma_wait3A_644] : memref<20x26x32x1024xf32, #tpu.memory_space<hbm>> -> memref<1x1x1x1024xf32, #tpu.memory_space<hbm>>
      %dma_wait3A_646 = tpu.memref_squeeze %dma_wait3A_645 : memref<1x1x1x1024xf32, #tpu.memory_space<hbm>> -> memref<1024xf32, #tpu.memory_space<hbm>>
      tpu.wait_dma2 semaphore(%arg20 : memref<!tpu.dma_semaphore, #tpu.memory_space<semaphore_mem>>) src(%dma_wait3A_646 : memref<1024xf32, #tpu.memory_space<hbm>>) dst(%arg11 : memref<1024xf32, #tpu.memory_space<vmem>>)
      %parallel_loop3A_647 = arith.constant 0 : i32
      %parallel_loop3A_648 = arith.constant 64 : i32
      %parallel_loop3A_649 = arith.constant 1 : i32
      scf.for %parallel_loop3A_732 = %parallel_loop3A_647 to %parallel_loop3A_648 step %parallel_loop3A_649  : i32 {
        %parallel_loop3A_733 = arith.constant 16 : i32
        %parallel_loop3A_734 = arith.muli %parallel_loop3A_732, %parallel_loop3A_733 : i32
        %parallel_loop3A_735 = arith.index_cast %parallel_loop3A_734 : i32 to index
        %parallel_loop3A_736 = tpu.vector_load %arg7[%parallel_loop3A_735] {strides = array<i32>} : memref<1024xi32, #tpu.memory_space<vmem>>, vector<16xi32>,
        %parallel_loop3A_737 = tpu.vector_load_idx %arg5[%parallel_loop3A_736] : memref<100000xf32, #tpu.memory_space<vmem>>[vector<16xi32>], vector<16xf32>,
        %parallel_loop3A_738 = arith.constant 16 : i32
        %parallel_loop3A_739 = arith.muli %parallel_loop3A_732, %parallel_loop3A_738 : i32
        %parallel_loop3A_740 = arith.index_cast %parallel_loop3A_739 : i32 to index
        %parallel_loop3A_741 = tpu.vector_load %arg11[%parallel_loop3A_740] {strides = array<i32>} : memref<1024xf32, #tpu.memory_space<vmem>>, vector<16xf32>,
        tpu.vector_store %arg11[%parallel_loop3A_740], %parallel_loop3A_737 {strides = array<i32>} : memref<1024xf32, #tpu.memory_space<vmem>>, vector<16xf32>,
      } {sc.loop_unroll_factor = 8 : i64, sc.parallel_access}
      %dma_start3A_650 = arith.constant 17 : i32
      %dma_start3A_651 = arith.constant 0 : i32
      %dma_start3A_652 = tpu.memref_slice %arg4[%dma_start3A_650, %scan3A_72, %add3A, %dma_start3A_651] : memref<20x26x32x1024xf32, #tpu.memory_space<hbm>> -> memref<1x1x1x1024xf32, #tpu.memory_space<hbm>>
      %dma_start3A_653 = tpu.memref_squeeze %dma_start3A_652 : memref<1x1x1x1024xf32, #tpu.memory_space<hbm>> -> memref<1024xf32, #tpu.memory_space<hbm>>
      %dma_start3A_654 = arith.constant 0 : i32
      %dma_start3A_655 = tpu.memref_slice %arg4[%dma_start3A_650, %scan3A_72, %add3A, %dma_start3A_654] : memref<20x26x32x1024xf32, #tpu.memory_space<hbm>> -> memref<1x1x1x1024xf32, #tpu.memory_space<hbm>>
      %dma_start3A_656 = tpu.memref_squeeze %dma_start3A_655 : memref<1x1x1x1024xf32, #tpu.memory_space<hbm>> -> memref<1024xf32, #tpu.memory_space<hbm>>
      tpu.enqueue_dma source(%arg11 : memref<1024xf32, #tpu.memory_space<vmem>>) target(%dma_start3A_656 : memref<1024xf32, #tpu.memory_space<hbm>>) target_semaphore(%arg20 : memref<!tpu.dma_semaphore, #tpu.memory_space<semaphore_mem>>)
      %add3A_657 = arith.constant 1 : i32
      %add3A_658 = arith.addi %scan3A_72, %add3A_657 : i32
      %lt3A_659 = arith.constant 26 : i32
      %lt3A_660 = arith.cmpi slt, %add3A_658, %lt3A_659 : i32
      %convert_element_type3A_661 = arith.extui %lt3A_660 : i1 to i32
      %cond3A_662 = arith.constant 0 : i32
      %cond3A_663 = arith.cmpi ne, %convert_element_type3A_661, %cond3A_662 : i32
      scf.if %cond3A_663 {
        %add3A_732 = arith.constant 1 : i32
        %add3A_733 = arith.addi %scan3A_72, %add3A_732 : i32
        %dma_start3A_734 = arith.constant 1 : i32
        %dma_start3A_735 = arith.constant 0 : i32
        %dma_start3A_736 = tpu.memref_slice %arg2[%add3A_733, %dma_start3A_734, %dma_start3A_735] : memref<26x20x1024xi32, #tpu.memory_space<hbm>> -> memref<1x1x1024xi32, #tpu.memory_space<hbm>>
        %dma_start3A_737 = tpu.memref_squeeze %dma_start3A_736 : memref<1x1x1024xi32, #tpu.memory_space<hbm>> -> memref<1024xi32, #tpu.memory_space<hbm>>
        %dma_start3A_738 = arith.constant 0 : i32
        %dma_start3A_739 = tpu.memref_slice %arg2[%add3A_733, %dma_start3A_734, %dma_start3A_738] : memref<26x20x1024xi32, #tpu.memory_space<hbm>> -> memref<1x1x1024xi32, #tpu.memory_space<hbm>>
        %dma_start3A_740 = tpu.memref_squeeze %dma_start3A_739 : memref<1x1x1024xi32, #tpu.memory_space<hbm>> -> memref<1024xi32, #tpu.memory_space<hbm>>
        tpu.enqueue_dma source(%dma_start3A_740 : memref<1024xi32, #tpu.memory_space<hbm>>) target(%arg7 : memref<1024xi32, #tpu.memory_space<vmem>>) target_semaphore(%arg16 : memref<!tpu.dma_semaphore, #tpu.memory_space<semaphore_mem>>)
      } else {
      }
      %dma_wait3A_664 = arith.constant 0 : i32
      %dma_wait3A_665 = arith.constant 0 : i32
      %dma_wait3A_666 = arith.constant 0 : i32
      %dma_wait3A_667 = tpu.memref_slice %arg2[%dma_wait3A_664, %dma_wait3A_665, %dma_wait3A_666] : memref<26x20x1024xi32, #tpu.memory_space<hbm>> -> memref<1x1x1024xi32, #tpu.memory_space<hbm>>
      %dma_wait3A_668 = tpu.memref_squeeze %dma_wait3A_667 : memref<1x1x1024xi32, #tpu.memory_space<hbm>> -> memref<1024xi32, #tpu.memory_space<hbm>>
      %dma_wait3A_669 = arith.constant 0 : i32
      %dma_wait3A_670 = tpu.memref_slice %arg2[%dma_wait3A_664, %dma_wait3A_665, %dma_wait3A_669] : memref<26x20x1024xi32, #tpu.memory_space<hbm>> -> memref<1x1x1024xi32, #tpu.memory_space<hbm>>
      %dma_wait3A_671 = tpu.memref_squeeze %dma_wait3A_670 : memref<1x1x1024xi32, #tpu.memory_space<hbm>> -> memref<1024xi32, #tpu.memory_space<hbm>>
      tpu.wait_dma2 semaphore(%arg17 : memref<!tpu.dma_semaphore, #tpu.memory_space<semaphore_mem>>) src(%dma_wait3A_671 : memref<1024xi32, #tpu.memory_space<hbm>>) dst(%arg8 : memref<1024xi32, #tpu.memory_space<vmem>>)
      %dma_wait3A_672 = arith.constant 0 : i32
      %dma_wait3A_673 = arith.constant 0 : i32
      %dma_wait3A_674 = arith.constant 0 : i32
      %dma_wait3A_675 = arith.constant 0 : i32
      %dma_wait3A_676 = tpu.memref_slice %arg4[%dma_wait3A_672, %dma_wait3A_673, %dma_wait3A_674, %dma_wait3A_675] : memref<20x26x32x1024xf32, #tpu.memory_space<hbm>> -> memref<1x1x1x1024xf32, #tpu.memory_space<hbm>>
      %dma_wait3A_677 = tpu.memref_squeeze %dma_wait3A_676 : memref<1x1x1x1024xf32, #tpu.memory_space<hbm>> -> memref<1024xf32, #tpu.memory_space<hbm>>
      %dma_wait3A_678 = arith.constant 0 : i32
      %dma_wait3A_679 = tpu.memref_slice %arg4[%dma_wait3A_672, %dma_wait3A_673, %dma_wait3A_674, %dma_wait3A_678] : memref<20x26x32x1024xf32, #tpu.memory_space<hbm>> -> memref<1x1x1x1024xf32, #tpu.memory_space<hbm>>
      %dma_wait3A_680 = tpu.memref_squeeze %dma_wait3A_679 : memref<1x1x1x1024xf32, #tpu.memory_space<hbm>> -> memref<1024xf32, #tpu.memory_space<hbm>>
      tpu.wait_dma2 semaphore(%arg21 : memref<!tpu.dma_semaphore, #tpu.memory_space<semaphore_mem>>) src(%dma_wait3A_680 : memref<1024xf32, #tpu.memory_space<hbm>>) dst(%arg12 : memref<1024xf32, #tpu.memory_space<vmem>>)
      %parallel_loop3A_681 = arith.constant 0 : i32
      %parallel_loop3A_682 = arith.constant 64 : i32
      %parallel_loop3A_683 = arith.constant 1 : i32
      scf.for %parallel_loop3A_732 = %parallel_loop3A_681 to %parallel_loop3A_682 step %parallel_loop3A_683  : i32 {
        %parallel_loop3A_733 = arith.constant 16 : i32
        %parallel_loop3A_734 = arith.muli %parallel_loop3A_732, %parallel_loop3A_733 : i32
        %parallel_loop3A_735 = arith.index_cast %parallel_loop3A_734 : i32 to index
        %parallel_loop3A_736 = tpu.vector_load %arg8[%parallel_loop3A_735] {strides = array<i32>} : memref<1024xi32, #tpu.memory_space<vmem>>, vector<16xi32>,
        %parallel_loop3A_737 = tpu.vector_load_idx %arg5[%parallel_loop3A_736] : memref<100000xf32, #tpu.memory_space<vmem>>[vector<16xi32>], vector<16xf32>,
        %parallel_loop3A_738 = arith.constant 16 : i32
        %parallel_loop3A_739 = arith.muli %parallel_loop3A_732, %parallel_loop3A_738 : i32
        %parallel_loop3A_740 = arith.index_cast %parallel_loop3A_739 : i32 to index
        %parallel_loop3A_741 = tpu.vector_load %arg12[%parallel_loop3A_740] {strides = array<i32>} : memref<1024xf32, #tpu.memory_space<vmem>>, vector<16xf32>,
        tpu.vector_store %arg12[%parallel_loop3A_740], %parallel_loop3A_737 {strides = array<i32>} : memref<1024xf32, #tpu.memory_space<vmem>>, vector<16xf32>,
      } {sc.loop_unroll_factor = 8 : i64, sc.parallel_access}
      %dma_start3A_684 = arith.constant 18 : i32
      %dma_start3A_685 = arith.constant 0 : i32
      %dma_start3A_686 = tpu.memref_slice %arg4[%dma_start3A_684, %scan3A_72, %add3A, %dma_start3A_685] : memref<20x26x32x1024xf32, #tpu.memory_space<hbm>> -> memref<1x1x1x1024xf32, #tpu.memory_space<hbm>>
      %dma_start3A_687 = tpu.memref_squeeze %dma_start3A_686 : memref<1x1x1x1024xf32, #tpu.memory_space<hbm>> -> memref<1024xf32, #tpu.memory_space<hbm>>
      %dma_start3A_688 = arith.constant 0 : i32
      %dma_start3A_689 = tpu.memref_slice %arg4[%dma_start3A_684, %scan3A_72, %add3A, %dma_start3A_688] : memref<20x26x32x1024xf32, #tpu.memory_space<hbm>> -> memref<1x1x1x1024xf32, #tpu.memory_space<hbm>>
      %dma_start3A_690 = tpu.memref_squeeze %dma_start3A_689 : memref<1x1x1x1024xf32, #tpu.memory_space<hbm>> -> memref<1024xf32, #tpu.memory_space<hbm>>
      tpu.enqueue_dma source(%arg12 : memref<1024xf32, #tpu.memory_space<vmem>>) target(%dma_start3A_690 : memref<1024xf32, #tpu.memory_space<hbm>>) target_semaphore(%arg21 : memref<!tpu.dma_semaphore, #tpu.memory_space<semaphore_mem>>)
      %add3A_691 = arith.constant 1 : i32
      %add3A_692 = arith.addi %scan3A_72, %add3A_691 : i32
      %lt3A_693 = arith.constant 26 : i32
      %lt3A_694 = arith.cmpi slt, %add3A_692, %lt3A_693 : i32
      %convert_element_type3A_695 = arith.extui %lt3A_694 : i1 to i32
      %cond3A_696 = arith.constant 0 : i32
      %cond3A_697 = arith.cmpi ne, %convert_element_type3A_695, %cond3A_696 : i32
      scf.if %cond3A_697 {
        %add3A_732 = arith.constant 1 : i32
        %add3A_733 = arith.addi %scan3A_72, %add3A_732 : i32
        %dma_start3A_734 = arith.constant 2 : i32
        %dma_start3A_735 = arith.constant 0 : i32
        %dma_start3A_736 = tpu.memref_slice %arg2[%add3A_733, %dma_start3A_734, %dma_start3A_735] : memref<26x20x1024xi32, #tpu.memory_space<hbm>> -> memref<1x1x1024xi32, #tpu.memory_space<hbm>>
        %dma_start3A_737 = tpu.memref_squeeze %dma_start3A_736 : memref<1x1x1024xi32, #tpu.memory_space<hbm>> -> memref<1024xi32, #tpu.memory_space<hbm>>
        %dma_start3A_738 = arith.constant 0 : i32
        %dma_start3A_739 = tpu.memref_slice %arg2[%add3A_733, %dma_start3A_734, %dma_start3A_738] : memref<26x20x1024xi32, #tpu.memory_space<hbm>> -> memref<1x1x1024xi32, #tpu.memory_space<hbm>>
        %dma_start3A_740 = tpu.memref_squeeze %dma_start3A_739 : memref<1x1x1024xi32, #tpu.memory_space<hbm>> -> memref<1024xi32, #tpu.memory_space<hbm>>
        tpu.enqueue_dma source(%dma_start3A_740 : memref<1024xi32, #tpu.memory_space<hbm>>) target(%arg8 : memref<1024xi32, #tpu.memory_space<vmem>>) target_semaphore(%arg17 : memref<!tpu.dma_semaphore, #tpu.memory_space<semaphore_mem>>)
      } else {
      }
      %dma_wait3A_698 = arith.constant 0 : i32
      %dma_wait3A_699 = arith.constant 0 : i32
      %dma_wait3A_700 = arith.constant 0 : i32
      %dma_wait3A_701 = tpu.memref_slice %arg2[%dma_wait3A_698, %dma_wait3A_699, %dma_wait3A_700] : memref<26x20x1024xi32, #tpu.memory_space<hbm>> -> memref<1x1x1024xi32, #tpu.memory_space<hbm>>
      %dma_wait3A_702 = tpu.memref_squeeze %dma_wait3A_701 : memref<1x1x1024xi32, #tpu.memory_space<hbm>> -> memref<1024xi32, #tpu.memory_space<hbm>>
      %dma_wait3A_703 = arith.constant 0 : i32
      %dma_wait3A_704 = tpu.memref_slice %arg2[%dma_wait3A_698, %dma_wait3A_699, %dma_wait3A_703] : memref<26x20x1024xi32, #tpu.memory_space<hbm>> -> memref<1x1x1024xi32, #tpu.memory_space<hbm>>
      %dma_wait3A_705 = tpu.memref_squeeze %dma_wait3A_704 : memref<1x1x1024xi32, #tpu.memory_space<hbm>> -> memref<1024xi32, #tpu.memory_space<hbm>>
      tpu.wait_dma2 semaphore(%arg18 : memref<!tpu.dma_semaphore, #tpu.memory_space<semaphore_mem>>) src(%dma_wait3A_705 : memref<1024xi32, #tpu.memory_space<hbm>>) dst(%arg9 : memref<1024xi32, #tpu.memory_space<vmem>>)
      %dma_wait3A_706 = arith.constant 0 : i32
      %dma_wait3A_707 = arith.constant 0 : i32
      %dma_wait3A_708 = arith.constant 0 : i32
      %dma_wait3A_709 = arith.constant 0 : i32
      %dma_wait3A_710 = tpu.memref_slice %arg4[%dma_wait3A_706, %dma_wait3A_707, %dma_wait3A_708, %dma_wait3A_709] : memref<20x26x32x1024xf32, #tpu.memory_space<hbm>> -> memref<1x1x1x1024xf32, #tpu.memory_space<hbm>>
      %dma_wait3A_711 = tpu.memref_squeeze %dma_wait3A_710 : memref<1x1x1x1024xf32, #tpu.memory_space<hbm>> -> memref<1024xf32, #tpu.memory_space<hbm>>
      %dma_wait3A_712 = arith.constant 0 : i32
      %dma_wait3A_713 = tpu.memref_slice %arg4[%dma_wait3A_706, %dma_wait3A_707, %dma_wait3A_708, %dma_wait3A_712] : memref<20x26x32x1024xf32, #tpu.memory_space<hbm>> -> memref<1x1x1x1024xf32, #tpu.memory_space<hbm>>
      %dma_wait3A_714 = tpu.memref_squeeze %dma_wait3A_713 : memref<1x1x1x1024xf32, #tpu.memory_space<hbm>> -> memref<1024xf32, #tpu.memory_space<hbm>>
      tpu.wait_dma2 semaphore(%arg22 : memref<!tpu.dma_semaphore, #tpu.memory_space<semaphore_mem>>) src(%dma_wait3A_714 : memref<1024xf32, #tpu.memory_space<hbm>>) dst(%arg13 : memref<1024xf32, #tpu.memory_space<vmem>>)
      %parallel_loop3A_715 = arith.constant 0 : i32
      %parallel_loop3A_716 = arith.constant 64 : i32
      %parallel_loop3A_717 = arith.constant 1 : i32
      scf.for %parallel_loop3A_732 = %parallel_loop3A_715 to %parallel_loop3A_716 step %parallel_loop3A_717  : i32 {
        %parallel_loop3A_733 = arith.constant 16 : i32
        %parallel_loop3A_734 = arith.muli %parallel_loop3A_732, %parallel_loop3A_733 : i32
        %parallel_loop3A_735 = arith.index_cast %parallel_loop3A_734 : i32 to index
        %parallel_loop3A_736 = tpu.vector_load %arg9[%parallel_loop3A_735] {strides = array<i32>} : memref<1024xi32, #tpu.memory_space<vmem>>, vector<16xi32>,
        %parallel_loop3A_737 = tpu.vector_load_idx %arg5[%parallel_loop3A_736] : memref<100000xf32, #tpu.memory_space<vmem>>[vector<16xi32>], vector<16xf32>,
        %parallel_loop3A_738 = arith.constant 16 : i32
        %parallel_loop3A_739 = arith.muli %parallel_loop3A_732, %parallel_loop3A_738 : i32
        %parallel_loop3A_740 = arith.index_cast %parallel_loop3A_739 : i32 to index
        %parallel_loop3A_741 = tpu.vector_load %arg13[%parallel_loop3A_740] {strides = array<i32>} : memref<1024xf32, #tpu.memory_space<vmem>>, vector<16xf32>,
        tpu.vector_store %arg13[%parallel_loop3A_740], %parallel_loop3A_737 {strides = array<i32>} : memref<1024xf32, #tpu.memory_space<vmem>>, vector<16xf32>,
      } {sc.loop_unroll_factor = 8 : i64, sc.parallel_access}
      %dma_start3A_718 = arith.constant 19 : i32
      %dma_start3A_719 = arith.constant 0 : i32
      %dma_start3A_720 = tpu.memref_slice %arg4[%dma_start3A_718, %scan3A_72, %add3A, %dma_start3A_719] : memref<20x26x32x1024xf32, #tpu.memory_space<hbm>> -> memref<1x1x1x1024xf32, #tpu.memory_space<hbm>>
      %dma_start3A_721 = tpu.memref_squeeze %dma_start3A_720 : memref<1x1x1x1024xf32, #tpu.memory_space<hbm>> -> memref<1024xf32, #tpu.memory_space<hbm>>
      %dma_start3A_722 = arith.constant 0 : i32
      %dma_start3A_723 = tpu.memref_slice %arg4[%dma_start3A_718, %scan3A_72, %add3A, %dma_start3A_722] : memref<20x26x32x1024xf32, #tpu.memory_space<hbm>> -> memref<1x1x1x1024xf32, #tpu.memory_space<hbm>>
      %dma_start3A_724 = tpu.memref_squeeze %dma_start3A_723 : memref<1x1x1x1024xf32, #tpu.memory_space<hbm>> -> memref<1024xf32, #tpu.memory_space<hbm>>
      tpu.enqueue_dma source(%arg13 : memref<1024xf32, #tpu.memory_space<vmem>>) target(%dma_start3A_724 : memref<1024xf32, #tpu.memory_space<hbm>>) target_semaphore(%arg22 : memref<!tpu.dma_semaphore, #tpu.memory_space<semaphore_mem>>)
      %add3A_725 = arith.constant 1 : i32
      %add3A_726 = arith.addi %scan3A_72, %add3A_725 : i32
      %lt3A_727 = arith.constant 26 : i32
      %lt3A_728 = arith.cmpi slt, %add3A_726, %lt3A_727 : i32
      %convert_element_type3A_729 = arith.extui %lt3A_728 : i1 to i32
      %cond3A_730 = arith.constant 0 : i32
      %cond3A_731 = arith.cmpi ne, %convert_element_type3A_729, %cond3A_730 : i32
      scf.if %cond3A_731 {
        %add3A_732 = arith.constant 1 : i32
        %add3A_733 = arith.addi %scan3A_72, %add3A_732 : i32
        %dma_start3A_734 = arith.constant 3 : i32
        %dma_start3A_735 = arith.constant 0 : i32
        %dma_start3A_736 = tpu.memref_slice %arg2[%add3A_733, %dma_start3A_734, %dma_start3A_735] : memref<26x20x1024xi32, #tpu.memory_space<hbm>> -> memref<1x1x1024xi32, #tpu.memory_space<hbm>>
        %dma_start3A_737 = tpu.memref_squeeze %dma_start3A_736 : memref<1x1x1024xi32, #tpu.memory_space<hbm>> -> memref<1024xi32, #tpu.memory_space<hbm>>
        %dma_start3A_738 = arith.constant 0 : i32
        %dma_start3A_739 = tpu.memref_slice %arg2[%add3A_733, %dma_start3A_734, %dma_start3A_738] : memref<26x20x1024xi32, #tpu.memory_space<hbm>> -> memref<1x1x1024xi32, #tpu.memory_space<hbm>>
        %dma_start3A_740 = tpu.memref_squeeze %dma_start3A_739 : memref<1x1x1024xi32, #tpu.memory_space<hbm>> -> memref<1024xi32, #tpu.memory_space<hbm>>
        tpu.enqueue_dma source(%dma_start3A_740 : memref<1024xi32, #tpu.memory_space<hbm>>) target(%arg9 : memref<1024xi32, #tpu.memory_space<vmem>>) target_semaphore(%arg18 : memref<!tpu.dma_semaphore, #tpu.memory_space<semaphore_mem>>)
      } else {
      }
    }
    %scan3A_36 = arith.constant 26 : i32
    %dma_wait3A = arith.constant 0 : i32
    %dma_wait3A_37 = arith.constant 0 : i32
    %dma_wait3A_38 = arith.constant 0 : i32
    %dma_wait3A_39 = arith.constant 0 : i32
    %dma_wait3A_40 = tpu.memref_slice %arg4[%dma_wait3A, %dma_wait3A_37, %dma_wait3A_38, %dma_wait3A_39] : memref<20x26x32x1024xf32, #tpu.memory_space<hbm>> -> memref<1x1x1x1024xf32, #tpu.memory_space<hbm>>
    %dma_wait3A_41 = tpu.memref_squeeze %dma_wait3A_40 : memref<1x1x1x1024xf32, #tpu.memory_space<hbm>> -> memref<1024xf32, #tpu.memory_space<hbm>>
    %dma_wait3A_42 = arith.constant 0 : i32
    %dma_wait3A_43 = tpu.memref_slice %arg4[%dma_wait3A, %dma_wait3A_37, %dma_wait3A_38, %dma_wait3A_42] : memref<20x26x32x1024xf32, #tpu.memory_space<hbm>> -> memref<1x1x1x1024xf32, #tpu.memory_space<hbm>>
    %dma_wait3A_44 = tpu.memref_squeeze %dma_wait3A_43 : memref<1x1x1x1024xf32, #tpu.memory_space<hbm>> -> memref<1024xf32, #tpu.memory_space<hbm>>
    tpu.wait_dma2 semaphore(%arg19 : memref<!tpu.dma_semaphore, #tpu.memory_space<semaphore_mem>>) src(%dma_wait3A_44 : memref<1024xf32, #tpu.memory_space<hbm>>) dst(%arg10 : memref<1024xf32, #tpu.memory_space<vmem>>)
    %dma_wait3A_45 = arith.constant 0 : i32
    %dma_wait3A_46 = arith.constant 0 : i32
    %dma_wait3A_47 = arith.constant 0 : i32
    %dma_wait3A_48 = arith.constant 0 : i32
    %dma_wait3A_49 = tpu.memref_slice %arg4[%dma_wait3A_45, %dma_wait3A_46, %dma_wait3A_47, %dma_wait3A_48] : memref<20x26x32x1024xf32, #tpu.memory_space<hbm>> -> memref<1x1x1x1024xf32, #tpu.memory_space<hbm>>
    %dma_wait3A_50 = tpu.memref_squeeze %dma_wait3A_49 : memref<1x1x1x1024xf32, #tpu.memory_space<hbm>> -> memref<1024xf32, #tpu.memory_space<hbm>>
    %dma_wait3A_51 = arith.constant 0 : i32
    %dma_wait3A_52 = tpu.memref_slice %arg4[%dma_wait3A_45, %dma_wait3A_46, %dma_wait3A_47, %dma_wait3A_51] : memref<20x26x32x1024xf32, #tpu.memory_space<hbm>> -> memref<1x1x1x1024xf32, #tpu.memory_space<hbm>>
    %dma_wait3A_53 = tpu.memref_squeeze %dma_wait3A_52 : memref<1x1x1x1024xf32, #tpu.memory_space<hbm>> -> memref<1024xf32, #tpu.memory_space<hbm>>
    tpu.wait_dma2 semaphore(%arg20 : memref<!tpu.dma_semaphore, #tpu.memory_space<semaphore_mem>>) src(%dma_wait3A_53 : memref<1024xf32, #tpu.memory_space<hbm>>) dst(%arg11 : memref<1024xf32, #tpu.memory_space<vmem>>)
    %dma_wait3A_54 = arith.constant 0 : i32
    %dma_wait3A_55 = arith.constant 0 : i32
    %dma_wait3A_56 = arith.constant 0 : i32
    %dma_wait3A_57 = arith.constant 0 : i32
    %dma_wait3A_58 = tpu.memref_slice %arg4[%dma_wait3A_54, %dma_wait3A_55, %dma_wait3A_56, %dma_wait3A_57] : memref<20x26x32x1024xf32, #tpu.memory_space<hbm>> -> memref<1x1x1x1024xf32, #tpu.memory_space<hbm>>
    %dma_wait3A_59 = tpu.memref_squeeze %dma_wait3A_58 : memref<1x1x1x1024xf32, #tpu.memory_space<hbm>> -> memref<1024xf32, #tpu.memory_space<hbm>>
    %dma_wait3A_60 = arith.constant 0 : i32
    %dma_wait3A_61 = tpu.memref_slice %arg4[%dma_wait3A_54, %dma_wait3A_55, %dma_wait3A_56, %dma_wait3A_60] : memref<20x26x32x1024xf32, #tpu.memory_space<hbm>> -> memref<1x1x1x1024xf32, #tpu.memory_space<hbm>>
    %dma_wait3A_62 = tpu.memref_squeeze %dma_wait3A_61 : memref<1x1x1x1024xf32, #tpu.memory_space<hbm>> -> memref<1024xf32, #tpu.memory_space<hbm>>
    tpu.wait_dma2 semaphore(%arg21 : memref<!tpu.dma_semaphore, #tpu.memory_space<semaphore_mem>>) src(%dma_wait3A_62 : memref<1024xf32, #tpu.memory_space<hbm>>) dst(%arg12 : memref<1024xf32, #tpu.memory_space<vmem>>)
    %dma_wait3A_63 = arith.constant 0 : i32
    %dma_wait3A_64 = arith.constant 0 : i32
    %dma_wait3A_65 = arith.constant 0 : i32
    %dma_wait3A_66 = arith.constant 0 : i32
    %dma_wait3A_67 = tpu.memref_slice %arg4[%dma_wait3A_63, %dma_wait3A_64, %dma_wait3A_65, %dma_wait3A_66] : memref<20x26x32x1024xf32, #tpu.memory_space<hbm>> -> memref<1x1x1x1024xf32, #tpu.memory_space<hbm>>
    %dma_wait3A_68 = tpu.memref_squeeze %dma_wait3A_67 : memref<1x1x1x1024xf32, #tpu.memory_space<hbm>> -> memref<1024xf32, #tpu.memory_space<hbm>>
    %dma_wait3A_69 = arith.constant 0 : i32
    %dma_wait3A_70 = tpu.memref_slice %arg4[%dma_wait3A_63, %dma_wait3A_64, %dma_wait3A_65, %dma_wait3A_69] : memref<20x26x32x1024xf32, #tpu.memory_space<hbm>> -> memref<1x1x1x1024xf32, #tpu.memory_space<hbm>>
    %dma_wait3A_71 = tpu.memref_squeeze %dma_wait3A_70 : memref<1x1x1x1024xf32, #tpu.memory_space<hbm>> -> memref<1024xf32, #tpu.memory_space<hbm>>
    tpu.wait_dma2 semaphore(%arg22 : memref<!tpu.dma_semaphore, #tpu.memory_space<semaphore_mem>>) src(%dma_wait3A_71 : memref<1024xf32, #tpu.memory_space<hbm>>) dst(%arg13 : memref<1024xf32, #tpu.memory_space<vmem>>)
    return
  }
}

</mosaic_0001>

<sc_bundles>
// kernel: kernel.3.cloned.1.call-start
scs
__scs_entry_jumppad:
0x0: {  	(pc) =	sbr.rel $0x88, $3  }
0x1: {  	(tag) =	ssettag $0x0;
	lr =	simm.s32 $0x1  }
0x2: {  	[smem:$0x3F9F] =	sst lr;
	_ =	strace $0xD0000000  }
0x3: {  	_ = 	snop  }
0x4: {  	_ = 	snop  }
0x5: {  	_ = 	snop  }
0x6: {  	_ = 	snop  }
0x7: {  	_ = 	snop  }
__scs_overlays_trampoline_lowered:
0x8: {  	[smem:$0x3FAE] =	sst s0  }
0x9: {  	[smem:$0x3FAF] =	sst s1  }
0xa: {  	[smem:$0x3FB0] =	sst s2  }
0xb: {  	[smem:$0x3FB1] =	sst s3  }
0xc: {  	[smem:$0x3FB2] =	sst s4  }
0xd: {  	[smem:$0x3FB3] =	sst s5  }
0xe: {  	[smem:$0x3FB4] =	sst s6  }
0xf: {  	[smem:$0x3FB5] =	sst s7  }
0x10: {  	[smem:$0x3FB6] =	sst s8  }
0x11: {  	[smem:$0x3FB7] =	sst s9;
	s0 =	simm.s32 @!p0 $0x0  }
0x12: {  	s1 =	sld [smem:$0x3F9D];
	s0 =	simm.s32 @p0 $0x1  }
0x13: {  	[smem:$0x3FB8] =	sst s0;
	s0 =	simm.s32 @!p1 $0x0  }
0x14: {  	s2 =	sld [smem:$0x3F9C];
	s0 =	simm.s32 @p1 $0x1  }
0x15: {  	[smem:$0x3FB9] =	sst s0;
	s0 =	simm.s32 @!p2 $0x0  }
0x16: {  	s3 =	sld [smem:$0x3FDB];
	s0 =	simm.s32 @p2 $0x1  }
0x17: {  	s4 =	simm.s32 $0x1BF5;
	[smem:$0x3FBB] =	sst s0  }
0x18: {  	s0 =	sld [smem:$0x3F9E];
	_ =	swait.ge [sflag:s4], $0x0  }
0x19: {  	s7 =	sld [smem:$0x3F9F]  }
0x1a: {  	s8 =	sadd.s32 $0xFFFFE003, lr  }
0x1b: {  	s9 =	sadd.s32 $0xFFFFFEF7, lr;
	s5 =	simm.s32 $0xFFFFFFFF;
	p2 =	slt.u32 s8, $0xFFFFF086  }
0x1c: {  	p1 =	slt.u32 s9, $0xF7A;
	s5 =	simm.s32 @!p2 $0x0  }
0x1d: {  	s5 =	simm.s32 @p1 $0x1;
	p0 =	seq.s32 s7, s2  }
0x1e: {  	s7 =	smul.u32 @!p0 $0xF7A, s2;
	p2 =	seq.s32 @!p0 s5, $0x0  }
0x1f: {  	s9 =	smul.u32 $0xF7A, s1;
	s8 =	simm.s32 @!p0 $0x1BF5;
	p2 =	por !p2, p0  }
0x20: {  	[sflag:s8] =	ssyncset.s32 @!p0 $0xFFFFF086;
	s6 =	sadd.s32 @!p0 s3, s7;
	s7 =	simm.s32 @!p0 $0x108  }
0x21: {  	s3 =	sadd.s32 s3, s9;
	s6 =	sadd.s32 @!p0 $0x88, s6;
	s7 =	simm.s32 @p2 $0x1082  }
0x22: {  	[simem:s7], [sflag:s8] =	dma.local @!p0 [hbm:s6], $0xF7A  }
0x23: {  	s9 =	sor.u32 $0xD0000000, s2;
	s6 =	simm.s32 $0x108;
	_ =	swait.ge @!p0 [sflag:s8], $0x0  }
0x24: {  	s3 =	sadd.s32 $0x88, s3;
	s6 =	simm.s32 @!p1 $0x1082;
	[sflag:s4] =	ssyncset.s32 $0xFFFFF086  }
0x25: {  	[simem:s6], [sflag:s4] =	dma.local [hbm:s3], $0xF7A  }
0x26: {  	[smem:$0x3F9F] =	sst s1;
	(tag) =	ssettag s2;
	_ =	strace s9  }
0x27: {  	s1 =	sld [smem:$0x3FAF]  }
0x28: {  	s2 =	sld [smem:$0x3FB0]  }
0x29: {  	s4 =	sld [smem:$0x3FB2]  }
0x2a: {  	p0 =	seq.s32 s5, $0x0;
	s5 =	sld [smem:$0x3FB3]  }
0x2b: {  	s6 =	sld [smem:$0x3FB4]  }
0x2c: {  	s7 =	sld [smem:$0x3FB5]  }
0x2d: {  	s3 =	simm.s32 $0x108;
	s8 =	sld [smem:$0x3FB6]  }
0x2e: {  	s3 =	simm.s32 @!p0 $0x1082;
	s9 =	sld [smem:$0x3FB7]  }
0x2f: {  	lr =	sadd.s32 s0, s3;
	s0 =	sld [smem:$0x3FAE]  }
0x30: {  	s3 =	sld [smem:$0x3FB1]  }
0x31: {  	[smem:$0x3FBA] =	sst s10  }
0x32: {  	s10 =	sld [smem:$0x3FB8];
	_ =	sdelay $0x3  }
0x33: {  	p0 =	seq.s32 s10, $0x1;
	s10 =	sld [smem:$0x3FBA];
	_ =	sdelay $0x3  }
0x34: {  	[smem:$0x3FBA] =	sst s10  }
0x35: {  	s10 =	sld [smem:$0x3FB9];
	_ =	sdelay $0x3  }
0x36: {  	p1 =	seq.s32 s10, $0x1;
	s10 =	sld [smem:$0x3FBA];
	_ =	sdelay $0x3  }
0x37: {  	[smem:$0x3FBA] =	sst s10  }
0x38: {  	s10 =	sld [smem:$0x3FBB]  }
0x39: {  	_ = 	snop;
	(pc) =	sbr.ind lr, $3  }
0x3a: {  	_ = 	snop  }
0x3b: {  	_ = 	snop  }
0x3c: {  	p2 =	seq.s32 s10, $0x1;
	s10 =	sld [smem:$0x3FBA]  }
0x3d: {  	_ =	shalt  }
0x3e: {  	_ =	shalt  }
0x3f: {  	_ =	shalt  }
0x40: {  	_ =	shalt  }
0x41: {  	_ =	shalt  }
0x42: {  	_ =	shalt  }
0x43: {  	_ =	shalt  }
0x44: {  	_ =	shalt  }
0x45: {  	_ =	shalt  }
0x46: {  	_ =	shalt  }
0x47: {  	_ =	shalt  }
0x48: {  	_ =	shalt  }
0x49: {  	_ =	shalt  }
0x4a: {  	_ =	shalt  }
0x4b: {  	_ =	shalt  }
0x4c: {  	_ =	shalt  }
0x4d: {  	_ =	shalt  }
0x4e: {  	_ =	shalt  }
0x4f: {  	_ =	shalt  }
0x50: {  	_ =	shalt  }
0x51: {  	_ =	shalt  }
0x52: {  	_ =	shalt  }
0x53: {  	_ =	shalt  }
0x54: {  	_ =	shalt  }
0x55: {  	_ =	shalt  }
0x56: {  	_ =	shalt  }
0x57: {  	_ =	shalt  }
0x58: {  	_ =	shalt  }
0x59: {  	_ =	shalt  }
0x5a: {  	_ =	shalt  }
0x5b: {  	_ =	shalt  }
0x5c: {  	_ =	shalt  }
0x5d: {  	_ =	shalt  }
0x5e: {  	_ =	shalt  }
0x5f: {  	_ =	shalt  }
0x60: {  	_ =	shalt  }
0x61: {  	_ =	shalt  }
0x62: {  	_ =	shalt  }
0x63: {  	_ =	shalt  }
0x64: {  	_ =	shalt  }
0x65: {  	_ =	shalt  }
0x66: {  	_ =	shalt  }
0x67: {  	_ =	shalt  }
0x68: {  	_ =	shalt  }
0x69: {  	_ =	shalt  }
0x6a: {  	_ =	shalt  }
0x6b: {  	_ =	shalt  }
0x6c: {  	_ =	shalt  }
0x6d: {  	_ =	shalt  }
0x6e: {  	_ =	shalt  }
0x6f: {  	_ =	shalt  }
0x70: {  	_ =	shalt  }
0x71: {  	_ =	shalt  }
0x72: {  	_ =	shalt  }
0x73: {  	_ =	shalt  }
0x74: {  	_ =	shalt  }
0x75: {  	_ =	shalt  }
0x76: {  	_ =	shalt  }
0x77: {  	_ =	shalt  }
0x78: {  	_ =	shalt  }
0x79: {  	_ =	shalt  }
0x7a: {  	_ =	shalt  }
0x7b: {  	_ =	shalt  }
0x7c: {  	_ =	shalt  }
0x7d: {  	_ =	shalt  }
0x7e: {  	_ =	shalt  }
0x7f: {  	_ =	shalt  }
0x80: {  	_ =	shalt  }
0x81: {  	_ =	shalt  }
0x82: {  	_ =	shalt  }
0x83: {  	_ =	shalt  }
0x84: {  	_ =	shalt  }
0x85: {  	_ =	shalt  }
0x86: {  	_ =	shalt  }
0x87: {  	_ =	shalt  }
.Lfunc_end0:
.L_simem_size_0:
called_computation_lowered:
.L_overlay_start_0:
0x88: {  	s2 =	sld [smem:$0x3FD9]  }
0x89: {  	s3 =	sld [smem:$0x3FFE];
	_ =	sdelay $0x1  }
0x8a: {  	s1 =	srdreg.scid  }
0x8b: {  	s0 =	sand.u32 $0x1, s1  }
0x8c: {  	s18 =	sshll.u32 s0, $0xA;
	s2 =	sadd.s32 s3, s2  }
0x8d: {  	s2 =	sadd.s32 s2, s18  }
0x8e: {  	[smem:$0x3FC6] =	sst s2  }
0x8f: {  	_ = 	snop  }
0x90: {  	s2 =	sld [smem:$0x3FC9]  }
0x91: {  	s19 =	sld [smem:$0x3FD0];
	(tm) =	ssettm $0x1  }
0x92: {  	s4 =	sld [smem:$0x3FFB];
	_ =	sdelay $0x3  }
0x93: {  	_ =	strace s4  }
0x94: {  	s4 =	sld [smem:$0x3FFC];
	_ =	sdelay $0x3  }
0x95: {  	_ =	strace s4  }
0x96: {  	s4 =	sld [smem:$0x3FFD];
	_ =	sdelay $0x3  }
0x97: {  	_ =	strace s4  }
0x98: {  	_ =	strace $0x8FFFFFFF  }
0x99: {  	s20 =	sld [smem:$0x3FDB];
	_ =	sdelay $0x1  }
0x9a: {  	s5 =	simm.s32 $_scs_section_size  }
0x9b: {  	s6 =	simm.s32 $_size__tile_overlayer_lowered;
	s7 =	simm.s32 $_tile_overlayer_lowered  }
0x9c: {  	s23 =	simm.s32 $0x1BFF;
	s22 =	sshll.u32 s7, $0x1;
	s4 =	sadd.s32 s5, s20  }
0x9d: {  	s8 =	simm.s32 $0x0;
	s21 =	sshll.u32 s6, $0x1;
	s6 =	sadd.s32 s22, s4  }
0x9e: {  	[timem:s8], [sflag:s23] =	dma.local [hbm:s6], s21  }
0x9f: {  	_ =	swait.ge [sflag:s23], s21  }
0xa0: {  	s5 =	ssub.s32 $0x0, s21;
	[sflag:s23] =	ssyncset.done $0x0  }
0xa1: {  	[sflag:s23] =	ssyncadd.s32 s5;
	_ =	sdelay $0x1  }
0xa2: {  	s24 =	simm.s32 $0x1B8B  }
0xa3: {  	_ =	swait.ge [sflag:s24], $0x1  }
0xa4: {  	[sflag:s24] =	ssyncset.done $0x0  }
0xa5: {  	s25 =	simm.s32 $0x1B8E;
	[sflag:s24] =	ssyncadd.s32 $0xFFFFFFFF  }
0xa6: {  	s26 =	simm.s32 $execute0_lowered;
	[smem:$0x3FD2] =	sst s25  }
0xa7: {  	s5 =	sshll.u32 s26, $0x1;
	_ =	strace $0x80000046;
	[dreg:$0x1] =	wrdreg $0xFFFFFFFF  }
0xa8: {  	s28 =	simm.s32 $_size_execute0_lowered;
	s4 =	sadd.s32 s4, s5;
	[dreg:$0x0] =	wrdreg $0x0  }
0xa9: {  	s5 =	sshll.u32 s28, $0x1;
	[dreg:$0x2] =	wrdreg s4  }
0xaa: {  	[dreg:$0x3] =	wrdreg s5  }
0xab: {  	[dreg:$0x4] =	wrdreg $0xC0  }
0xac: {  	_ =	task [dreg:s8], $0x5FFFF  }
0xad: {  	[dreg:$0x1] =	wrdreg $0xFFFFFFFF  }
0xae: {  	[dreg:$0x0] =	wrdreg $0x60  }
0xaf: {  	[dreg:$0x2] =	wrdreg s2  }
0xb0: {  	[dreg:$0x3] =	wrdreg s19  }
0xb1: {  	[dreg:$0x4] =	wrdreg $0x9  }
0xb2: {  	_ =	task.clear_ibuf [dreg:s8], $0x5FFFF;
	_ =	strace $0x90000046  }
0xb3: {  	s29 =	simm.s32 $0x9;
	_ =	strace $0x80000048  }
0xb4: {  	_ =	swait.ge [sflag:s29], $0x1  }
0xb5: {  	[sflag:s29] =	ssyncadd.s32 $0xFFFFFFFF  }
0xb6: {  	_ =	strace $0x90000048  }
0xb7: {  	_ =	sfence  }
0xb8: {  	s30 =	sld [smem:$0x0];
	_ =	sdelay $0x2  }
0xb9: {  	s31 =	sshll.u32 s1, $0xD;
	s1 =	sshrl.u32 s1, $0x2  }
0xba: {  	s3 =	sand.u32 $0x4000, s31;
	s1 =	sadd.s32 s1, s30  }
0xbb: {  	s0 =	sor.u32 s3, s0;
	s1 =	sshll.u32 s1, $0x11  }
0xbc: {  	s0 =	sor.u32 s1, s0  }
0xbd: {  	s0 =	sadd.s32 $0x8F2B, s0  }
0xbe: {  	[sflag:s0] =	ssyncadd.remote.s32 $0x1  }
0xbf: {  	_ =	sfence.sel $0xFFFF  }
0xc0: {  	[dreg:$0x0] =	wrdreg $0xFFFFFFFF;
	(pc) =	sbr.abs _section_cstart, $3  }
0xc1: {  	[dreg:$0x1] =	wrdreg $0xFFFFFFFF  }
0xc2: {  	_ =	task.clear_ibuf [dreg:s8], $0x2FFFF;
	_ =	strace $0x9FFFFFFF  }
0xc3: {  	(tm) =	ssettm $0x7FFFFFFF  }
tec
execute0_lowered:
.L_overlay_start_1:
0x0: {  	(tag) =	ssettag $0x1  }
0x1: {  	s9 =	rddreg [dreg:$0x0]  }
0x2: {  	s2 =	rddreg [dreg:$0x1]  }
0x3: {  	s0 =	srdreg.scid;
	s3 =	simm.s32 $0x0;
	s6 =	stileid.u32  }
0x4: {  	s0 =	sand.u32 $0x1, s0;
	[smem:$0x7FF] =	sst s3;
	s31 =	sshll.u32 s6, $0x8  }
0x5: {  	s7 =	sshll.u32 s6, $0xB;
	s11 =	sadd.s32 $0x50, s9;
	s13 =	sadd.s32 $0x60, s9  }
0x6: {  	s15 =	sadd.s32 $0x70, s9;
	s29 =	sadd.s32 $0x1A0000, s2;
	s1 =	ssub.s32 $0x2, s0  }
0x7: {  	_ =	strace $0x80000047;
	s0 =	sshll.u32 s0, $0x7;
	[dreg:$0x6] =	wrdreg s11  }
0x8: {  	s8 =	sand.u32 $0x6000, s7;
	[dreg:$0x8] =	wrdreg s13;
	s4 =	sshrl.u32 s1, $0x1  }
0x9: {  	[dreg:$0xa] =	wrdreg s15;
	s1 =	ssub.s32 s1, s4;
	s4 =	sand.u32 $0x300, s31  }
0xa: {  	[dreg:$0x18] =	wrdreg s29;
	s0 =	sor.u32 s0, s4;
	s1 =	smax.u32 s1, $0x1  }
0xb: {  	s0 =	sor.u32 s8, s0;
	s8 =	sadd.s32 $0x40, s9;
	[dreg:$0x14] =	wrdreg s1  }
0xc: {  	[dreg:$0x4] =	wrdreg s8  }
0xd: {  	s10 =	sor.u32 $0xD0000, s0;
	[dreg:$0x3] =	wrdreg s0  }
0xe: {  	s12 =	sor.u32 $0x1A0000, s0;
	[dreg:$0x5] =	wrdreg s10  }
0xf: {  	s14 =	sor.u32 $0x270000, s0;
	[dreg:$0x7] =	wrdreg s12  }
0x10: {  	s16 =	sor.u32 $0x340000, s0;
	[dreg:$0x9] =	wrdreg s14  }
0x11: {  	s17 =	sor.u32 $0x410000, s0;
	[dreg:$0xb] =	wrdreg s16  }
0x12: {  	s18 =	sor.u32 $0x4E0000, s0;
	[dreg:$0xc] =	wrdreg s17  }
0x13: {  	s19 =	sor.u32 $0x5B0000, s0;
	[dreg:$0xd] =	wrdreg s18  }
0x14: {  	s20 =	sor.u32 $0x680000, s0;
	[dreg:$0xe] =	wrdreg s19  }
0x15: {  	s21 =	sor.u32 $0x750000, s0;
	[dreg:$0xf] =	wrdreg s20  }
0x16: {  	s5 =	sadd.s32 $0x10, s9;
	s22 =	sor.u32 $0x820000, s0;
	[dreg:$0x10] =	wrdreg s21  }
0x17: {  	s6 =	sadd.s32 $0x20, s9;
	s23 =	sor.u32 $0x8F0000, s0;
	[dreg:$0x11] =	wrdreg s22  }
0x18: {  	s7 =	sadd.s32 $0x30, s9;
	s24 =	sor.u32 $0x9C0000, s0;
	[dreg:$0x12] =	wrdreg s23  }
0x19: {  	s11 =	simm.s32 $0x18B00;
	s25 =	sor.u32 $0xA90000, s0;
	[dreg:$0x13] =	wrdreg s24  }
0x1a: {  	s13 =	simm.s32 $0x19300;
	s26 =	sor.u32 $0xB60000, s0;
	[dreg:$0x15] =	wrdreg s25  }
0x1b: {  	s15 =	simm.s32 $0x19700;
	s28 =	sor.u32 $0xC30000, s0;
	[dreg:$0x16] =	wrdreg s26  }
0x1c: {  	s4 =	simm.s32 $0x0;
	s30 =	sor.u32 $0xDD0000, s0;
	[dreg:$0x17] =	wrdreg s28  }
0x1d: {  	s1 =	simm.s32 $0x5;
	s31 =	sor.u32 $0xEA0000, s0;
	[dreg:$0x19] =	wrdreg s30  }
0x1e: {  	s8 =	smov.u32 s9;
	s0 =	sor.u32 $0xF70000, s0;
	[dreg:$0x1a] =	wrdreg s31  }
0x1f: {  	s9 =	simm.s32 $0x400;
	[dreg:$0x1b] =	wrdreg s0;
	s25 =	simm.s32 $0x80  }
0x20: {  	s10 =	simm.s32 $0x18700;
	s12 =	simm.s32 $0x18F00;
	s14 =	simm.s32 $0x1  }
0x21: {  	s16 =	simm.s32 $0x2;
	s17 =	simm.s32 $0x19B00;
	s18 =	simm.s32 $0x3  }
0x22: {  	s19 =	simm.s32 $0x19F00;
	s20 =	simm.s32 $0x4;
	s21 =	simm.s32 $0x1A300  }
0x23: {  	s22 =	simm.s32 $0x6;
	s23 =	simm.s32 $0x7;
	s24 =	simm.s32 $0x8  }
.LBB2_1:
0x24: {  	[tilespmem:s10], [sflag:$0x1] =	stream.strided.gather [hbm4b:s8+s25], $0x400, s9, s25, $0x38;
	[tilespmem:$0x1A700] =	vst v63  }
0x25: {  	_ = 	snop  }
0x26: {  	[tilespmem:s11], [sflag:$0x2] =	stream.strided.gather [hbm4b:s5+s25], $0x400, s9, s25, $0x38;
	[tilespmem:$0x1A700] =	vst v63  }
0x27: {  	_ = 	snop  }
0x28: {  	[tilespmem:s12], [sflag:$0x3] =	stream.strided.gather [hbm4b:s6+s25], $0x400, s9, s25, $0x38;
	[tilespmem:$0x1A700] =	vst v63  }
0x29: {  	[dreg:$0x1c] =	wrdreg s4;
	s28 =	simm.s32 $0x0  }
0x2a: {  	[tilespmem:s13], [sflag:$0x4] =	stream.strided.gather [hbm4b:s7+s25], $0x400, s9, s25, $0x38;
	[tilespmem:$0x1A700] =	vst v63  }
.LBB2_2:
0x2b: {  	_ =	swait.ge [sflag:s14], $0x400  }
0x2c: {  	p0 =	seq.s32 s28, $0x0;
	[sflag:s14] =	ssyncset.done $0x0  }
0x2d: {  	s0 =	simm.s32 @!p0 $0x5;
	[sflag:s14] =	ssyncadd.s32 $0xFFFFFC00  }
0x2e: {  	_ =	swait.ge @!p0 [sflag:s0], $0x400  }
0x2f: {  	[sflag:s0] =	ssyncset.done @!p0 $0x0  }
0x30: {  	s31 =	simm.s32 $0x18740;
	[sflag:s0] =	ssyncadd.s32 @!p0 $0xFFFFFC00  }
0x31: {  	v0 =	vld [tilespmem:s31+$0x30]  }
0x32: {  	v1 =	vld [tilespmem:s31+$0xFFFFFFD0]  }
0x33: {  	v2 =	vld [tilespmem:s31+$0xFFFFFFE0]  }
0x34: {  	v3 =	vld [tilespmem:s31+$0xFFFFFFF0]  }
0x35: {  	v6 =	vld [tilespmem:s31+$0x0]  }
0x36: {  	v7 =	vld [tilespmem:s31+$0x10]  }
0x37: {  	v8 =	vld [tilespmem:s31+$0x20]  }
0x38: {  	v9 =	vld [tilespmem:s31+$0xFFFFFFC0]  }
0x39: {  	v10 =	vld.idx.msk [tilespmem:v0+s3+$0x0], $0xffff  }
0x3a: {  	v11 =	vld.idx.msk [tilespmem:v1+s3+$0x0], $0xffff  }
0x3b: {  	v5 =	vld.idx.msk [tilespmem:v2+s3+$0x0], $0xffff  }
0x3c: {  	v4 =	vld.idx.msk [tilespmem:v3+s3+$0x0], $0xffff  }
0x3d: {  	v3 =	vld.idx.msk [tilespmem:v6+s3+$0x0], $0xffff  }
0x3e: {  	s30 =	simm.s32 $0x19740;
	v1 =	vld.idx.msk [tilespmem:v7+s3+$0x0], $0xffff  }
0x3f: {  	v0 =	vld.idx.msk [tilespmem:v8+s3+$0x0], $0xffff;
	[tilespmem:s30+$0x30] =	vst v10  }
0x40: {  	s26 =	simm.s32 $0x0;
	s0 =	simm.s32 $0x187C0;
	v2 =	vld.idx.msk [tilespmem:v9+s3+$0x0], $0xffff;
	[tilespmem:s30+$0xFFFFFFD0] =	vst v11  }
.LBB2_3:
0x41: {  	v6 =	vld [tilespmem:s0+$0x30];
	s26 =	sadd.s32 $0x8, s26;
	[tilespmem:s30+$0xFFFFFFE0] =	vst v5  }
0x42: {  	v5 =	vld [tilespmem:s0+$0xFFFFFFD0];
	p1 =	slt.u32 s26, $0x38;
	[tilespmem:s30+$0xFFFFFFF0] =	vst v4  }
0x43: {  	v4 =	vld [tilespmem:s0+$0xFFFFFFE0];
	[tilespmem:s30+$0x0] =	vst v3  }
0x44: {  	v3 =	vld [tilespmem:s0+$0xFFFFFFF0];
	[tilespmem:s30+$0x10] =	vst v1  }
0x45: {  	v1 =	vld [tilespmem:s0+$0x0];
	[tilespmem:s30+$0x20] =	vst v0  }
0x46: {  	v0 =	vld [tilespmem:s0+$0x10];
	[tilespmem:s30+$0xFFFFFFC0] =	vst v2  }
0x47: {  	v2 =	vld [tilespmem:s0+$0x20]  }
0x48: {  	v7 =	vld [tilespmem:s0+$0xFFFFFFC0]  }
0x49: {  	v6 =	vld.idx.msk [tilespmem:v6+s3+$0x0], $0xffff  }
0x4a: {  	v8 =	vld.idx.msk [tilespmem:v5+s3+$0x0], $0xffff  }
0x4b: {  	v5 =	vld.idx.msk [tilespmem:v4+s3+$0x0], $0xffff  }
.Ltmp0:
0x4c: {  	v4 =	vld.idx.msk [tilespmem:v3+s3+$0x0], $0xffff;
	(pc) =	sbr.rel @p1 .LBB2_3-.Ltmp0, $4  }
0x4d: {  	v3 =	vld.idx.msk [tilespmem:v1+s3+$0x0], $0xffff  }
0x4e: {  	s30 =	sadd.s32 $0x80, s30;
	v1 =	vld.idx.msk [tilespmem:v0+s3+$0x0], $0xffff  }
0x4f: {  	v0 =	vld.idx.msk [tilespmem:v2+s3+$0x0], $0xffff;
	[tilespmem:s30+$0x30] =	vst v6  }
0x50: {  	s0 =	sadd.s32 $0x80, s0;
	v2 =	vld.idx.msk [tilespmem:v7+s3+$0x0], $0xffff;
	[tilespmem:s30+$0xFFFFFFD0] =	vst v8  }
0x51: {  	[tilespmem:s30+$0xFFFFFFE0] =	vst v5  }
0x52: {  	[tilespmem:s30+$0xFFFFFFF0] =	vst v4  }
0x53: {  	[tilespmem:s30+$0x0] =	vst v3  }
0x54: {  	[tilespmem:s30+$0x10] =	vst v1  }
0x55: {  	s26 =	sshll.u32 s28, $0xF;
	s0 =	rddreg [dreg:$0x3]  }
0x56: {  	s4 =	smul.u32 $0x6000, s28;
	[tilespmem:s30+$0x20] =	vst v0;
	s0 =	sor.u32 s26, s0  }
0x57: {  	[tilespmem:s30+$0xFFFFFFC0] =	vst v2;
	s29 =	sshrl.u32 s0, $0x3  }
0x58: {  	s30 =	sshrl.u32 s4, $0x3;
	s4 =	rddreg [dreg:$0x4];
	s0 =	sadd.s32 s2, s29  }
0x59: {  	[hbm4b:s0+s25] =	stream.strided.scatter [tilespmem:s15], [sflag:$0x5], $0x400, s9, s25, $0x38;
	[tilespmem:$0x1A700] =	vst v63  }
0x5a: {  	s0 =	sadd.s32 s30, s4  }
0x5b: {  	[tilespmem:s10], [sflag:$0x1] =	stream.strided.gather [hbm4b:s0+s25], $0x400, s9, s25, $0x38;
	[tilespmem:$0x1A700] =	vst v63  }
0x5c: {  	_ =	swait.ge [sflag:s16], $0x400  }
0x5d: {  	[sflag:s16] =	ssyncset.done $0x0  }
0x5e: {  	s0 =	simm.s32 @!p0 $0x6;
	[sflag:s16] =	ssyncadd.s32 $0xFFFFFC00  }
0x5f: {  	_ =	swait.ge @!p0 [sflag:s0], $0x400  }
0x60: {  	[sflag:s0] =	ssyncset.done @!p0 $0x0  }
0x61: {  	s4 =	simm.s32 $0x18B40;
	[sflag:s0] =	ssyncadd.s32 @!p0 $0xFFFFFC00  }
0x62: {  	v0 =	vld [tilespmem:s4+$0x30]  }
0x63: {  	v1 =	vld [tilespmem:s4+$0xFFFFFFD0]  }
0x64: {  	v2 =	vld [tilespmem:s4+$0xFFFFFFE0]  }
0x65: {  	v3 =	vld [tilespmem:s4+$0xFFFFFFF0]  }
0x66: {  	v6 =	vld [tilespmem:s4+$0x0]  }
0x67: {  	v7 =	vld [tilespmem:s4+$0x10]  }
0x68: {  	v8 =	vld [tilespmem:s4+$0x20]  }
0x69: {  	v9 =	vld [tilespmem:s4+$0xFFFFFFC0]  }
0x6a: {  	v10 =	vld.idx.msk [tilespmem:v0+s3+$0x0], $0xffff  }
0x6b: {  	v11 =	vld.idx.msk [tilespmem:v1+s3+$0x0], $0xffff  }
0x6c: {  	v5 =	vld.idx.msk [tilespmem:v2+s3+$0x0], $0xffff  }
0x6d: {  	v4 =	vld.idx.msk [tilespmem:v3+s3+$0x0], $0xffff  }
0x6e: {  	v1 =	vld.idx.msk [tilespmem:v6+s3+$0x0], $0xffff  }
0x6f: {  	s31 =	simm.s32 $0x19B40;
	v2 =	vld.idx.msk [tilespmem:v7+s3+$0x0], $0xffff  }
0x70: {  	v0 =	vld.idx.msk [tilespmem:v8+s3+$0x0], $0xffff;
	[tilespmem:s31+$0x30] =	vst v10  }
0x71: {  	s0 =	simm.s32 $0x0;
	s4 =	simm.s32 $0x18BC0;
	v3 =	vld.idx.msk [tilespmem:v9+s3+$0x0], $0xffff;
	[tilespmem:s31+$0xFFFFFFD0] =	vst v11  }
.LBB2_5:
0x72: {  	v6 =	vld [tilespmem:s4+$0x30];
	s0 =	sadd.s32 $0x8, s0;
	[tilespmem:s31+$0xFFFFFFE0] =	vst v5  }
0x73: {  	v5 =	vld [tilespmem:s4+$0xFFFFFFD0];
	p1 =	slt.u32 s0, $0x38;
	[tilespmem:s31+$0xFFFFFFF0] =	vst v4  }
0x74: {  	v4 =	vld [tilespmem:s4+$0xFFFFFFE0];
	[tilespmem:s31+$0x0] =	vst v1  }
0x75: {  	v1 =	vld [tilespmem:s4+$0xFFFFFFF0];
	[tilespmem:s31+$0x10] =	vst v2  }
0x76: {  	v2 =	vld [tilespmem:s4+$0x0];
	[tilespmem:s31+$0x20] =	vst v0  }
0x77: {  	v0 =	vld [tilespmem:s4+$0x10];
	[tilespmem:s31+$0xFFFFFFC0] =	vst v3  }
0x78: {  	v3 =	vld [tilespmem:s4+$0x20]  }
0x79: {  	v7 =	vld [tilespmem:s4+$0xFFFFFFC0]  }
0x7a: {  	v6 =	vld.idx.msk [tilespmem:v6+s3+$0x0], $0xffff  }
0x7b: {  	v8 =	vld.idx.msk [tilespmem:v5+s3+$0x0], $0xffff  }
0x7c: {  	v5 =	vld.idx.msk [tilespmem:v4+s3+$0x0], $0xffff  }
.Ltmp1:
0x7d: {  	v4 =	vld.idx.msk [tilespmem:v1+s3+$0x0], $0xffff;
	(pc) =	sbr.rel @p1 .LBB2_5-.Ltmp1, $4  }
0x7e: {  	v1 =	vld.idx.msk [tilespmem:v2+s3+$0x0], $0xffff  }
0x7f: {  	s31 =	sadd.s32 $0x80, s31;
	v2 =	vld.idx.msk [tilespmem:v0+s3+$0x0], $0xffff  }
0x80: {  	v0 =	vld.idx.msk [tilespmem:v3+s3+$0x0], $0xffff;
	[tilespmem:s31+$0x30] =	vst v6  }
0x81: {  	s4 =	sadd.s32 $0x80, s4;
	v3 =	vld.idx.msk [tilespmem:v7+s3+$0x0], $0xffff;
	[tilespmem:s31+$0xFFFFFFD0] =	vst v8  }
0x82: {  	[tilespmem:s31+$0xFFFFFFE0] =	vst v5  }
0x83: {  	[tilespmem:s31+$0xFFFFFFF0] =	vst v4  }
0x84: {  	[tilespmem:s31+$0x0] =	vst v1  }
0x85: {  	[tilespmem:s31+$0x10] =	vst v2  }
0x86: {  	s0 =	rddreg [dreg:$0x5]  }
0x87: {  	[tilespmem:s31+$0x20] =	vst v0;
	s0 =	sadd.s32 s0, s26  }
0x88: {  	[tilespmem:s31+$0xFFFFFFC0] =	vst v3;
	s0 =	sshrl.u32 s0, $0x3  }
0x89: {  	s4 =	rddreg [dreg:$0x6];
	s0 =	sadd.s32 s2, s0  }
0x8a: {  	[hbm4b:s0+s25] =	stream.strided.scatter [tilespmem:s17], [sflag:$0x6], $0x400, s9, s25, $0x38;
	[tilespmem:$0x1A700] =	vst v63  }
0x8b: {  	s0 =	sadd.s32 s30, s4  }
0x8c: {  	[tilespmem:s11], [sflag:$0x2] =	stream.strided.gather [hbm4b:s0+s25], $0x400, s9, s25, $0x38;
	[tilespmem:$0x1A700] =	vst v63  }
0x8d: {  	_ =	swait.ge [sflag:s18], $0x400  }
0x8e: {  	[sflag:s18] =	ssyncset.done $0x0  }
0x8f: {  	s0 =	simm.s32 @!p0 $0x7;
	[sflag:s18] =	ssyncadd.s32 $0xFFFFFC00  }
0x90: {  	_ =	swait.ge @!p0 [sflag:s0], $0x400  }
0x91: {  	[sflag:s0] =	ssyncset.done @!p0 $0x0  }
0x92: {  	s4 =	simm.s32 $0x18F40;
	[sflag:s0] =	ssyncadd.s32 @!p0 $0xFFFFFC00  }
0x93: {  	v0 =	vld [tilespmem:s4+$0x30]  }
0x94: {  	v1 =	vld [tilespmem:s4+$0xFFFFFFD0]  }
0x95: {  	v2 =	vld [tilespmem:s4+$0xFFFFFFE0]  }
0x96: {  	v3 =	vld [tilespmem:s4+$0xFFFFFFF0]  }
0x97: {  	v6 =	vld [tilespmem:s4+$0x0]  }
0x98: {  	v7 =	vld [tilespmem:s4+$0x10]  }
0x99: {  	v8 =	vld [tilespmem:s4+$0x20]  }
0x9a: {  	v9 =	vld [tilespmem:s4+$0xFFFFFFC0]  }
0x9b: {  	v10 =	vld.idx.msk [tilespmem:v0+s3+$0x0], $0xffff  }
0x9c: {  	v11 =	vld.idx.msk [tilespmem:v1+s3+$0x0], $0xffff  }
0x9d: {  	v5 =	vld.idx.msk [tilespmem:v2+s3+$0x0], $0xffff  }
0x9e: {  	v4 =	vld.idx.msk [tilespmem:v3+s3+$0x0], $0xffff  }
0x9f: {  	v1 =	vld.idx.msk [tilespmem:v6+s3+$0x0], $0xffff  }
0xa0: {  	s31 =	simm.s32 $0x19F40;
	v2 =	vld.idx.msk [tilespmem:v7+s3+$0x0], $0xffff  }
0xa1: {  	v0 =	vld.idx.msk [tilespmem:v8+s3+$0x0], $0xffff;
	[tilespmem:s31+$0x30] =	vst v10  }
0xa2: {  	s0 =	simm.s32 $0x0;
	s4 =	simm.s32 $0x18FC0;
	v3 =	vld.idx.msk [tilespmem:v9+s3+$0x0], $0xffff;
	[tilespmem:s31+$0xFFFFFFD0] =	vst v11  }
.LBB2_7:
0xa3: {  	v6 =	vld [tilespmem:s4+$0x30];
	s0 =	sadd.s32 $0x8, s0;
	[tilespmem:s31+$0xFFFFFFE0] =	vst v5  }
0xa4: {  	v5 =	vld [tilespmem:s4+$0xFFFFFFD0];
	p1 =	slt.u32 s0, $0x38;
	[tilespmem:s31+$0xFFFFFFF0] =	vst v4  }
0xa5: {  	v4 =	vld [tilespmem:s4+$0xFFFFFFE0];
	[tilespmem:s31+$0x0] =	vst v1  }
0xa6: {  	v1 =	vld [tilespmem:s4+$0xFFFFFFF0];
	[tilespmem:s31+$0x10] =	vst v2  }
0xa7: {  	v2 =	vld [tilespmem:s4+$0x0];
	[tilespmem:s31+$0x20] =	vst v0  }
0xa8: {  	v0 =	vld [tilespmem:s4+$0x10];
	[tilespmem:s31+$0xFFFFFFC0] =	vst v3  }
0xa9: {  	v3 =	vld [tilespmem:s4+$0x20]  }
0xaa: {  	v7 =	vld [tilespmem:s4+$0xFFFFFFC0]  }
0xab: {  	v6 =	vld.idx.msk [tilespmem:v6+s3+$0x0], $0xffff  }
0xac: {  	v8 =	vld.idx.msk [tilespmem:v5+s3+$0x0], $0xffff  }
0xad: {  	v5 =	vld.idx.msk [tilespmem:v4+s3+$0x0], $0xffff  }
.Ltmp2:
0xae: {  	v4 =	vld.idx.msk [tilespmem:v1+s3+$0x0], $0xffff;
	(pc) =	sbr.rel @p1 .LBB2_7-.Ltmp2, $4  }
0xaf: {  	v1 =	vld.idx.msk [tilespmem:v2+s3+$0x0], $0xffff  }
0xb0: {  	s31 =	sadd.s32 $0x80, s31;
	v2 =	vld.idx.msk [tilespmem:v0+s3+$0x0], $0xffff  }
0xb1: {  	v0 =	vld.idx.msk [tilespmem:v3+s3+$0x0], $0xffff;
	[tilespmem:s31+$0x30] =	vst v6  }
0xb2: {  	s4 =	sadd.s32 $0x80, s4;
	v3 =	vld.idx.msk [tilespmem:v7+s3+$0x0], $0xffff;
	[tilespmem:s31+$0xFFFFFFD0] =	vst v8  }
0xb3: {  	[tilespmem:s31+$0xFFFFFFE0] =	vst v5  }
0xb4: {  	[tilespmem:s31+$0xFFFFFFF0] =	vst v4  }
0xb5: {  	[tilespmem:s31+$0x0] =	vst v1  }
0xb6: {  	[tilespmem:s31+$0x10] =	vst v2  }
0xb7: {  	s0 =	rddreg [dreg:$0x7]  }
0xb8: {  	[tilespmem:s31+$0x20] =	vst v0;
	s0 =	sadd.s32 s0, s26  }
0xb9: {  	[tilespmem:s31+$0xFFFFFFC0] =	vst v3;
	s0 =	sshrl.u32 s0, $0x3  }
0xba: {  	s4 =	rddreg [dreg:$0x8];
	s0 =	sadd.s32 s2, s0  }
0xbb: {  	[hbm4b:s0+s25] =	stream.strided.scatter [tilespmem:s19], [sflag:$0x7], $0x400, s9, s25, $0x38;
	[tilespmem:$0x1A700] =	vst v63  }
0xbc: {  	s0 =	sadd.s32 s30, s4  }
0xbd: {  	[tilespmem:s12], [sflag:$0x3] =	stream.strided.gather [hbm4b:s0+s25], $0x400, s9, s25, $0x38;
	[tilespmem:$0x1A700] =	vst v63  }
0xbe: {  	_ =	swait.ge [sflag:s20], $0x400  }
0xbf: {  	[sflag:s20] =	ssyncset.done $0x0  }
0xc0: {  	s0 =	simm.s32 @!p0 $0x8;
	[sflag:s20] =	ssyncadd.s32 $0xFFFFFC00  }
0xc1: {  	_ =	swait.ge @!p0 [sflag:s0], $0x400  }
0xc2: {  	[sflag:s0] =	ssyncset.done @!p0 $0x0  }
0xc3: {  	s4 =	simm.s32 $0x19340;
	[sflag:s0] =	ssyncadd.s32 @!p0 $0xFFFFFC00  }
0xc4: {  	v0 =	vld [tilespmem:s4+$0x30]  }
0xc5: {  	v1 =	vld [tilespmem:s4+$0xFFFFFFD0]  }
0xc6: {  	v2 =	vld [tilespmem:s4+$0xFFFFFFE0]  }
0xc7: {  	v3 =	vld [tilespmem:s4+$0xFFFFFFF0]  }
0xc8: {  	v6 =	vld [tilespmem:s4+$0x0]  }
0xc9: {  	v7 =	vld [tilespmem:s4+$0x10]  }
0xca: {  	v8 =	vld [tilespmem:s4+$0x20]  }
0xcb: {  	v9 =	vld [tilespmem:s4+$0xFFFFFFC0]  }
0xcc: {  	v10 =	vld.idx.msk [tilespmem:v0+s3+$0x0], $0xffff  }
0xcd: {  	v11 =	vld.idx.msk [tilespmem:v1+s3+$0x0], $0xffff  }
0xce: {  	v5 =	vld.idx.msk [tilespmem:v2+s3+$0x0], $0xffff  }
0xcf: {  	v4 =	vld.idx.msk [tilespmem:v3+s3+$0x0], $0xffff  }
0xd0: {  	v1 =	vld.idx.msk [tilespmem:v6+s3+$0x0], $0xffff  }
0xd1: {  	s31 =	simm.s32 $0x1A340;
	v2 =	vld.idx.msk [tilespmem:v7+s3+$0x0], $0xffff  }
0xd2: {  	v0 =	vld.idx.msk [tilespmem:v8+s3+$0x0], $0xffff;
	[tilespmem:s31+$0x30] =	vst v10  }
0xd3: {  	s0 =	simm.s32 $0x0;
	s4 =	simm.s32 $0x193C0;
	v3 =	vld.idx.msk [tilespmem:v9+s3+$0x0], $0xffff;
	[tilespmem:s31+$0xFFFFFFD0] =	vst v11  }
.LBB2_9:
0xd4: {  	v6 =	vld [tilespmem:s4+$0x30];
	s0 =	sadd.s32 $0x8, s0;
	[tilespmem:s31+$0xFFFFFFE0] =	vst v5  }
0xd5: {  	v5 =	vld [tilespmem:s4+$0xFFFFFFD0];
	p0 =	slt.u32 s0, $0x38;
	[tilespmem:s31+$0xFFFFFFF0] =	vst v4  }
0xd6: {  	v4 =	vld [tilespmem:s4+$0xFFFFFFE0];
	[tilespmem:s31+$0x0] =	vst v1  }
0xd7: {  	v1 =	vld [tilespmem:s4+$0xFFFFFFF0];
	[tilespmem:s31+$0x10] =	vst v2  }
0xd8: {  	v2 =	vld [tilespmem:s4+$0x0];
	[tilespmem:s31+$0x20] =	vst v0  }
0xd9: {  	v0 =	vld [tilespmem:s4+$0x10];
	[tilespmem:s31+$0xFFFFFFC0] =	vst v3  }
0xda: {  	v3 =	vld [tilespmem:s4+$0x20]  }
0xdb: {  	v7 =	vld [tilespmem:s4+$0xFFFFFFC0]  }
0xdc: {  	v6 =	vld.idx.msk [tilespmem:v6+s3+$0x0], $0xffff  }
0xdd: {  	v8 =	vld.idx.msk [tilespmem:v5+s3+$0x0], $0xffff  }
0xde: {  	v5 =	vld.idx.msk [tilespmem:v4+s3+$0x0], $0xffff  }
.Ltmp3:
0xdf: {  	v4 =	vld.idx.msk [tilespmem:v1+s3+$0x0], $0xffff;
	(pc) =	sbr.rel @p0 .LBB2_9-.Ltmp3, $4  }
0xe0: {  	v1 =	vld.idx.msk [tilespmem:v2+s3+$0x0], $0xffff  }
0xe1: {  	s31 =	sadd.s32 $0x80, s31;
	v2 =	vld.idx.msk [tilespmem:v0+s3+$0x0], $0xffff  }
0xe2: {  	v0 =	vld.idx.msk [tilespmem:v3+s3+$0x0], $0xffff;
	[tilespmem:s31+$0x30] =	vst v6  }
0xe3: {  	s4 =	sadd.s32 $0x80, s4;
	v3 =	vld.idx.msk [tilespmem:v7+s3+$0x0], $0xffff;
	[tilespmem:s31+$0xFFFFFFD0] =	vst v8  }
0xe4: {  	[tilespmem:s31+$0xFFFFFFE0] =	vst v5  }
0xe5: {  	[tilespmem:s31+$0xFFFFFFF0] =	vst v4  }
0xe6: {  	[tilespmem:s31+$0x0] =	vst v1  }
0xe7: {  	[tilespmem:s31+$0x10] =	vst v2  }
0xe8: {  	s0 =	rddreg [dreg:$0x9]  }
0xe9: {  	[tilespmem:s31+$0x20] =	vst v0;
	s0 =	sadd.s32 s0, s26  }
0xea: {  	[tilespmem:s31+$0xFFFFFFC0] =	vst v3;
	s0 =	sshrl.u32 s0, $0x3  }
0xeb: {  	s4 =	rddreg [dreg:$0xa];
	s0 =	sadd.s32 s2, s0  }
0xec: {  	[hbm4b:s0+s25] =	stream.strided.scatter [tilespmem:s21], [sflag:$0x8], $0x400, s9, s25, $0x38;
	[tilespmem:$0x1A700] =	vst v63  }
0xed: {  	s0 =	sadd.s32 s30, s4  }
0xee: {  	[tilespmem:s13], [sflag:$0x4] =	stream.strided.gather [hbm4b:s0+s25], $0x400, s9, s25, $0x38;
	[tilespmem:$0x1A700] =	vst v63  }
0xef: {  	_ =	swait.ge [sflag:s14], $0x400  }
0xf0: {  	[sflag:s14] =	ssyncset.done $0x0  }
0xf1: {  	[sflag:s14] =	ssyncadd.s32 $0xFFFFFC00  }
0xf2: {  	_ =	swait.ge [sflag:s1], $0x400  }
0xf3: {  	[sflag:s1] =	ssyncset.done $0x0  }
0xf4: {  	s4 =	simm.s32 $0x18740;
	[sflag:s1] =	ssyncadd.s32 $0xFFFFFC00  }
0xf5: {  	v0 =	vld [tilespmem:s4+$0x30]  }
0xf6: {  	v1 =	vld [tilespmem:s4+$0xFFFFFFD0]  }
0xf7: {  	v2 =	vld [tilespmem:s4+$0xFFFFFFE0]  }
0xf8: {  	v3 =	vld [tilespmem:s4+$0xFFFFFFF0]  }
0xf9: {  	v6 =	vld [tilespmem:s4+$0x0]  }
0xfa: {  	v7 =	vld [tilespmem:s4+$0x10]  }
0xfb: {  	v8 =	vld [tilespmem:s4+$0x20]  }
0xfc: {  	v9 =	vld [tilespmem:s4+$0xFFFFFFC0]  }
0xfd: {  	v10 =	vld.idx.msk [tilespmem:v0+s3+$0x0], $0xffff  }
0xfe: {  	v11 =	vld.idx.msk [tilespmem:v1+s3+$0x0], $0xffff  }
0xff: {  	v5 =	vld.idx.msk [tilespmem:v2+s3+$0x0], $0xffff  }
0x100: {  	v4 =	vld.idx.msk [tilespmem:v3+s3+$0x0], $0xffff  }
0x101: {  	v1 =	vld.idx.msk [tilespmem:v6+s3+$0x0], $0xffff  }
0x102: {  	s31 =	simm.s32 $0x19740;
	v2 =	vld.idx.msk [tilespmem:v7+s3+$0x0], $0xffff  }
0x103: {  	v0 =	vld.idx.msk [tilespmem:v8+s3+$0x0], $0xffff;
	[tilespmem:s31+$0x30] =	vst v10  }
0x104: {  	s0 =	simm.s32 $0x0;
	s4 =	simm.s32 $0x187C0;
	v3 =	vld.idx.msk [tilespmem:v9+s3+$0x0], $0xffff;
	[tilespmem:s31+$0xFFFFFFD0] =	vst v11  }
.LBB2_11:
0x105: {  	v6 =	vld [tilespmem:s4+$0x30];
	s0 =	sadd.s32 $0x8, s0;
	[tilespmem:s31+$0xFFFFFFE0] =	vst v5  }
0x106: {  	v5 =	vld [tilespmem:s4+$0xFFFFFFD0];
	p0 =	slt.u32 s0, $0x38;
	[tilespmem:s31+$0xFFFFFFF0] =	vst v4  }
0x107: {  	v4 =	vld [tilespmem:s4+$0xFFFFFFE0];
	[tilespmem:s31+$0x0] =	vst v1  }
0x108: {  	v1 =	vld [tilespmem:s4+$0xFFFFFFF0];
	[tilespmem:s31+$0x10] =	vst v2  }
0x109: {  	v2 =	vld [tilespmem:s4+$0x0];
	[tilespmem:s31+$0x20] =	vst v0  }
0x10a: {  	v0 =	vld [tilespmem:s4+$0x10];
	[tilespmem:s31+$0xFFFFFFC0] =	vst v3  }
0x10b: {  	v3 =	vld [tilespmem:s4+$0x20]  }
0x10c: {  	v7 =	vld [tilespmem:s4+$0xFFFFFFC0]  }
0x10d: {  	v6 =	vld.idx.msk [tilespmem:v6+s3+$0x0], $0xffff  }
0x10e: {  	v8 =	vld.idx.msk [tilespmem:v5+s3+$0x0], $0xffff  }
0x10f: {  	v5 =	vld.idx.msk [tilespmem:v4+s3+$0x0], $0xffff  }
.Ltmp4:
0x110: {  	v4 =	vld.idx.msk [tilespmem:v1+s3+$0x0], $0xffff;
	(pc) =	sbr.rel @p0 .LBB2_11-.Ltmp4, $4  }
0x111: {  	v1 =	vld.idx.msk [tilespmem:v2+s3+$0x0], $0xffff  }
0x112: {  	s31 =	sadd.s32 $0x80, s31;
	v2 =	vld.idx.msk [tilespmem:v0+s3+$0x0], $0xffff  }
0x113: {  	v0 =	vld.idx.msk [tilespmem:v3+s3+$0x0], $0xffff;
	[tilespmem:s31+$0x30] =	vst v6  }
0x114: {  	s4 =	sadd.s32 $0x80, s4;
	v3 =	vld.idx.msk [tilespmem:v7+s3+$0x0], $0xffff;
	[tilespmem:s31+$0xFFFFFFD0] =	vst v8  }
0x115: {  	[tilespmem:s31+$0xFFFFFFE0] =	vst v5  }
0x116: {  	[tilespmem:s31+$0xFFFFFFF0] =	vst v4  }
0x117: {  	[tilespmem:s31+$0x0] =	vst v1  }
0x118: {  	[tilespmem:s31+$0x10] =	vst v2  }
0x119: {  	s0 =	rddreg [dreg:$0xb]  }
0x11a: {  	s0 =	sadd.s32 s0, s26  }
0x11b: {  	[tilespmem:s31+$0x20] =	vst v0;
	s0 =	sshrl.u32 s0, $0x3  }
0x11c: {  	s30 =	sadd.s32 s8, s30;
	[tilespmem:s31+$0xFFFFFFC0] =	vst v3;
	s0 =	sadd.s32 s2, s0  }
0x11d: {  	[hbm4b:s0+s25] =	stream.strided.scatter [tilespmem:s15], [sflag:$0x5], $0x400, s9, s25, $0x38;
	[tilespmem:$0x1A700] =	vst v63  }
0x11e: {  	s4 =	sadd.s32 $0x400, s30  }
0x11f: {  	[tilespmem:s10], [sflag:$0x1] =	stream.strided.gather [hbm4b:s4+s25], $0x400, s9, s25, $0x38;
	[tilespmem:$0x1A700] =	vst v63  }
0x120: {  	_ =	swait.ge [sflag:s16], $0x400  }
0x121: {  	[sflag:s16] =	ssyncset.done $0x0  }
0x122: {  	[sflag:s16] =	ssyncadd.s32 $0xFFFFFC00  }
0x123: {  	_ =	swait.ge [sflag:s22], $0x400  }
0x124: {  	[sflag:s22] =	ssyncset.done $0x0  }
0x125: {  	s4 =	simm.s32 $0x18B40;
	[sflag:s22] =	ssyncadd.s32 $0xFFFFFC00  }
0x126: {  	v0 =	vld [tilespmem:s4+$0x30]  }
0x127: {  	v1 =	vld [tilespmem:s4+$0xFFFFFFD0]  }
0x128: {  	v2 =	vld [tilespmem:s4+$0xFFFFFFE0]  }
0x129: {  	v3 =	vld [tilespmem:s4+$0xFFFFFFF0]  }
0x12a: {  	v6 =	vld [tilespmem:s4+$0x0]  }
0x12b: {  	v7 =	vld [tilespmem:s4+$0x10]  }
0x12c: {  	v8 =	vld [tilespmem:s4+$0x20]  }
0x12d: {  	v9 =	vld [tilespmem:s4+$0xFFFFFFC0]  }
0x12e: {  	v10 =	vld.idx.msk [tilespmem:v0+s3+$0x0], $0xffff  }
0x12f: {  	v11 =	vld.idx.msk [tilespmem:v1+s3+$0x0], $0xffff  }
0x130: {  	v5 =	vld.idx.msk [tilespmem:v2+s3+$0x0], $0xffff  }
0x131: {  	v4 =	vld.idx.msk [tilespmem:v3+s3+$0x0], $0xffff  }
0x132: {  	v1 =	vld.idx.msk [tilespmem:v6+s3+$0x0], $0xffff  }
0x133: {  	s31 =	simm.s32 $0x19B40;
	v2 =	vld.idx.msk [tilespmem:v7+s3+$0x0], $0xffff  }
0x134: {  	v0 =	vld.idx.msk [tilespmem:v8+s3+$0x0], $0xffff;
	[tilespmem:s31+$0x30] =	vst v10  }
0x135: {  	s0 =	simm.s32 $0x0;
	s4 =	simm.s32 $0x18BC0;
	v3 =	vld.idx.msk [tilespmem:v9+s3+$0x0], $0xffff;
	[tilespmem:s31+$0xFFFFFFD0] =	vst v11  }
.LBB2_13:
0x136: {  	v6 =	vld [tilespmem:s4+$0x30];
	s0 =	sadd.s32 $0x8, s0;
	[tilespmem:s31+$0xFFFFFFE0] =	vst v5  }
0x137: {  	v5 =	vld [tilespmem:s4+$0xFFFFFFD0];
	p0 =	slt.u32 s0, $0x38;
	[tilespmem:s31+$0xFFFFFFF0] =	vst v4  }
0x138: {  	v4 =	vld [tilespmem:s4+$0xFFFFFFE0];
	[tilespmem:s31+$0x0] =	vst v1  }
0x139: {  	v1 =	vld [tilespmem:s4+$0xFFFFFFF0];
	[tilespmem:s31+$0x10] =	vst v2  }
0x13a: {  	v2 =	vld [tilespmem:s4+$0x0];
	[tilespmem:s31+$0x20] =	vst v0  }
0x13b: {  	v0 =	vld [tilespmem:s4+$0x10];
	[tilespmem:s31+$0xFFFFFFC0] =	vst v3  }
0x13c: {  	v3 =	vld [tilespmem:s4+$0x20]  }
0x13d: {  	v7 =	vld [tilespmem:s4+$0xFFFFFFC0]  }
0x13e: {  	v6 =	vld.idx.msk [tilespmem:v6+s3+$0x0], $0xffff  }
0x13f: {  	v8 =	vld.idx.msk [tilespmem:v5+s3+$0x0], $0xffff  }
0x140: {  	v5 =	vld.idx.msk [tilespmem:v4+s3+$0x0], $0xffff  }
.Ltmp5:
0x141: {  	v4 =	vld.idx.msk [tilespmem:v1+s3+$0x0], $0xffff;
	(pc) =	sbr.rel @p0 .LBB2_13-.Ltmp5, $4  }
0x142: {  	v1 =	vld.idx.msk [tilespmem:v2+s3+$0x0], $0xffff  }
0x143: {  	s31 =	sadd.s32 $0x80, s31;
	v2 =	vld.idx.msk [tilespmem:v0+s3+$0x0], $0xffff  }
0x144: {  	v0 =	vld.idx.msk [tilespmem:v3+s3+$0x0], $0xffff;
	[tilespmem:s31+$0x30] =	vst v6  }
0x145: {  	s4 =	sadd.s32 $0x80, s4;
	v3 =	vld.idx.msk [tilespmem:v7+s3+$0x0], $0xffff;
	[tilespmem:s31+$0xFFFFFFD0] =	vst v8  }
0x146: {  	[tilespmem:s31+$0xFFFFFFE0] =	vst v5  }
0x147: {  	[tilespmem:s31+$0xFFFFFFF0] =	vst v4  }
0x148: {  	[tilespmem:s31+$0x0] =	vst v1  }
0x149: {  	[tilespmem:s31+$0x10] =	vst v2  }
0x14a: {  	s0 =	rddreg [dreg:$0xc]  }
0x14b: {  	s0 =	sadd.s32 s0, s26  }
0x14c: {  	[tilespmem:s31+$0x20] =	vst v0;
	s0 =	sshrl.u32 s0, $0x3  }
0x14d: {  	[tilespmem:s31+$0xFFFFFFC0] =	vst v3;
	s0 =	sadd.s32 s2, s0  }
0x14e: {  	[hbm4b:s0+s25] =	stream.strided.scatter [tilespmem:s17], [sflag:$0x6], $0x400, s9, s25, $0x38;
	[tilespmem:$0x1A700] =	vst v63  }
0x14f: {  	s4 =	sadd.s32 $0x410, s30  }
0x150: {  	[tilespmem:s11], [sflag:$0x2] =	stream.strided.gather [hbm4b:s4+s25], $0x400, s9, s25, $0x38;
	[tilespmem:$0x1A700] =	vst v63  }
0x151: {  	_ =	swait.ge [sflag:s18], $0x400  }
0x152: {  	[sflag:s18] =	ssyncset.done $0x0  }
0x153: {  	[sflag:s18] =	ssyncadd.s32 $0xFFFFFC00  }
0x154: {  	_ =	swait.ge [sflag:s23], $0x400  }
0x155: {  	[sflag:s23] =	ssyncset.done $0x0  }
0x156: {  	s4 =	simm.s32 $0x18F40;
	[sflag:s23] =	ssyncadd.s32 $0xFFFFFC00  }
0x157: {  	v0 =	vld [tilespmem:s4+$0x30]  }
0x158: {  	v1 =	vld [tilespmem:s4+$0xFFFFFFD0]  }
0x159: {  	v2 =	vld [tilespmem:s4+$0xFFFFFFE0]  }
0x15a: {  	v3 =	vld [tilespmem:s4+$0xFFFFFFF0]  }
0x15b: {  	v6 =	vld [tilespmem:s4+$0x0]  }
0x15c: {  	v7 =	vld [tilespmem:s4+$0x10]  }
0x15d: {  	v8 =	vld [tilespmem:s4+$0x20]  }
0x15e: {  	v9 =	vld [tilespmem:s4+$0xFFFFFFC0]  }
0x15f: {  	v10 =	vld.idx.msk [tilespmem:v0+s3+$0x0], $0xffff  }
0x160: {  	v11 =	vld.idx.msk [tilespmem:v1+s3+$0x0], $0xffff  }
0x161: {  	v5 =	vld.idx.msk [tilespmem:v2+s3+$0x0], $0xffff  }
0x162: {  	v4 =	vld.idx.msk [tilespmem:v3+s3+$0x0], $0xffff  }
0x163: {  	v1 =	vld.idx.msk [tilespmem:v6+s3+$0x0], $0xffff  }
0x164: {  	s31 =	simm.s32 $0x19F40;
	v2 =	vld.idx.msk [tilespmem:v7+s3+$0x0], $0xffff  }
0x165: {  	v0 =	vld.idx.msk [tilespmem:v8+s3+$0x0], $0xffff;
	[tilespmem:s31+$0x30] =	vst v10  }
0x166: {  	s0 =	simm.s32 $0x0;
	s4 =	simm.s32 $0x18FC0;
	v3 =	vld.idx.msk [tilespmem:v9+s3+$0x0], $0xffff;
	[tilespmem:s31+$0xFFFFFFD0] =	vst v11  }
.LBB2_15:
0x167: {  	v6 =	vld [tilespmem:s4+$0x30];
	s0 =	sadd.s32 $0x8, s0;
	[tilespmem:s31+$0xFFFFFFE0] =	vst v5  }
0x168: {  	v5 =	vld [tilespmem:s4+$0xFFFFFFD0];
	p0 =	slt.u32 s0, $0x38;
	[tilespmem:s31+$0xFFFFFFF0] =	vst v4  }
0x169: {  	v4 =	vld [tilespmem:s4+$0xFFFFFFE0];
	[tilespmem:s31+$0x0] =	vst v1  }
0x16a: {  	v1 =	vld [tilespmem:s4+$0xFFFFFFF0];
	[tilespmem:s31+$0x10] =	vst v2  }
0x16b: {  	v2 =	vld [tilespmem:s4+$0x0];
	[tilespmem:s31+$0x20] =	vst v0  }
0x16c: {  	v0 =	vld [tilespmem:s4+$0x10];
	[tilespmem:s31+$0xFFFFFFC0] =	vst v3  }
0x16d: {  	v3 =	vld [tilespmem:s4+$0x20]  }
0x16e: {  	v7 =	vld [tilespmem:s4+$0xFFFFFFC0]  }
0x16f: {  	v6 =	vld.idx.msk [tilespmem:v6+s3+$0x0], $0xffff  }
0x170: {  	v8 =	vld.idx.msk [tilespmem:v5+s3+$0x0], $0xffff  }
0x171: {  	v5 =	vld.idx.msk [tilespmem:v4+s3+$0x0], $0xffff  }
.Ltmp6:
0x172: {  	v4 =	vld.idx.msk [tilespmem:v1+s3+$0x0], $0xffff;
	(pc) =	sbr.rel @p0 .LBB2_15-.Ltmp6, $4  }
0x173: {  	v1 =	vld.idx.msk [tilespmem:v2+s3+$0x0], $0xffff  }
0x174: {  	s31 =	sadd.s32 $0x80, s31;
	v2 =	vld.idx.msk [tilespmem:v0+s3+$0x0], $0xffff  }
0x175: {  	v0 =	vld.idx.msk [tilespmem:v3+s3+$0x0], $0xffff;
	[tilespmem:s31+$0x30] =	vst v6  }
0x176: {  	s4 =	sadd.s32 $0x80, s4;
	v3 =	vld.idx.msk [tilespmem:v7+s3+$0x0], $0xffff;
	[tilespmem:s31+$0xFFFFFFD0] =	vst v8  }
0x177: {  	[tilespmem:s31+$0xFFFFFFE0] =	vst v5  }
0x178: {  	[tilespmem:s31+$0xFFFFFFF0] =	vst v4  }
0x179: {  	[tilespmem:s31+$0x0] =	vst v1  }
0x17a: {  	[tilespmem:s31+$0x10] =	vst v2  }
0x17b: {  	s0 =	rddreg [dreg:$0xd]  }
0x17c: {  	s0 =	sadd.s32 s0, s26  }
0x17d: {  	[tilespmem:s31+$0x20] =	vst v0;
	s0 =	sshrl.u32 s0, $0x3  }
0x17e: {  	[tilespmem:s31+$0xFFFFFFC0] =	vst v3;
	s0 =	sadd.s32 s2, s0  }
0x17f: {  	[hbm4b:s0+s25] =	stream.strided.scatter [tilespmem:s19], [sflag:$0x7], $0x400, s9, s25, $0x38;
	[tilespmem:$0x1A700] =	vst v63  }
0x180: {  	s4 =	sadd.s32 $0x420, s30  }
0x181: {  	[tilespmem:s12], [sflag:$0x3] =	stream.strided.gather [hbm4b:s4+s25], $0x400, s9, s25, $0x38;
	[tilespmem:$0x1A700] =	vst v63  }
0x182: {  	_ =	swait.ge [sflag:s20], $0x400  }
0x183: {  	[sflag:s20] =	ssyncset.done $0x0  }
0x184: {  	[sflag:s20] =	ssyncadd.s32 $0xFFFFFC00  }
0x185: {  	_ =	swait.ge [sflag:s24], $0x400  }
0x186: {  	[sflag:s24] =	ssyncset.done $0x0  }
0x187: {  	s4 =	simm.s32 $0x19340;
	[sflag:s24] =	ssyncadd.s32 $0xFFFFFC00  }
0x188: {  	v0 =	vld [tilespmem:s4+$0x30]  }
0x189: {  	v1 =	vld [tilespmem:s4+$0xFFFFFFD0]  }
0x18a: {  	v2 =	vld [tilespmem:s4+$0xFFFFFFE0]  }
0x18b: {  	v3 =	vld [tilespmem:s4+$0xFFFFFFF0]  }
0x18c: {  	v6 =	vld [tilespmem:s4+$0x0]  }
0x18d: {  	v7 =	vld [tilespmem:s4+$0x10]  }
0x18e: {  	v8 =	vld [tilespmem:s4+$0x20]  }
0x18f: {  	v9 =	vld [tilespmem:s4+$0xFFFFFFC0]  }
0x190: {  	v10 =	vld.idx.msk [tilespmem:v0+s3+$0x0], $0xffff  }
0x191: {  	v11 =	vld.idx.msk [tilespmem:v1+s3+$0x0], $0xffff  }
0x192: {  	v5 =	vld.idx.msk [tilespmem:v2+s3+$0x0], $0xffff  }
0x193: {  	v4 =	vld.idx.msk [tilespmem:v3+s3+$0x0], $0xffff  }
0x194: {  	v1 =	vld.idx.msk [tilespmem:v6+s3+$0x0], $0xffff  }
0x195: {  	s31 =	simm.s32 $0x1A340;
	v2 =	vld.idx.msk [tilespmem:v7+s3+$0x0], $0xffff  }
0x196: {  	v0 =	vld.idx.msk [tilespmem:v8+s3+$0x0], $0xffff;
	[tilespmem:s31+$0x30] =	vst v10  }
0x197: {  	s0 =	simm.s32 $0x0;
	s4 =	simm.s32 $0x193C0;
	v3 =	vld.idx.msk [tilespmem:v9+s3+$0x0], $0xffff;
	[tilespmem:s31+$0xFFFFFFD0] =	vst v11  }
.LBB2_17:
0x198: {  	v6 =	vld [tilespmem:s4+$0x30];
	s0 =	sadd.s32 $0x8, s0;
	[tilespmem:s31+$0xFFFFFFE0] =	vst v5  }
0x199: {  	v5 =	vld [tilespmem:s4+$0xFFFFFFD0];
	p0 =	slt.u32 s0, $0x38;
	[tilespmem:s31+$0xFFFFFFF0] =	vst v4  }
0x19a: {  	v4 =	vld [tilespmem:s4+$0xFFFFFFE0];
	[tilespmem:s31+$0x0] =	vst v1  }
0x19b: {  	v1 =	vld [tilespmem:s4+$0xFFFFFFF0];
	[tilespmem:s31+$0x10] =	vst v2  }
0x19c: {  	v2 =	vld [tilespmem:s4+$0x0];
	[tilespmem:s31+$0x20] =	vst v0  }
0x19d: {  	v0 =	vld [tilespmem:s4+$0x10];
	[tilespmem:s31+$0xFFFFFFC0] =	vst v3  }
0x19e: {  	v3 =	vld [tilespmem:s4+$0x20]  }
0x19f: {  	v7 =	vld [tilespmem:s4+$0xFFFFFFC0]  }
0x1a0: {  	v6 =	vld.idx.msk [tilespmem:v6+s3+$0x0], $0xffff  }
0x1a1: {  	v8 =	vld.idx.msk [tilespmem:v5+s3+$0x0], $0xffff  }
0x1a2: {  	v5 =	vld.idx.msk [tilespmem:v4+s3+$0x0], $0xffff  }
.Ltmp7:
0x1a3: {  	v4 =	vld.idx.msk [tilespmem:v1+s3+$0x0], $0xffff;
	(pc) =	sbr.rel @p0 .LBB2_17-.Ltmp7, $4  }
0x1a4: {  	v1 =	vld.idx.msk [tilespmem:v2+s3+$0x0], $0xffff  }
0x1a5: {  	s31 =	sadd.s32 $0x80, s31;
	v2 =	vld.idx.msk [tilespmem:v0+s3+$0x0], $0xffff  }
0x1a6: {  	v0 =	vld.idx.msk [tilespmem:v3+s3+$0x0], $0xffff;
	[tilespmem:s31+$0x30] =	vst v6  }
0x1a7: {  	s4 =	sadd.s32 $0x80, s4;
	v3 =	vld.idx.msk [tilespmem:v7+s3+$0x0], $0xffff;
	[tilespmem:s31+$0xFFFFFFD0] =	vst v8  }
0x1a8: {  	[tilespmem:s31+$0xFFFFFFE0] =	vst v5  }
0x1a9: {  	[tilespmem:s31+$0xFFFFFFF0] =	vst v4  }
0x1aa: {  	[tilespmem:s31+$0x0] =	vst v1  }
0x1ab: {  	[tilespmem:s31+$0x10] =	vst v2  }
0x1ac: {  	s0 =	rddreg [dreg:$0xe]  }
0x1ad: {  	s0 =	sadd.s32 s0, s26  }
0x1ae: {  	[tilespmem:s31+$0x20] =	vst v0;
	s0 =	sshrl.u32 s0, $0x3  }
0x1af: {  	[tilespmem:s31+$0xFFFFFFC0] =	vst v3;
	s0 =	sadd.s32 s2, s0  }
0x1b0: {  	[hbm4b:s0+s25] =	stream.strided.scatter [tilespmem:s21], [sflag:$0x8], $0x400, s9, s25, $0x38;
	[tilespmem:$0x1A700] =	vst v63  }
0x1b1: {  	s4 =	sadd.s32 $0x430, s30  }
0x1b2: {  	[tilespmem:s13], [sflag:$0x4] =	stream.strided.gather [hbm4b:s4+s25], $0x400, s9, s25, $0x38;
	[tilespmem:$0x1A700] =	vst v63  }
0x1b3: {  	_ =	swait.ge [sflag:s14], $0x400  }
0x1b4: {  	[sflag:s14] =	ssyncset.done $0x0  }
0x1b5: {  	[sflag:s14] =	ssyncadd.s32 $0xFFFFFC00  }
0x1b6: {  	_ =	swait.ge [sflag:s1], $0x400  }
0x1b7: {  	[sflag:s1] =	ssyncset.done $0x0  }
0x1b8: {  	s4 =	simm.s32 $0x18740;
	[sflag:s1] =	ssyncadd.s32 $0xFFFFFC00  }
0x1b9: {  	v0 =	vld [tilespmem:s4+$0x30]  }
0x1ba: {  	v1 =	vld [tilespmem:s4+$0xFFFFFFD0]  }
0x1bb: {  	v2 =	vld [tilespmem:s4+$0xFFFFFFE0]  }
0x1bc: {  	v3 =	vld [tilespmem:s4+$0xFFFFFFF0]  }
0x1bd: {  	v6 =	vld [tilespmem:s4+$0x0]  }
0x1be: {  	v7 =	vld [tilespmem:s4+$0x10]  }
0x1bf: {  	v8 =	vld [tilespmem:s4+$0x20]  }
0x1c0: {  	v9 =	vld [tilespmem:s4+$0xFFFFFFC0]  }
0x1c1: {  	v10 =	vld.idx.msk [tilespmem:v0+s3+$0x0], $0xffff  }
0x1c2: {  	v11 =	vld.idx.msk [tilespmem:v1+s3+$0x0], $0xffff  }
0x1c3: {  	v5 =	vld.idx.msk [tilespmem:v2+s3+$0x0], $0xffff  }
0x1c4: {  	v4 =	vld.idx.msk [tilespmem:v3+s3+$0x0], $0xffff  }
0x1c5: {  	v1 =	vld.idx.msk [tilespmem:v6+s3+$0x0], $0xffff  }
0x1c6: {  	s31 =	simm.s32 $0x19740;
	v2 =	vld.idx.msk [tilespmem:v7+s3+$0x0], $0xffff  }
0x1c7: {  	v0 =	vld.idx.msk [tilespmem:v8+s3+$0x0], $0xffff;
	[tilespmem:s31+$0x30] =	vst v10  }
0x1c8: {  	s0 =	simm.s32 $0x0;
	s4 =	simm.s32 $0x187C0;
	v3 =	vld.idx.msk [tilespmem:v9+s3+$0x0], $0xffff;
	[tilespmem:s31+$0xFFFFFFD0] =	vst v11  }
.LBB2_19:
0x1c9: {  	v6 =	vld [tilespmem:s4+$0x30];
	s0 =	sadd.s32 $0x8, s0;
	[tilespmem:s31+$0xFFFFFFE0] =	vst v5  }
0x1ca: {  	v5 =	vld [tilespmem:s4+$0xFFFFFFD0];
	p0 =	slt.u32 s0, $0x38;
	[tilespmem:s31+$0xFFFFFFF0] =	vst v4  }
0x1cb: {  	v4 =	vld [tilespmem:s4+$0xFFFFFFE0];
	[tilespmem:s31+$0x0] =	vst v1  }
0x1cc: {  	v1 =	vld [tilespmem:s4+$0xFFFFFFF0];
	[tilespmem:s31+$0x10] =	vst v2  }
0x1cd: {  	v2 =	vld [tilespmem:s4+$0x0];
	[tilespmem:s31+$0x20] =	vst v0  }
0x1ce: {  	v0 =	vld [tilespmem:s4+$0x10];
	[tilespmem:s31+$0xFFFFFFC0] =	vst v3  }
0x1cf: {  	v3 =	vld [tilespmem:s4+$0x20]  }
0x1d0: {  	v7 =	vld [tilespmem:s4+$0xFFFFFFC0]  }
0x1d1: {  	v6 =	vld.idx.msk [tilespmem:v6+s3+$0x0], $0xffff  }
0x1d2: {  	v8 =	vld.idx.msk [tilespmem:v5+s3+$0x0], $0xffff  }
0x1d3: {  	v5 =	vld.idx.msk [tilespmem:v4+s3+$0x0], $0xffff  }
.Ltmp8:
0x1d4: {  	v4 =	vld.idx.msk [tilespmem:v1+s3+$0x0], $0xffff;
	(pc) =	sbr.rel @p0 .LBB2_19-.Ltmp8, $4  }
0x1d5: {  	v1 =	vld.idx.msk [tilespmem:v2+s3+$0x0], $0xffff  }
0x1d6: {  	s31 =	sadd.s32 $0x80, s31;
	v2 =	vld.idx.msk [tilespmem:v0+s3+$0x0], $0xffff  }
0x1d7: {  	v0 =	vld.idx.msk [tilespmem:v3+s3+$0x0], $0xffff;
	[tilespmem:s31+$0x30] =	vst v6  }
0x1d8: {  	s4 =	sadd.s32 $0x80, s4;
	v3 =	vld.idx.msk [tilespmem:v7+s3+$0x0], $0xffff;
	[tilespmem:s31+$0xFFFFFFD0] =	vst v8  }
0x1d9: {  	[tilespmem:s31+$0xFFFFFFE0] =	vst v5  }
0x1da: {  	[tilespmem:s31+$0xFFFFFFF0] =	vst v4  }
0x1db: {  	[tilespmem:s31+$0x0] =	vst v1  }
0x1dc: {  	[tilespmem:s31+$0x10] =	vst v2  }
0x1dd: {  	s0 =	rddreg [dreg:$0xf]  }
0x1de: {  	s0 =	sadd.s32 s0, s26  }
0x1df: {  	[tilespmem:s31+$0x20] =	vst v0;
	s0 =	sshrl.u32 s0, $0x3  }
0x1e0: {  	[tilespmem:s31+$0xFFFFFFC0] =	vst v3;
	s0 =	sadd.s32 s2, s0  }
0x1e1: {  	[hbm4b:s0+s25] =	stream.strided.scatter [tilespmem:s15], [sflag:$0x5], $0x400, s9, s25, $0x38;
	[tilespmem:$0x1A700] =	vst v63  }
0x1e2: {  	s4 =	sadd.s32 $0x440, s30  }
0x1e3: {  	[tilespmem:s10], [sflag:$0x1] =	stream.strided.gather [hbm4b:s4+s25], $0x400, s9, s25, $0x38;
	[tilespmem:$0x1A700] =	vst v63  }
0x1e4: {  	_ =	swait.ge [sflag:s16], $0x400  }
0x1e5: {  	[sflag:s16] =	ssyncset.done $0x0  }
0x1e6: {  	[sflag:s16] =	ssyncadd.s32 $0xFFFFFC00  }
0x1e7: {  	_ =	swait.ge [sflag:s22], $0x400  }
0x1e8: {  	[sflag:s22] =	ssyncset.done $0x0  }
0x1e9: {  	s4 =	simm.s32 $0x18B40;
	[sflag:s22] =	ssyncadd.s32 $0xFFFFFC00  }
0x1ea: {  	v0 =	vld [tilespmem:s4+$0x30]  }
0x1eb: {  	v1 =	vld [tilespmem:s4+$0xFFFFFFD0]  }
0x1ec: {  	v2 =	vld [tilespmem:s4+$0xFFFFFFE0]  }
0x1ed: {  	v3 =	vld [tilespmem:s4+$0xFFFFFFF0]  }
0x1ee: {  	v6 =	vld [tilespmem:s4+$0x0]  }
0x1ef: {  	v7 =	vld [tilespmem:s4+$0x10]  }
0x1f0: {  	v8 =	vld [tilespmem:s4+$0x20]  }
0x1f1: {  	v9 =	vld [tilespmem:s4+$0xFFFFFFC0]  }
0x1f2: {  	v10 =	vld.idx.msk [tilespmem:v0+s3+$0x0], $0xffff  }
0x1f3: {  	v11 =	vld.idx.msk [tilespmem:v1+s3+$0x0], $0xffff  }
0x1f4: {  	v5 =	vld.idx.msk [tilespmem:v2+s3+$0x0], $0xffff  }
0x1f5: {  	v4 =	vld.idx.msk [tilespmem:v3+s3+$0x0], $0xffff  }
0x1f6: {  	v1 =	vld.idx.msk [tilespmem:v6+s3+$0x0], $0xffff  }
0x1f7: {  	s31 =	simm.s32 $0x19B40;
	v2 =	vld.idx.msk [tilespmem:v7+s3+$0x0], $0xffff  }
0x1f8: {  	v0 =	vld.idx.msk [tilespmem:v8+s3+$0x0], $0xffff;
	[tilespmem:s31+$0x30] =	vst v10  }
0x1f9: {  	s0 =	simm.s32 $0x0;
	s4 =	simm.s32 $0x18BC0;
	v3 =	vld.idx.msk [tilespmem:v9+s3+$0x0], $0xffff;
	[tilespmem:s31+$0xFFFFFFD0] =	vst v11  }
.LBB2_21:
0x1fa: {  	v6 =	vld [tilespmem:s4+$0x30];
	s0 =	sadd.s32 $0x8, s0;
	[tilespmem:s31+$0xFFFFFFE0] =	vst v5  }
0x1fb: {  	v5 =	vld [tilespmem:s4+$0xFFFFFFD0];
	p0 =	slt.u32 s0, $0x38;
	[tilespmem:s31+$0xFFFFFFF0] =	vst v4  }
0x1fc: {  	v4 =	vld [tilespmem:s4+$0xFFFFFFE0];
	[tilespmem:s31+$0x0] =	vst v1  }
0x1fd: {  	v1 =	vld [tilespmem:s4+$0xFFFFFFF0];
	[tilespmem:s31+$0x10] =	vst v2  }
0x1fe: {  	v2 =	vld [tilespmem:s4+$0x0];
	[tilespmem:s31+$0x20] =	vst v0  }
0x1ff: {  	v0 =	vld [tilespmem:s4+$0x10];
	[tilespmem:s31+$0xFFFFFFC0] =	vst v3  }
0x200: {  	v3 =	vld [tilespmem:s4+$0x20]  }
0x201: {  	v7 =	vld [tilespmem:s4+$0xFFFFFFC0]  }
0x202: {  	v6 =	vld.idx.msk [tilespmem:v6+s3+$0x0], $0xffff  }
0x203: {  	v8 =	vld.idx.msk [tilespmem:v5+s3+$0x0], $0xffff  }
0x204: {  	v5 =	vld.idx.msk [tilespmem:v4+s3+$0x0], $0xffff  }
.Ltmp9:
0x205: {  	v4 =	vld.idx.msk [tilespmem:v1+s3+$0x0], $0xffff;
	(pc) =	sbr.rel @p0 .LBB2_21-.Ltmp9, $4  }
0x206: {  	v1 =	vld.idx.msk [tilespmem:v2+s3+$0x0], $0xffff  }
0x207: {  	s31 =	sadd.s32 $0x80, s31;
	v2 =	vld.idx.msk [tilespmem:v0+s3+$0x0], $0xffff  }
0x208: {  	v0 =	vld.idx.msk [tilespmem:v3+s3+$0x0], $0xffff;
	[tilespmem:s31+$0x30] =	vst v6  }
0x209: {  	s4 =	sadd.s32 $0x80, s4;
	v3 =	vld.idx.msk [tilespmem:v7+s3+$0x0], $0xffff;
	[tilespmem:s31+$0xFFFFFFD0] =	vst v8  }
0x20a: {  	[tilespmem:s31+$0xFFFFFFE0] =	vst v5  }
0x20b: {  	[tilespmem:s31+$0xFFFFFFF0] =	vst v4  }
0x20c: {  	[tilespmem:s31+$0x0] =	vst v1  }
0x20d: {  	[tilespmem:s31+$0x10] =	vst v2  }
0x20e: {  	s0 =	rddreg [dreg:$0x10]  }
0x20f: {  	s0 =	sadd.s32 s0, s26  }
0x210: {  	[tilespmem:s31+$0x20] =	vst v0;
	s0 =	sshrl.u32 s0, $0x3  }
0x211: {  	[tilespmem:s31+$0xFFFFFFC0] =	vst v3;
	s0 =	sadd.s32 s2, s0  }
0x212: {  	[hbm4b:s0+s25] =	stream.strided.scatter [tilespmem:s17], [sflag:$0x6], $0x400, s9, s25, $0x38;
	[tilespmem:$0x1A700] =	vst v63  }
0x213: {  	s4 =	sadd.s32 $0x450, s30  }
0x214: {  	[tilespmem:s11], [sflag:$0x2] =	stream.strided.gather [hbm4b:s4+s25], $0x400, s9, s25, $0x38;
	[tilespmem:$0x1A700] =	vst v63  }
0x215: {  	_ =	swait.ge [sflag:s18], $0x400  }
0x216: {  	[sflag:s18] =	ssyncset.done $0x0  }
0x217: {  	[sflag:s18] =	ssyncadd.s32 $0xFFFFFC00  }
0x218: {  	_ =	swait.ge [sflag:s23], $0x400  }
0x219: {  	[sflag:s23] =	ssyncset.done $0x0  }
0x21a: {  	s4 =	simm.s32 $0x18F40;
	[sflag:s23] =	ssyncadd.s32 $0xFFFFFC00  }
0x21b: {  	v0 =	vld [tilespmem:s4+$0x30]  }
0x21c: {  	v1 =	vld [tilespmem:s4+$0xFFFFFFD0]  }
0x21d: {  	v2 =	vld [tilespmem:s4+$0xFFFFFFE0]  }
0x21e: {  	v3 =	vld [tilespmem:s4+$0xFFFFFFF0]  }
0x21f: {  	v6 =	vld [tilespmem:s4+$0x0]  }
0x220: {  	v7 =	vld [tilespmem:s4+$0x10]  }
0x221: {  	v8 =	vld [tilespmem:s4+$0x20]  }
0x222: {  	v9 =	vld [tilespmem:s4+$0xFFFFFFC0]  }
0x223: {  	v10 =	vld.idx.msk [tilespmem:v0+s3+$0x0], $0xffff  }
0x224: {  	v11 =	vld.idx.msk [tilespmem:v1+s3+$0x0], $0xffff  }
0x225: {  	v5 =	vld.idx.msk [tilespmem:v2+s3+$0x0], $0xffff  }
0x226: {  	v4 =	vld.idx.msk [tilespmem:v3+s3+$0x0], $0xffff  }
0x227: {  	v1 =	vld.idx.msk [tilespmem:v6+s3+$0x0], $0xffff  }
0x228: {  	s31 =	simm.s32 $0x19F40;
	v2 =	vld.idx.msk [tilespmem:v7+s3+$0x0], $0xffff  }
0x229: {  	v0 =	vld.idx.msk [tilespmem:v8+s3+$0x0], $0xffff;
	[tilespmem:s31+$0x30] =	vst v10  }
0x22a: {  	s0 =	simm.s32 $0x0;
	s4 =	simm.s32 $0x18FC0;
	v3 =	vld.idx.msk [tilespmem:v9+s3+$0x0], $0xffff;
	[tilespmem:s31+$0xFFFFFFD0] =	vst v11  }
.LBB2_23:
0x22b: {  	v6 =	vld [tilespmem:s4+$0x30];
	s0 =	sadd.s32 $0x8, s0;
	[tilespmem:s31+$0xFFFFFFE0] =	vst v5  }
0x22c: {  	v5 =	vld [tilespmem:s4+$0xFFFFFFD0];
	p0 =	slt.u32 s0, $0x38;
	[tilespmem:s31+$0xFFFFFFF0] =	vst v4  }
0x22d: {  	v4 =	vld [tilespmem:s4+$0xFFFFFFE0];
	[tilespmem:s31+$0x0] =	vst v1  }
0x22e: {  	v1 =	vld [tilespmem:s4+$0xFFFFFFF0];
	[tilespmem:s31+$0x10] =	vst v2  }
0x22f: {  	v2 =	vld [tilespmem:s4+$0x0];
	[tilespmem:s31+$0x20] =	vst v0  }
0x230: {  	v0 =	vld [tilespmem:s4+$0x10];
	[tilespmem:s31+$0xFFFFFFC0] =	vst v3  }
0x231: {  	v3 =	vld [tilespmem:s4+$0x20]  }
0x232: {  	v7 =	vld [tilespmem:s4+$0xFFFFFFC0]  }
0x233: {  	v6 =	vld.idx.msk [tilespmem:v6+s3+$0x0], $0xffff  }
0x234: {  	v8 =	vld.idx.msk [tilespmem:v5+s3+$0x0], $0xffff  }
0x235: {  	v5 =	vld.idx.msk [tilespmem:v4+s3+$0x0], $0xffff  }
.Ltmp10:
0x236: {  	v4 =	vld.idx.msk [tilespmem:v1+s3+$0x0], $0xffff;
	(pc) =	sbr.rel @p0 .LBB2_23-.Ltmp10, $4  }
0x237: {  	v1 =	vld.idx.msk [tilespmem:v2+s3+$0x0], $0xffff  }
0x238: {  	s31 =	sadd.s32 $0x80, s31;
	v2 =	vld.idx.msk [tilespmem:v0+s3+$0x0], $0xffff  }
0x239: {  	v0 =	vld.idx.msk [tilespmem:v3+s3+$0x0], $0xffff;
	[tilespmem:s31+$0x30] =	vst v6  }
0x23a: {  	s4 =	sadd.s32 $0x80, s4;
	v3 =	vld.idx.msk [tilespmem:v7+s3+$0x0], $0xffff;
	[tilespmem:s31+$0xFFFFFFD0] =	vst v8  }
0x23b: {  	[tilespmem:s31+$0xFFFFFFE0] =	vst v5  }
0x23c: {  	[tilespmem:s31+$0xFFFFFFF0] =	vst v4  }
0x23d: {  	[tilespmem:s31+$0x0] =	vst v1  }
0x23e: {  	[tilespmem:s31+$0x10] =	vst v2  }
0x23f: {  	s0 =	rddreg [dreg:$0x11]  }
0x240: {  	s0 =	sadd.s32 s0, s26  }
0x241: {  	[tilespmem:s31+$0x20] =	vst v0;
	s0 =	sshrl.u32 s0, $0x3  }
0x242: {  	[tilespmem:s31+$0xFFFFFFC0] =	vst v3;
	s0 =	sadd.s32 s2, s0  }
0x243: {  	[hbm4b:s0+s25] =	stream.strided.scatter [tilespmem:s19], [sflag:$0x7], $0x400, s9, s25, $0x38;
	[tilespmem:$0x1A700] =	vst v63  }
0x244: {  	s4 =	sadd.s32 $0x460, s30  }
0x245: {  	[tilespmem:s12], [sflag:$0x3] =	stream.strided.gather [hbm4b:s4+s25], $0x400, s9, s25, $0x38;
	[tilespmem:$0x1A700] =	vst v63  }
0x246: {  	_ =	swait.ge [sflag:s20], $0x400  }
0x247: {  	[sflag:s20] =	ssyncset.done $0x0  }
0x248: {  	[sflag:s20] =	ssyncadd.s32 $0xFFFFFC00  }
0x249: {  	_ =	swait.ge [sflag:s24], $0x400  }
0x24a: {  	[sflag:s24] =	ssyncset.done $0x0  }
0x24b: {  	s4 =	simm.s32 $0x19340;
	[sflag:s24] =	ssyncadd.s32 $0xFFFFFC00  }
0x24c: {  	v0 =	vld [tilespmem:s4+$0x30]  }
0x24d: {  	v1 =	vld [tilespmem:s4+$0xFFFFFFD0]  }
0x24e: {  	v2 =	vld [tilespmem:s4+$0xFFFFFFE0]  }
0x24f: {  	v3 =	vld [tilespmem:s4+$0xFFFFFFF0]  }
0x250: {  	v6 =	vld [tilespmem:s4+$0x0]  }
0x251: {  	v7 =	vld [tilespmem:s4+$0x10]  }
0x252: {  	v8 =	vld [tilespmem:s4+$0x20]  }
0x253: {  	v9 =	vld [tilespmem:s4+$0xFFFFFFC0]  }
0x254: {  	v10 =	vld.idx.msk [tilespmem:v0+s3+$0x0], $0xffff  }
0x255: {  	v11 =	vld.idx.msk [tilespmem:v1+s3+$0x0], $0xffff  }
0x256: {  	v5 =	vld.idx.msk [tilespmem:v2+s3+$0x0], $0xffff  }
0x257: {  	v4 =	vld.idx.msk [tilespmem:v3+s3+$0x0], $0xffff  }
0x258: {  	v1 =	vld.idx.msk [tilespmem:v6+s3+$0x0], $0xffff  }
0x259: {  	s31 =	simm.s32 $0x1A340;
	v2 =	vld.idx.msk [tilespmem:v7+s3+$0x0], $0xffff  }
0x25a: {  	v0 =	vld.idx.msk [tilespmem:v8+s3+$0x0], $0xffff;
	[tilespmem:s31+$0x30] =	vst v10  }
0x25b: {  	s0 =	simm.s32 $0x0;
	s4 =	simm.s32 $0x193C0;
	v3 =	vld.idx.msk [tilespmem:v9+s3+$0x0], $0xffff;
	[tilespmem:s31+$0xFFFFFFD0] =	vst v11  }
.LBB2_25:
0x25c: {  	v6 =	vld [tilespmem:s4+$0x30];
	s0 =	sadd.s32 $0x8, s0;
	[tilespmem:s31+$0xFFFFFFE0] =	vst v5  }
0x25d: {  	v5 =	vld [tilespmem:s4+$0xFFFFFFD0];
	p0 =	slt.u32 s0, $0x38;
	[tilespmem:s31+$0xFFFFFFF0] =	vst v4  }
0x25e: {  	v4 =	vld [tilespmem:s4+$0xFFFFFFE0];
	[tilespmem:s31+$0x0] =	vst v1  }
0x25f: {  	v1 =	vld [tilespmem:s4+$0xFFFFFFF0];
	[tilespmem:s31+$0x10] =	vst v2  }
0x260: {  	v2 =	vld [tilespmem:s4+$0x0];
	[tilespmem:s31+$0x20] =	vst v0  }
0x261: {  	v0 =	vld [tilespmem:s4+$0x10];
	[tilespmem:s31+$0xFFFFFFC0] =	vst v3  }
0x262: {  	v3 =	vld [tilespmem:s4+$0x20]  }
0x263: {  	v7 =	vld [tilespmem:s4+$0xFFFFFFC0]  }
0x264: {  	v6 =	vld.idx.msk [tilespmem:v6+s3+$0x0], $0xffff  }
0x265: {  	v8 =	vld.idx.msk [tilespmem:v5+s3+$0x0], $0xffff  }
0x266: {  	v5 =	vld.idx.msk [tilespmem:v4+s3+$0x0], $0xffff  }
.Ltmp11:
0x267: {  	v4 =	vld.idx.msk [tilespmem:v1+s3+$0x0], $0xffff;
	(pc) =	sbr.rel @p0 .LBB2_25-.Ltmp11, $4  }
0x268: {  	v1 =	vld.idx.msk [tilespmem:v2+s3+$0x0], $0xffff  }
0x269: {  	s31 =	sadd.s32 $0x80, s31;
	v2 =	vld.idx.msk [tilespmem:v0+s3+$0x0], $0xffff  }
0x26a: {  	v0 =	vld.idx.msk [tilespmem:v3+s3+$0x0], $0xffff;
	[tilespmem:s31+$0x30] =	vst v6  }
0x26b: {  	s4 =	sadd.s32 $0x80, s4;
	v3 =	vld.idx.msk [tilespmem:v7+s3+$0x0], $0xffff;
	[tilespmem:s31+$0xFFFFFFD0] =	vst v8  }
0x26c: {  	[tilespmem:s31+$0xFFFFFFE0] =	vst v5  }
0x26d: {  	[tilespmem:s31+$0xFFFFFFF0] =	vst v4  }
0x26e: {  	[tilespmem:s31+$0x0] =	vst v1  }
0x26f: {  	[tilespmem:s31+$0x10] =	vst v2  }
0x270: {  	s0 =	rddreg [dreg:$0x12]  }
0x271: {  	s0 =	sadd.s32 s0, s26  }
0x272: {  	[tilespmem:s31+$0x20] =	vst v0;
	s0 =	sshrl.u32 s0, $0x3  }
0x273: {  	[tilespmem:s31+$0xFFFFFFC0] =	vst v3;
	s0 =	sadd.s32 s2, s0  }
0x274: {  	[hbm4b:s0+s25] =	stream.strided.scatter [tilespmem:s21], [sflag:$0x8], $0x400, s9, s25, $0x38;
	[tilespmem:$0x1A700] =	vst v63  }
0x275: {  	s4 =	sadd.s32 $0x470, s30  }
0x276: {  	[tilespmem:s13], [sflag:$0x4] =	stream.strided.gather [hbm4b:s4+s25], $0x400, s9, s25, $0x38;
	[tilespmem:$0x1A700] =	vst v63  }
0x277: {  	_ =	swait.ge [sflag:s14], $0x400  }
0x278: {  	[sflag:s14] =	ssyncset.done $0x0  }
0x279: {  	[sflag:s14] =	ssyncadd.s32 $0xFFFFFC00  }
0x27a: {  	_ =	swait.ge [sflag:s1], $0x400  }
0x27b: {  	[sflag:s1] =	ssyncset.done $0x0  }
0x27c: {  	s4 =	simm.s32 $0x18740;
	[sflag:s1] =	ssyncadd.s32 $0xFFFFFC00  }
0x27d: {  	v0 =	vld [tilespmem:s4+$0x30]  }
0x27e: {  	v1 =	vld [tilespmem:s4+$0xFFFFFFD0]  }
0x27f: {  	v2 =	vld [tilespmem:s4+$0xFFFFFFE0]  }
0x280: {  	v3 =	vld [tilespmem:s4+$0xFFFFFFF0]  }
0x281: {  	v6 =	vld [tilespmem:s4+$0x0]  }
0x282: {  	v7 =	vld [tilespmem:s4+$0x10]  }
0x283: {  	v8 =	vld [tilespmem:s4+$0x20]  }
0x284: {  	v9 =	vld [tilespmem:s4+$0xFFFFFFC0]  }
0x285: {  	v10 =	vld.idx.msk [tilespmem:v0+s3+$0x0], $0xffff  }
0x286: {  	v11 =	vld.idx.msk [tilespmem:v1+s3+$0x0], $0xffff  }
0x287: {  	v5 =	vld.idx.msk [tilespmem:v2+s3+$0x0], $0xffff  }
0x288: {  	v4 =	vld.idx.msk [tilespmem:v3+s3+$0x0], $0xffff  }
0x289: {  	v1 =	vld.idx.msk [tilespmem:v6+s3+$0x0], $0xffff  }
0x28a: {  	s31 =	simm.s32 $0x19740;
	v2 =	vld.idx.msk [tilespmem:v7+s3+$0x0], $0xffff  }
0x28b: {  	v0 =	vld.idx.msk [tilespmem:v8+s3+$0x0], $0xffff;
	[tilespmem:s31+$0x30] =	vst v10  }
0x28c: {  	s0 =	simm.s32 $0x0;
	s4 =	simm.s32 $0x187C0;
	v3 =	vld.idx.msk [tilespmem:v9+s3+$0x0], $0xffff;
	[tilespmem:s31+$0xFFFFFFD0] =	vst v11  }
.LBB2_27:
0x28d: {  	v6 =	vld [tilespmem:s4+$0x30];
	s0 =	sadd.s32 $0x8, s0;
	[tilespmem:s31+$0xFFFFFFE0] =	vst v5  }
0x28e: {  	v5 =	vld [tilespmem:s4+$0xFFFFFFD0];
	p0 =	slt.u32 s0, $0x38;
	[tilespmem:s31+$0xFFFFFFF0] =	vst v4  }
0x28f: {  	v4 =	vld [tilespmem:s4+$0xFFFFFFE0];
	[tilespmem:s31+$0x0] =	vst v1  }
0x290: {  	v1 =	vld [tilespmem:s4+$0xFFFFFFF0];
	[tilespmem:s31+$0x10] =	vst v2  }
0x291: {  	v2 =	vld [tilespmem:s4+$0x0];
	[tilespmem:s31+$0x20] =	vst v0  }
0x292: {  	v0 =	vld [tilespmem:s4+$0x10];
	[tilespmem:s31+$0xFFFFFFC0] =	vst v3  }
0x293: {  	v3 =	vld [tilespmem:s4+$0x20]  }
0x294: {  	v7 =	vld [tilespmem:s4+$0xFFFFFFC0]  }
0x295: {  	v6 =	vld.idx.msk [tilespmem:v6+s3+$0x0], $0xffff  }
0x296: {  	v8 =	vld.idx.msk [tilespmem:v5+s3+$0x0], $0xffff  }
0x297: {  	v5 =	vld.idx.msk [tilespmem:v4+s3+$0x0], $0xffff  }
.Ltmp12:
0x298: {  	v4 =	vld.idx.msk [tilespmem:v1+s3+$0x0], $0xffff;
	(pc) =	sbr.rel @p0 .LBB2_27-.Ltmp12, $4  }
0x299: {  	v1 =	vld.idx.msk [tilespmem:v2+s3+$0x0], $0xffff  }
0x29a: {  	s31 =	sadd.s32 $0x80, s31;
	v2 =	vld.idx.msk [tilespmem:v0+s3+$0x0], $0xffff  }
0x29b: {  	v0 =	vld.idx.msk [tilespmem:v3+s3+$0x0], $0xffff;
	[tilespmem:s31+$0x30] =	vst v6  }
0x29c: {  	s4 =	sadd.s32 $0x80, s4;
	v3 =	vld.idx.msk [tilespmem:v7+s3+$0x0], $0xffff;
	[tilespmem:s31+$0xFFFFFFD0] =	vst v8  }
0x29d: {  	[tilespmem:s31+$0xFFFFFFE0] =	vst v5  }
0x29e: {  	[tilespmem:s31+$0xFFFFFFF0] =	vst v4  }
0x29f: {  	[tilespmem:s31+$0x0] =	vst v1  }
0x2a0: {  	[tilespmem:s31+$0x10] =	vst v2  }
0x2a1: {  	s0 =	rddreg [dreg:$0x13]  }
0x2a2: {  	s0 =	sadd.s32 s0, s26  }
0x2a3: {  	[tilespmem:s31+$0x20] =	vst v0;
	s0 =	sshrl.u32 s0, $0x3  }
0x2a4: {  	[tilespmem:s31+$0xFFFFFFC0] =	vst v3;
	s0 =	sadd.s32 s2, s0  }
0x2a5: {  	[hbm4b:s0+s25] =	stream.strided.scatter [tilespmem:s15], [sflag:$0x5], $0x400, s9, s25, $0x38;
	[tilespmem:$0x1A700] =	vst v63  }
0x2a6: {  	s4 =	sadd.s32 $0x800, s30  }
0x2a7: {  	[tilespmem:s10], [sflag:$0x1] =	stream.strided.gather [hbm4b:s4+s25], $0x400, s9, s25, $0x38;
	[tilespmem:$0x1A700] =	vst v63  }
0x2a8: {  	_ =	swait.ge [sflag:s16], $0x400  }
0x2a9: {  	[sflag:s16] =	ssyncset.done $0x0  }
0x2aa: {  	[sflag:s16] =	ssyncadd.s32 $0xFFFFFC00  }
0x2ab: {  	_ =	swait.ge [sflag:s22], $0x400  }
0x2ac: {  	[sflag:s22] =	ssyncset.done $0x0  }
0x2ad: {  	s4 =	simm.s32 $0x18B40;
	[sflag:s22] =	ssyncadd.s32 $0xFFFFFC00  }
0x2ae: {  	v0 =	vld [tilespmem:s4+$0x30]  }
0x2af: {  	v1 =	vld [tilespmem:s4+$0xFFFFFFD0]  }
0x2b0: {  	v2 =	vld [tilespmem:s4+$0xFFFFFFE0]  }
0x2b1: {  	v3 =	vld [tilespmem:s4+$0xFFFFFFF0]  }
0x2b2: {  	v6 =	vld [tilespmem:s4+$0x0]  }
0x2b3: {  	v7 =	vld [tilespmem:s4+$0x10]  }
0x2b4: {  	v8 =	vld [tilespmem:s4+$0x20]  }
0x2b5: {  	v9 =	vld [tilespmem:s4+$0xFFFFFFC0]  }
0x2b6: {  	v10 =	vld.idx.msk [tilespmem:v0+s3+$0x0], $0xffff  }
0x2b7: {  	v11 =	vld.idx.msk [tilespmem:v1+s3+$0x0], $0xffff  }
0x2b8: {  	v5 =	vld.idx.msk [tilespmem:v2+s3+$0x0], $0xffff  }
0x2b9: {  	v4 =	vld.idx.msk [tilespmem:v3+s3+$0x0], $0xffff  }
0x2ba: {  	v1 =	vld.idx.msk [tilespmem:v6+s3+$0x0], $0xffff  }
0x2bb: {  	s31 =	simm.s32 $0x19B40;
	v2 =	vld.idx.msk [tilespmem:v7+s3+$0x0], $0xffff  }
0x2bc: {  	v0 =	vld.idx.msk [tilespmem:v8+s3+$0x0], $0xffff;
	[tilespmem:s31+$0x30] =	vst v10  }
0x2bd: {  	s0 =	simm.s32 $0x0;
	s4 =	simm.s32 $0x18BC0;
	v3 =	vld.idx.msk [tilespmem:v9+s3+$0x0], $0xffff;
	[tilespmem:s31+$0xFFFFFFD0] =	vst v11  }
.LBB2_29:
0x2be: {  	v6 =	vld [tilespmem:s4+$0x30];
	s0 =	sadd.s32 $0x8, s0;
	[tilespmem:s31+$0xFFFFFFE0] =	vst v5  }
0x2bf: {  	v5 =	vld [tilespmem:s4+$0xFFFFFFD0];
	p0 =	slt.u32 s0, $0x38;
	[tilespmem:s31+$0xFFFFFFF0] =	vst v4  }
0x2c0: {  	v4 =	vld [tilespmem:s4+$0xFFFFFFE0];
	[tilespmem:s31+$0x0] =	vst v1  }
0x2c1: {  	v1 =	vld [tilespmem:s4+$0xFFFFFFF0];
	[tilespmem:s31+$0x10] =	vst v2  }
0x2c2: {  	v2 =	vld [tilespmem:s4+$0x0];
	[tilespmem:s31+$0x20] =	vst v0  }
0x2c3: {  	v0 =	vld [tilespmem:s4+$0x10];
	[tilespmem:s31+$0xFFFFFFC0] =	vst v3  }
0x2c4: {  	v3 =	vld [tilespmem:s4+$0x20]  }
0x2c5: {  	v7 =	vld [tilespmem:s4+$0xFFFFFFC0]  }
0x2c6: {  	v6 =	vld.idx.msk [tilespmem:v6+s3+$0x0], $0xffff  }
0x2c7: {  	v8 =	vld.idx.msk [tilespmem:v5+s3+$0x0], $0xffff  }
0x2c8: {  	v5 =	vld.idx.msk [tilespmem:v4+s3+$0x0], $0xffff  }
.Ltmp13:
0x2c9: {  	v4 =	vld.idx.msk [tilespmem:v1+s3+$0x0], $0xffff;
	(pc) =	sbr.rel @p0 .LBB2_29-.Ltmp13, $4  }
0x2ca: {  	v1 =	vld.idx.msk [tilespmem:v2+s3+$0x0], $0xffff  }
0x2cb: {  	s31 =	sadd.s32 $0x80, s31;
	v2 =	vld.idx.msk [tilespmem:v0+s3+$0x0], $0xffff  }
0x2cc: {  	v0 =	vld.idx.msk [tilespmem:v3+s3+$0x0], $0xffff;
	[tilespmem:s31+$0x30] =	vst v6  }
0x2cd: {  	s4 =	sadd.s32 $0x80, s4;
	v3 =	vld.idx.msk [tilespmem:v7+s3+$0x0], $0xffff;
	[tilespmem:s31+$0xFFFFFFD0] =	vst v8  }
0x2ce: {  	[tilespmem:s31+$0xFFFFFFE0] =	vst v5  }
0x2cf: {  	[tilespmem:s31+$0xFFFFFFF0] =	vst v4  }
0x2d0: {  	[tilespmem:s31+$0x0] =	vst v1  }
0x2d1: {  	[tilespmem:s31+$0x10] =	vst v2  }
0x2d2: {  	s0 =	rddreg [dreg:$0x15]  }
0x2d3: {  	s0 =	sadd.s32 s0, s26  }
0x2d4: {  	[tilespmem:s31+$0x20] =	vst v0;
	s0 =	sshrl.u32 s0, $0x3  }
0x2d5: {  	[tilespmem:s31+$0xFFFFFFC0] =	vst v3;
	s0 =	sadd.s32 s2, s0  }
0x2d6: {  	[hbm4b:s0+s25] =	stream.strided.scatter [tilespmem:s17], [sflag:$0x6], $0x400, s9, s25, $0x38;
	[tilespmem:$0x1A700] =	vst v63  }
0x2d7: {  	s4 =	sadd.s32 $0x810, s30  }
0x2d8: {  	[tilespmem:s11], [sflag:$0x2] =	stream.strided.gather [hbm4b:s4+s25], $0x400, s9, s25, $0x38;
	[tilespmem:$0x1A700] =	vst v63  }
0x2d9: {  	_ =	swait.ge [sflag:s18], $0x400  }
0x2da: {  	[sflag:s18] =	ssyncset.done $0x0  }
0x2db: {  	[sflag:s18] =	ssyncadd.s32 $0xFFFFFC00  }
0x2dc: {  	_ =	swait.ge [sflag:s23], $0x400  }
0x2dd: {  	[sflag:s23] =	ssyncset.done $0x0  }
0x2de: {  	s4 =	simm.s32 $0x18F40;
	[sflag:s23] =	ssyncadd.s32 $0xFFFFFC00  }
0x2df: {  	v0 =	vld [tilespmem:s4+$0x30]  }
0x2e0: {  	v1 =	vld [tilespmem:s4+$0xFFFFFFD0]  }
0x2e1: {  	v2 =	vld [tilespmem:s4+$0xFFFFFFE0]  }
0x2e2: {  	v3 =	vld [tilespmem:s4+$0xFFFFFFF0]  }
0x2e3: {  	v6 =	vld [tilespmem:s4+$0x0]  }
0x2e4: {  	v7 =	vld [tilespmem:s4+$0x10]  }
0x2e5: {  	v8 =	vld [tilespmem:s4+$0x20]  }
0x2e6: {  	v9 =	vld [tilespmem:s4+$0xFFFFFFC0]  }
0x2e7: {  	v10 =	vld.idx.msk [tilespmem:v0+s3+$0x0], $0xffff  }
0x2e8: {  	v11 =	vld.idx.msk [tilespmem:v1+s3+$0x0], $0xffff  }
0x2e9: {  	v5 =	vld.idx.msk [tilespmem:v2+s3+$0x0], $0xffff  }
0x2ea: {  	v4 =	vld.idx.msk [tilespmem:v3+s3+$0x0], $0xffff  }
0x2eb: {  	v1 =	vld.idx.msk [tilespmem:v6+s3+$0x0], $0xffff  }
0x2ec: {  	s31 =	simm.s32 $0x19F40;
	v2 =	vld.idx.msk [tilespmem:v7+s3+$0x0], $0xffff  }
0x2ed: {  	v0 =	vld.idx.msk [tilespmem:v8+s3+$0x0], $0xffff;
	[tilespmem:s31+$0x30] =	vst v10  }
0x2ee: {  	s0 =	simm.s32 $0x0;
	s4 =	simm.s32 $0x18FC0;
	v3 =	vld.idx.msk [tilespmem:v9+s3+$0x0], $0xffff;
	[tilespmem:s31+$0xFFFFFFD0] =	vst v11  }
.LBB2_31:
0x2ef: {  	v6 =	vld [tilespmem:s4+$0x30];
	s0 =	sadd.s32 $0x8, s0;
	[tilespmem:s31+$0xFFFFFFE0] =	vst v5  }
0x2f0: {  	v5 =	vld [tilespmem:s4+$0xFFFFFFD0];
	p0 =	slt.u32 s0, $0x38;
	[tilespmem:s31+$0xFFFFFFF0] =	vst v4  }
0x2f1: {  	v4 =	vld [tilespmem:s4+$0xFFFFFFE0];
	[tilespmem:s31+$0x0] =	vst v1  }
0x2f2: {  	v1 =	vld [tilespmem:s4+$0xFFFFFFF0];
	[tilespmem:s31+$0x10] =	vst v2  }
0x2f3: {  	v2 =	vld [tilespmem:s4+$0x0];
	[tilespmem:s31+$0x20] =	vst v0  }
0x2f4: {  	v0 =	vld [tilespmem:s4+$0x10];
	[tilespmem:s31+$0xFFFFFFC0] =	vst v3  }
0x2f5: {  	v3 =	vld [tilespmem:s4+$0x20]  }
0x2f6: {  	v7 =	vld [tilespmem:s4+$0xFFFFFFC0]  }
0x2f7: {  	v6 =	vld.idx.msk [tilespmem:v6+s3+$0x0], $0xffff  }
0x2f8: {  	v8 =	vld.idx.msk [tilespmem:v5+s3+$0x0], $0xffff  }
0x2f9: {  	v5 =	vld.idx.msk [tilespmem:v4+s3+$0x0], $0xffff  }
.Ltmp14:
0x2fa: {  	v4 =	vld.idx.msk [tilespmem:v1+s3+$0x0], $0xffff;
	(pc) =	sbr.rel @p0 .LBB2_31-.Ltmp14, $4  }
0x2fb: {  	v1 =	vld.idx.msk [tilespmem:v2+s3+$0x0], $0xffff  }
0x2fc: {  	s31 =	sadd.s32 $0x80, s31;
	v2 =	vld.idx.msk [tilespmem:v0+s3+$0x0], $0xffff  }
0x2fd: {  	v0 =	vld.idx.msk [tilespmem:v3+s3+$0x0], $0xffff;
	[tilespmem:s31+$0x30] =	vst v6  }
0x2fe: {  	s4 =	sadd.s32 $0x80, s4;
	v3 =	vld.idx.msk [tilespmem:v7+s3+$0x0], $0xffff;
	[tilespmem:s31+$0xFFFFFFD0] =	vst v8  }
0x2ff: {  	[tilespmem:s31+$0xFFFFFFE0] =	vst v5  }
0x300: {  	[tilespmem:s31+$0xFFFFFFF0] =	vst v4  }
0x301: {  	[tilespmem:s31+$0x0] =	vst v1  }
0x302: {  	[tilespmem:s31+$0x10] =	vst v2  }
0x303: {  	s0 =	rddreg [dreg:$0x16]  }
0x304: {  	s0 =	sadd.s32 s0, s26  }
0x305: {  	[tilespmem:s31+$0x20] =	vst v0;
	s0 =	sshrl.u32 s0, $0x3  }
0x306: {  	[tilespmem:s31+$0xFFFFFFC0] =	vst v3;
	s0 =	sadd.s32 s2, s0  }
0x307: {  	[hbm4b:s0+s25] =	stream.strided.scatter [tilespmem:s19], [sflag:$0x7], $0x400, s9, s25, $0x38;
	[tilespmem:$0x1A700] =	vst v63  }
0x308: {  	s4 =	sadd.s32 $0x820, s30  }
0x309: {  	[tilespmem:s12], [sflag:$0x3] =	stream.strided.gather [hbm4b:s4+s25], $0x400, s9, s25, $0x38;
	[tilespmem:$0x1A700] =	vst v63  }
0x30a: {  	_ =	swait.ge [sflag:s20], $0x400  }
0x30b: {  	[sflag:s20] =	ssyncset.done $0x0  }
0x30c: {  	[sflag:s20] =	ssyncadd.s32 $0xFFFFFC00  }
0x30d: {  	_ =	swait.ge [sflag:s24], $0x400  }
0x30e: {  	[sflag:s24] =	ssyncset.done $0x0  }
0x30f: {  	s4 =	simm.s32 $0x19340;
	[sflag:s24] =	ssyncadd.s32 $0xFFFFFC00  }
0x310: {  	v0 =	vld [tilespmem:s4+$0x30]  }
0x311: {  	v1 =	vld [tilespmem:s4+$0xFFFFFFD0]  }
0x312: {  	v2 =	vld [tilespmem:s4+$0xFFFFFFE0]  }
0x313: {  	v3 =	vld [tilespmem:s4+$0xFFFFFFF0]  }
0x314: {  	v6 =	vld [tilespmem:s4+$0x0]  }
0x315: {  	v7 =	vld [tilespmem:s4+$0x10]  }
0x316: {  	v8 =	vld [tilespmem:s4+$0x20]  }
0x317: {  	v9 =	vld [tilespmem:s4+$0xFFFFFFC0]  }
0x318: {  	v10 =	vld.idx.msk [tilespmem:v0+s3+$0x0], $0xffff  }
0x319: {  	v11 =	vld.idx.msk [tilespmem:v1+s3+$0x0], $0xffff  }
0x31a: {  	v5 =	vld.idx.msk [tilespmem:v2+s3+$0x0], $0xffff  }
0x31b: {  	v4 =	vld.idx.msk [tilespmem:v3+s3+$0x0], $0xffff  }
0x31c: {  	v1 =	vld.idx.msk [tilespmem:v6+s3+$0x0], $0xffff  }
0x31d: {  	s31 =	simm.s32 $0x1A340;
	v2 =	vld.idx.msk [tilespmem:v7+s3+$0x0], $0xffff  }
0x31e: {  	v0 =	vld.idx.msk [tilespmem:v8+s3+$0x0], $0xffff;
	[tilespmem:s31+$0x30] =	vst v10  }
0x31f: {  	s0 =	simm.s32 $0x0;
	s4 =	simm.s32 $0x193C0;
	v3 =	vld.idx.msk [tilespmem:v9+s3+$0x0], $0xffff;
	[tilespmem:s31+$0xFFFFFFD0] =	vst v11  }
.LBB2_33:
0x320: {  	v6 =	vld [tilespmem:s4+$0x30];
	s0 =	sadd.s32 $0x8, s0;
	[tilespmem:s31+$0xFFFFFFE0] =	vst v5  }
0x321: {  	v5 =	vld [tilespmem:s4+$0xFFFFFFD0];
	p0 =	slt.u32 s0, $0x38;
	[tilespmem:s31+$0xFFFFFFF0] =	vst v4  }
0x322: {  	v4 =	vld [tilespmem:s4+$0xFFFFFFE0];
	[tilespmem:s31+$0x0] =	vst v1  }
0x323: {  	v1 =	vld [tilespmem:s4+$0xFFFFFFF0];
	[tilespmem:s31+$0x10] =	vst v2  }
0x324: {  	v2 =	vld [tilespmem:s4+$0x0];
	[tilespmem:s31+$0x20] =	vst v0  }
0x325: {  	v0 =	vld [tilespmem:s4+$0x10];
	[tilespmem:s31+$0xFFFFFFC0] =	vst v3  }
0x326: {  	v3 =	vld [tilespmem:s4+$0x20]  }
0x327: {  	v7 =	vld [tilespmem:s4+$0xFFFFFFC0]  }
0x328: {  	v6 =	vld.idx.msk [tilespmem:v6+s3+$0x0], $0xffff  }
0x329: {  	v8 =	vld.idx.msk [tilespmem:v5+s3+$0x0], $0xffff  }
0x32a: {  	v5 =	vld.idx.msk [tilespmem:v4+s3+$0x0], $0xffff  }
.Ltmp15:
0x32b: {  	v4 =	vld.idx.msk [tilespmem:v1+s3+$0x0], $0xffff;
	(pc) =	sbr.rel @p0 .LBB2_33-.Ltmp15, $4  }
0x32c: {  	v1 =	vld.idx.msk [tilespmem:v2+s3+$0x0], $0xffff  }
0x32d: {  	s31 =	sadd.s32 $0x80, s31;
	v2 =	vld.idx.msk [tilespmem:v0+s3+$0x0], $0xffff  }
0x32e: {  	v0 =	vld.idx.msk [tilespmem:v3+s3+$0x0], $0xffff;
	[tilespmem:s31+$0x30] =	vst v6  }
0x32f: {  	s4 =	sadd.s32 $0x80, s4;
	v3 =	vld.idx.msk [tilespmem:v7+s3+$0x0], $0xffff;
	[tilespmem:s31+$0xFFFFFFD0] =	vst v8  }
0x330: {  	[tilespmem:s31+$0xFFFFFFE0] =	vst v5  }
0x331: {  	[tilespmem:s31+$0xFFFFFFF0] =	vst v4  }
0x332: {  	[tilespmem:s31+$0x0] =	vst v1  }
0x333: {  	[tilespmem:s31+$0x10] =	vst v2  }
0x334: {  	s0 =	rddreg [dreg:$0x17]  }
0x335: {  	s0 =	sadd.s32 s0, s26  }
0x336: {  	[tilespmem:s31+$0x20] =	vst v0;
	s0 =	sshrl.u32 s0, $0x3  }
0x337: {  	[tilespmem:s31+$0xFFFFFFC0] =	vst v3;
	s0 =	sadd.s32 s2, s0  }
0x338: {  	[hbm4b:s0+s25] =	stream.strided.scatter [tilespmem:s21], [sflag:$0x8], $0x400, s9, s25, $0x38;
	[tilespmem:$0x1A700] =	vst v63  }
0x339: {  	s4 =	sadd.s32 $0x830, s30  }
0x33a: {  	[tilespmem:s13], [sflag:$0x4] =	stream.strided.gather [hbm4b:s4+s25], $0x400, s9, s25, $0x38;
	[tilespmem:$0x1A700] =	vst v63  }
0x33b: {  	_ =	swait.ge [sflag:s14], $0x400  }
0x33c: {  	[sflag:s14] =	ssyncset.done $0x0  }
0x33d: {  	[sflag:s14] =	ssyncadd.s32 $0xFFFFFC00  }
0x33e: {  	_ =	swait.ge [sflag:s1], $0x400  }
0x33f: {  	[sflag:s1] =	ssyncset.done $0x0  }
0x340: {  	s30 =	simm.s32 $0x18740;
	[sflag:s1] =	ssyncadd.s32 $0xFFFFFC00  }
0x341: {  	v0 =	vld [tilespmem:s30+$0x30]  }
0x342: {  	v1 =	vld [tilespmem:s30+$0xFFFFFFD0]  }
0x343: {  	v2 =	vld [tilespmem:s30+$0xFFFFFFE0]  }
0x344: {  	v3 =	vld [tilespmem:s30+$0xFFFFFFF0]  }
0x345: {  	v6 =	vld [tilespmem:s30+$0x0]  }
0x346: {  	v7 =	vld [tilespmem:s30+$0x10]  }
0x347: {  	v8 =	vld [tilespmem:s30+$0x20]  }
0x348: {  	v9 =	vld [tilespmem:s30+$0xFFFFFFC0]  }
0x349: {  	v10 =	vld.idx.msk [tilespmem:v0+s3+$0x0], $0xffff  }
0x34a: {  	v11 =	vld.idx.msk [tilespmem:v1+s3+$0x0], $0xffff  }
0x34b: {  	v5 =	vld.idx.msk [tilespmem:v2+s3+$0x0], $0xffff  }
0x34c: {  	v4 =	vld.idx.msk [tilespmem:v3+s3+$0x0], $0xffff  }
0x34d: {  	v0 =	vld.idx.msk [tilespmem:v6+s3+$0x0], $0xffff  }
0x34e: {  	s31 =	simm.s32 $0x19740;
	v1 =	vld.idx.msk [tilespmem:v7+s3+$0x0], $0xffff  }
0x34f: {  	v2 =	vld.idx.msk [tilespmem:v8+s3+$0x0], $0xffff;
	[tilespmem:s31+$0x30] =	vst v10  }
0x350: {  	s0 =	simm.s32 $0x0;
	s4 =	simm.s32 $0x187C0;
	v3 =	vld.idx.msk [tilespmem:v9+s3+$0x0], $0xffff;
	[tilespmem:s31+$0xFFFFFFD0] =	vst v11  }
.LBB2_35:
0x351: {  	v6 =	vld [tilespmem:s4+$0x30];
	s0 =	sadd.s32 $0x8, s0;
	[tilespmem:s31+$0xFFFFFFE0] =	vst v5  }
0x352: {  	v5 =	vld [tilespmem:s4+$0xFFFFFFD0];
	p0 =	slt.u32 s0, $0x38;
	[tilespmem:s31+$0xFFFFFFF0] =	vst v4  }
0x353: {  	v4 =	vld [tilespmem:s4+$0xFFFFFFE0];
	[tilespmem:s31+$0x0] =	vst v0  }
0x354: {  	v0 =	vld [tilespmem:s4+$0xFFFFFFF0];
	[tilespmem:s31+$0x10] =	vst v1  }
0x355: {  	v1 =	vld [tilespmem:s4+$0x0];
	[tilespmem:s31+$0x20] =	vst v2  }
0x356: {  	v2 =	vld [tilespmem:s4+$0x10];
	[tilespmem:s31+$0xFFFFFFC0] =	vst v3  }
0x357: {  	v3 =	vld [tilespmem:s4+$0x20]  }
0x358: {  	v7 =	vld [tilespmem:s4+$0xFFFFFFC0]  }
0x359: {  	v6 =	vld.idx.msk [tilespmem:v6+s3+$0x0], $0xffff  }
0x35a: {  	v8 =	vld.idx.msk [tilespmem:v5+s3+$0x0], $0xffff  }
0x35b: {  	v5 =	vld.idx.msk [tilespmem:v4+s3+$0x0], $0xffff  }
.Ltmp16:
0x35c: {  	v4 =	vld.idx.msk [tilespmem:v0+s3+$0x0], $0xffff;
	(pc) =	sbr.rel @p0 .LBB2_35-.Ltmp16, $4  }
0x35d: {  	v0 =	vld.idx.msk [tilespmem:v1+s3+$0x0], $0xffff  }
0x35e: {  	s31 =	sadd.s32 $0x80, s31;
	v1 =	vld.idx.msk [tilespmem:v2+s3+$0x0], $0xffff  }
0x35f: {  	v2 =	vld.idx.msk [tilespmem:v3+s3+$0x0], $0xffff;
	[tilespmem:s31+$0x30] =	vst v6  }
0x360: {  	s4 =	sadd.s32 $0x80, s4;
	v3 =	vld.idx.msk [tilespmem:v7+s3+$0x0], $0xffff;
	[tilespmem:s31+$0xFFFFFFD0] =	vst v8  }
0x361: {  	[tilespmem:s31+$0xFFFFFFE0] =	vst v5  }
0x362: {  	[tilespmem:s31+$0xFFFFFFF0] =	vst v4  }
0x363: {  	[tilespmem:s31+$0x0] =	vst v0  }
0x364: {  	[tilespmem:s31+$0x10] =	vst v1  }
0x365: {  	[tilespmem:s31+$0x20] =	vst v2  }
0x366: {  	[tilespmem:s31+$0xFFFFFFC0] =	vst v3  }
0x367: {  	s30 =	sadd.s32 $0x1, s28;
	p0 =	seq.s32 s28, $0x19;
	s0 =	rddreg [dreg:$0x18]  }
0x368: {  	s28 =	smul.u32 @!p0 $0xC00, s30;
	s4 =	simm.s32 @!p0 $0x80;
	s0 =	sadd.s32 s29, s0  }
0x369: {  	[hbm4b:s0+s25] =	stream.strided.scatter [tilespmem:s15], [sflag:$0x5], $0x400, s9, s25, $0x38;
	[tilespmem:$0x1A700] =	vst v63  }
0x36a: {  	s31 =	simm.s32 @!p0 $0x18700;
	s29 =	simm.s32 @!p0 $0x400;
	s0 =	sadd.s32 @!p0 s8, s28  }
0x36b: {  	[tilespmem:s31], [sflag:$0x1] =	stream.strided.gather @!p0 [hbm4b:s0+s4], $0x400, s29, s4, $0x38;
	[tilespmem:$0x1A700] =	vst v63  }
0x36c: {  	_ =	swait.ge [sflag:s16], $0x400  }
0x36d: {  	[sflag:s16] =	ssyncset.done $0x0  }
0x36e: {  	[sflag:s16] =	ssyncadd.s32 $0xFFFFFC00  }
0x36f: {  	_ =	swait.ge [sflag:s22], $0x400  }
0x370: {  	[sflag:s22] =	ssyncset.done $0x0  }
0x371: {  	s31 =	simm.s32 $0x18B40;
	[sflag:s22] =	ssyncadd.s32 $0xFFFFFC00  }
0x372: {  	v0 =	vld [tilespmem:s31+$0x30]  }
0x373: {  	v1 =	vld [tilespmem:s31+$0xFFFFFFD0]  }
0x374: {  	v2 =	vld [tilespmem:s31+$0xFFFFFFE0]  }
0x375: {  	v3 =	vld [tilespmem:s31+$0xFFFFFFF0]  }
0x376: {  	v6 =	vld [tilespmem:s31+$0x0]  }
0x377: {  	v7 =	vld [tilespmem:s31+$0x10]  }
0x378: {  	v8 =	vld [tilespmem:s31+$0x20]  }
0x379: {  	v9 =	vld [tilespmem:s31+$0xFFFFFFC0]  }
0x37a: {  	v10 =	vld.idx.msk [tilespmem:v0+s3+$0x0], $0xffff  }
0x37b: {  	v11 =	vld.idx.msk [tilespmem:v1+s3+$0x0], $0xffff  }
0x37c: {  	v5 =	vld.idx.msk [tilespmem:v2+s3+$0x0], $0xffff  }
0x37d: {  	v4 =	vld.idx.msk [tilespmem:v3+s3+$0x0], $0xffff  }
0x37e: {  	v1 =	vld.idx.msk [tilespmem:v6+s3+$0x0], $0xffff  }
0x37f: {  	s29 =	simm.s32 $0x19B40;
	v2 =	vld.idx.msk [tilespmem:v7+s3+$0x0], $0xffff  }
0x380: {  	v0 =	vld.idx.msk [tilespmem:v8+s3+$0x0], $0xffff;
	[tilespmem:s29+$0x30] =	vst v10  }
0x381: {  	s0 =	simm.s32 $0x0;
	s4 =	simm.s32 $0x18BC0;
	v3 =	vld.idx.msk [tilespmem:v9+s3+$0x0], $0xffff;
	[tilespmem:s29+$0xFFFFFFD0] =	vst v11  }
.LBB2_37:
0x382: {  	v6 =	vld [tilespmem:s4+$0x30];
	s0 =	sadd.s32 $0x8, s0;
	[tilespmem:s29+$0xFFFFFFE0] =	vst v5  }
0x383: {  	v5 =	vld [tilespmem:s4+$0xFFFFFFD0];
	p1 =	slt.u32 s0, $0x38;
	[tilespmem:s29+$0xFFFFFFF0] =	vst v4  }
0x384: {  	v4 =	vld [tilespmem:s4+$0xFFFFFFE0];
	[tilespmem:s29+$0x0] =	vst v1  }
0x385: {  	v1 =	vld [tilespmem:s4+$0xFFFFFFF0];
	[tilespmem:s29+$0x10] =	vst v2  }
0x386: {  	v2 =	vld [tilespmem:s4+$0x0];
	[tilespmem:s29+$0x20] =	vst v0  }
0x387: {  	v0 =	vld [tilespmem:s4+$0x10];
	[tilespmem:s29+$0xFFFFFFC0] =	vst v3  }
0x388: {  	v3 =	vld [tilespmem:s4+$0x20]  }
0x389: {  	v7 =	vld [tilespmem:s4+$0xFFFFFFC0]  }
0x38a: {  	v6 =	vld.idx.msk [tilespmem:v6+s3+$0x0], $0xffff  }
0x38b: {  	v8 =	vld.idx.msk [tilespmem:v5+s3+$0x0], $0xffff  }
0x38c: {  	v5 =	vld.idx.msk [tilespmem:v4+s3+$0x0], $0xffff  }
.Ltmp17:
0x38d: {  	v4 =	vld.idx.msk [tilespmem:v1+s3+$0x0], $0xffff;
	(pc) =	sbr.rel @p1 .LBB2_37-.Ltmp17, $4  }
0x38e: {  	v1 =	vld.idx.msk [tilespmem:v2+s3+$0x0], $0xffff  }
0x38f: {  	s29 =	sadd.s32 $0x80, s29;
	v2 =	vld.idx.msk [tilespmem:v0+s3+$0x0], $0xffff  }
0x390: {  	v0 =	vld.idx.msk [tilespmem:v3+s3+$0x0], $0xffff;
	[tilespmem:s29+$0x30] =	vst v6  }
0x391: {  	s4 =	sadd.s32 $0x80, s4;
	v3 =	vld.idx.msk [tilespmem:v7+s3+$0x0], $0xffff;
	[tilespmem:s29+$0xFFFFFFD0] =	vst v8  }
0x392: {  	[tilespmem:s29+$0xFFFFFFE0] =	vst v5  }
0x393: {  	[tilespmem:s29+$0xFFFFFFF0] =	vst v4  }
0x394: {  	[tilespmem:s29+$0x0] =	vst v1  }
0x395: {  	[tilespmem:s29+$0x10] =	vst v2  }
0x396: {  	s0 =	rddreg [dreg:$0x19]  }
0x397: {  	s0 =	sadd.s32 s0, s26  }
0x398: {  	[tilespmem:s29+$0x20] =	vst v0;
	s0 =	sshrl.u32 s0, $0x3  }
0x399: {  	s4 =	simm.s32 @!p0 $0x80;
	[tilespmem:s29+$0xFFFFFFC0] =	vst v3;
	s0 =	sadd.s32 s2, s0  }
0x39a: {  	[hbm4b:s0+s25] =	stream.strided.scatter [tilespmem:s17], [sflag:$0x6], $0x400, s9, s25, $0x38;
	[tilespmem:$0x1A700] =	vst v63  }
0x39b: {  	s31 =	simm.s32 @!p0 $0x18B00;
	s29 =	simm.s32 @!p0 $0x400;
	s0 =	sadd.s32 @!p0 s28, s5  }
0x39c: {  	[tilespmem:s31], [sflag:$0x2] =	stream.strided.gather @!p0 [hbm4b:s0+s4], $0x400, s29, s4, $0x38;
	[tilespmem:$0x1A700] =	vst v63  }
0x39d: {  	_ =	swait.ge [sflag:s18], $0x400  }
0x39e: {  	[sflag:s18] =	ssyncset.done $0x0  }
0x39f: {  	[sflag:s18] =	ssyncadd.s32 $0xFFFFFC00  }
0x3a0: {  	_ =	swait.ge [sflag:s23], $0x400  }
0x3a1: {  	[sflag:s23] =	ssyncset.done $0x0  }
0x3a2: {  	s31 =	simm.s32 $0x18F40;
	[sflag:s23] =	ssyncadd.s32 $0xFFFFFC00  }
0x3a3: {  	v0 =	vld [tilespmem:s31+$0x30]  }
0x3a4: {  	v1 =	vld [tilespmem:s31+$0xFFFFFFD0]  }
0x3a5: {  	v2 =	vld [tilespmem:s31+$0xFFFFFFE0]  }
0x3a6: {  	v3 =	vld [tilespmem:s31+$0xFFFFFFF0]  }
0x3a7: {  	v6 =	vld [tilespmem:s31+$0x0]  }
0x3a8: {  	v7 =	vld [tilespmem:s31+$0x10]  }
0x3a9: {  	v8 =	vld [tilespmem:s31+$0x20]  }
0x3aa: {  	v9 =	vld [tilespmem:s31+$0xFFFFFFC0]  }
0x3ab: {  	v10 =	vld.idx.msk [tilespmem:v0+s3+$0x0], $0xffff  }
0x3ac: {  	v11 =	vld.idx.msk [tilespmem:v1+s3+$0x0], $0xffff  }
0x3ad: {  	v5 =	vld.idx.msk [tilespmem:v2+s3+$0x0], $0xffff  }
0x3ae: {  	v4 =	vld.idx.msk [tilespmem:v3+s3+$0x0], $0xffff  }
0x3af: {  	v1 =	vld.idx.msk [tilespmem:v6+s3+$0x0], $0xffff  }
0x3b0: {  	s29 =	simm.s32 $0x19F40;
	v2 =	vld.idx.msk [tilespmem:v7+s3+$0x0], $0xffff  }
0x3b1: {  	v0 =	vld.idx.msk [tilespmem:v8+s3+$0x0], $0xffff;
	[tilespmem:s29+$0x30] =	vst v10  }
0x3b2: {  	s0 =	simm.s32 $0x0;
	s4 =	simm.s32 $0x18FC0;
	v3 =	vld.idx.msk [tilespmem:v9+s3+$0x0], $0xffff;
	[tilespmem:s29+$0xFFFFFFD0] =	vst v11  }
.LBB2_39:
0x3b3: {  	v6 =	vld [tilespmem:s4+$0x30];
	s0 =	sadd.s32 $0x8, s0;
	[tilespmem:s29+$0xFFFFFFE0] =	vst v5  }
0x3b4: {  	v5 =	vld [tilespmem:s4+$0xFFFFFFD0];
	p1 =	slt.u32 s0, $0x38;
	[tilespmem:s29+$0xFFFFFFF0] =	vst v4  }
0x3b5: {  	v4 =	vld [tilespmem:s4+$0xFFFFFFE0];
	[tilespmem:s29+$0x0] =	vst v1  }
0x3b6: {  	v1 =	vld [tilespmem:s4+$0xFFFFFFF0];
	[tilespmem:s29+$0x10] =	vst v2  }
0x3b7: {  	v2 =	vld [tilespmem:s4+$0x0];
	[tilespmem:s29+$0x20] =	vst v0  }
0x3b8: {  	v0 =	vld [tilespmem:s4+$0x10];
	[tilespmem:s29+$0xFFFFFFC0] =	vst v3  }
0x3b9: {  	v3 =	vld [tilespmem:s4+$0x20]  }
0x3ba: {  	v7 =	vld [tilespmem:s4+$0xFFFFFFC0]  }
0x3bb: {  	v6 =	vld.idx.msk [tilespmem:v6+s3+$0x0], $0xffff  }
0x3bc: {  	v8 =	vld.idx.msk [tilespmem:v5+s3+$0x0], $0xffff  }
0x3bd: {  	v5 =	vld.idx.msk [tilespmem:v4+s3+$0x0], $0xffff  }
.Ltmp18:
0x3be: {  	v4 =	vld.idx.msk [tilespmem:v1+s3+$0x0], $0xffff;
	(pc) =	sbr.rel @p1 .LBB2_39-.Ltmp18, $4  }
0x3bf: {  	v1 =	vld.idx.msk [tilespmem:v2+s3+$0x0], $0xffff  }
0x3c0: {  	s29 =	sadd.s32 $0x80, s29;
	v2 =	vld.idx.msk [tilespmem:v0+s3+$0x0], $0xffff  }
0x3c1: {  	v0 =	vld.idx.msk [tilespmem:v3+s3+$0x0], $0xffff;
	[tilespmem:s29+$0x30] =	vst v6  }
0x3c2: {  	s4 =	sadd.s32 $0x80, s4;
	v3 =	vld.idx.msk [tilespmem:v7+s3+$0x0], $0xffff;
	[tilespmem:s29+$0xFFFFFFD0] =	vst v8  }
0x3c3: {  	[tilespmem:s29+$0xFFFFFFE0] =	vst v5  }
0x3c4: {  	[tilespmem:s29+$0xFFFFFFF0] =	vst v4  }
0x3c5: {  	[tilespmem:s29+$0x0] =	vst v1  }
0x3c6: {  	[tilespmem:s29+$0x10] =	vst v2  }
0x3c7: {  	s0 =	rddreg [dreg:$0x1a]  }
0x3c8: {  	s0 =	sadd.s32 s0, s26  }
0x3c9: {  	[tilespmem:s29+$0x20] =	vst v0;
	s0 =	sshrl.u32 s0, $0x3  }
0x3ca: {  	s4 =	simm.s32 @!p0 $0x80;
	[tilespmem:s29+$0xFFFFFFC0] =	vst v3;
	s0 =	sadd.s32 s2, s0  }
0x3cb: {  	[hbm4b:s0+s25] =	stream.strided.scatter [tilespmem:s19], [sflag:$0x7], $0x400, s9, s25, $0x38;
	[tilespmem:$0x1A700] =	vst v63  }
0x3cc: {  	s31 =	simm.s32 @!p0 $0x18F00;
	s29 =	simm.s32 @!p0 $0x400;
	s0 =	sadd.s32 @!p0 s28, s6  }
0x3cd: {  	[tilespmem:s31], [sflag:$0x3] =	stream.strided.gather @!p0 [hbm4b:s0+s4], $0x400, s29, s4, $0x38;
	[tilespmem:$0x1A700] =	vst v63  }
0x3ce: {  	_ =	swait.ge [sflag:s20], $0x400  }
0x3cf: {  	[sflag:s20] =	ssyncset.done $0x0  }
0x3d0: {  	[sflag:s20] =	ssyncadd.s32 $0xFFFFFC00  }
0x3d1: {  	_ =	swait.ge [sflag:s24], $0x400  }
0x3d2: {  	[sflag:s24] =	ssyncset.done $0x0  }
0x3d3: {  	s31 =	simm.s32 $0x19340;
	[sflag:s24] =	ssyncadd.s32 $0xFFFFFC00  }
0x3d4: {  	v0 =	vld [tilespmem:s31+$0x30]  }
0x3d5: {  	v1 =	vld [tilespmem:s31+$0xFFFFFFD0]  }
0x3d6: {  	v2 =	vld [tilespmem:s31+$0xFFFFFFE0]  }
0x3d7: {  	v3 =	vld [tilespmem:s31+$0xFFFFFFF0]  }
0x3d8: {  	v6 =	vld [tilespmem:s31+$0x0]  }
0x3d9: {  	v7 =	vld [tilespmem:s31+$0x10]  }
0x3da: {  	v8 =	vld [tilespmem:s31+$0x20]  }
0x3db: {  	v9 =	vld [tilespmem:s31+$0xFFFFFFC0]  }
0x3dc: {  	v10 =	vld.idx.msk [tilespmem:v0+s3+$0x0], $0xffff  }
0x3dd: {  	v11 =	vld.idx.msk [tilespmem:v1+s3+$0x0], $0xffff  }
0x3de: {  	v5 =	vld.idx.msk [tilespmem:v2+s3+$0x0], $0xffff  }
0x3df: {  	v4 =	vld.idx.msk [tilespmem:v3+s3+$0x0], $0xffff  }
0x3e0: {  	v1 =	vld.idx.msk [tilespmem:v6+s3+$0x0], $0xffff  }
0x3e1: {  	s29 =	simm.s32 $0x1A340;
	v2 =	vld.idx.msk [tilespmem:v7+s3+$0x0], $0xffff  }
0x3e2: {  	v0 =	vld.idx.msk [tilespmem:v8+s3+$0x0], $0xffff;
	[tilespmem:s29+$0x30] =	vst v10  }
0x3e3: {  	s0 =	simm.s32 $0x0;
	s4 =	simm.s32 $0x193C0;
	v3 =	vld.idx.msk [tilespmem:v9+s3+$0x0], $0xffff;
	[tilespmem:s29+$0xFFFFFFD0] =	vst v11  }
.LBB2_41:
0x3e4: {  	v6 =	vld [tilespmem:s4+$0x30];
	s0 =	sadd.s32 $0x8, s0;
	[tilespmem:s29+$0xFFFFFFE0] =	vst v5  }
0x3e5: {  	v5 =	vld [tilespmem:s4+$0xFFFFFFD0];
	p1 =	slt.u32 s0, $0x38;
	[tilespmem:s29+$0xFFFFFFF0] =	vst v4  }
0x3e6: {  	v4 =	vld [tilespmem:s4+$0xFFFFFFE0];
	[tilespmem:s29+$0x0] =	vst v1  }
0x3e7: {  	v1 =	vld [tilespmem:s4+$0xFFFFFFF0];
	[tilespmem:s29+$0x10] =	vst v2  }
0x3e8: {  	v2 =	vld [tilespmem:s4+$0x0];
	[tilespmem:s29+$0x20] =	vst v0  }
0x3e9: {  	v0 =	vld [tilespmem:s4+$0x10];
	[tilespmem:s29+$0xFFFFFFC0] =	vst v3  }
0x3ea: {  	v3 =	vld [tilespmem:s4+$0x20]  }
0x3eb: {  	v7 =	vld [tilespmem:s4+$0xFFFFFFC0]  }
0x3ec: {  	v6 =	vld.idx.msk [tilespmem:v6+s3+$0x0], $0xffff  }
0x3ed: {  	v8 =	vld.idx.msk [tilespmem:v5+s3+$0x0], $0xffff  }
0x3ee: {  	v5 =	vld.idx.msk [tilespmem:v4+s3+$0x0], $0xffff  }
.Ltmp19:
0x3ef: {  	v4 =	vld.idx.msk [tilespmem:v1+s3+$0x0], $0xffff;
	(pc) =	sbr.rel @p1 .LBB2_41-.Ltmp19, $4  }
0x3f0: {  	v1 =	vld.idx.msk [tilespmem:v2+s3+$0x0], $0xffff  }
0x3f1: {  	s29 =	sadd.s32 $0x80, s29;
	v2 =	vld.idx.msk [tilespmem:v0+s3+$0x0], $0xffff  }
0x3f2: {  	v0 =	vld.idx.msk [tilespmem:v3+s3+$0x0], $0xffff;
	[tilespmem:s29+$0x30] =	vst v6  }
0x3f3: {  	s4 =	sadd.s32 $0x80, s4;
	v3 =	vld.idx.msk [tilespmem:v7+s3+$0x0], $0xffff;
	[tilespmem:s29+$0xFFFFFFD0] =	vst v8  }
0x3f4: {  	[tilespmem:s29+$0xFFFFFFE0] =	vst v5  }
0x3f5: {  	[tilespmem:s29+$0xFFFFFFF0] =	vst v4  }
0x3f6: {  	[tilespmem:s29+$0x0] =	vst v1  }
0x3f7: {  	[tilespmem:s29+$0x10] =	vst v2  }
0x3f8: {  	s0 =	rddreg [dreg:$0x1b]  }
0x3f9: {  	s0 =	sadd.s32 s0, s26  }
0x3fa: {  	[tilespmem:s29+$0x20] =	vst v0;
	s0 =	sshrl.u32 s0, $0x3  }
0x3fb: {  	s4 =	simm.s32 @!p0 $0x80;
	p1 =	sne.s32 @!p0 s30, $0x1A;
	[tilespmem:s29+$0xFFFFFFC0] =	vst v3;
	s0 =	sadd.s32 s2, s0  }
0x3fc: {  	[hbm4b:s0+s25] =	stream.strided.scatter [tilespmem:s21], [sflag:$0x8], $0x400, s9, s25, $0x38;
	[tilespmem:$0x1A700] =	vst v63  }
0x3fd: {  	s26 =	simm.s32 @!p0 $0x400;
	s0 =	sadd.s32 @!p0 s28, s7;
	s28 =	simm.s32 @!p0 $0x19300  }
0x3fe: {  	[tilespmem:s28], [sflag:$0x4] =	stream.strided.gather @!p0 [hbm4b:s0+s4], $0x400, s26, s4, $0x38;
	[tilespmem:$0x1A700] =	vst v63  }
0x3ff: {  	p0 =	por p0, !p1  }
.Ltmp20:
0x400: {  	_ = 	snop;
	(pc) =	sbr.rel @!p0 .LBB2_2-.Ltmp20, $2  }
0x401: {  	_ =	sdelay $0x2  }
0x402: {  	s28 =	smov.u32 s30  }
0x403: {  	_ =	swait.ge [sflag:s1], $0x400  }
0x404: {  	[sflag:s1] =	ssyncset.done $0x0  }
0x405: {  	[sflag:s1] =	ssyncadd.s32 $0xFFFFFC00  }
0x406: {  	_ =	swait.ge [sflag:s22], $0x400  }
0x407: {  	[sflag:s22] =	ssyncset.done $0x0  }
0x408: {  	[sflag:s22] =	ssyncadd.s32 $0xFFFFFC00  }
0x409: {  	_ =	swait.ge [sflag:s23], $0x400  }
0x40a: {  	[sflag:s23] =	ssyncset.done $0x0  }
0x40b: {  	[sflag:s23] =	ssyncadd.s32 $0xFFFFFC00  }
0x40c: {  	_ =	swait.ge [sflag:s24], $0x400  }
0x40d: {  	s4 =	rddreg [dreg:$0x1c]  }
0x40e: {  	s0 =	rddreg [dreg:$0x14];
	s4 =	sadd.s32 $0x1, s4  }
0x40f: {  	p0 =	sne.s32 s4, s0  }
.Ltmp21:
0x410: {  	_ = 	snop;
	(pc) =	sbr.rel @p0 .LBB2_1-.Ltmp21, $3  }
0x411: {  	_ =	sdelay $0x1  }
0x412: {  	[sflag:s24] =	ssyncset.done $0x0  }
0x413: {  	[sflag:s24] =	ssyncadd.s32 $0xFFFFFC00  }
0x414: {  	_ =	sfence.sel $0x180000  }
0x415: {  	[bflag:$0x0] =	sbarrier.arrive $0xFFFF  }
0x416: {  	_ =	strace $0x90000047  }
0x417: {  	s0 =	stileid.u32;
	[bflag:$0x2] =	sbarrier.arrive $0xFFFF  }
0x418: {  	p0 =	sne.s32 s0, $0x0;
	s0 =	rddreg [dreg:$0x2]  }
0x419: {  	s0 =	sadd.s32 @!p0 $0x100000, s0  }
0x41a: {  	[sflag:s0] =	ssyncadd.tile.s32 @!p0 $0x1;
	_ =	shalt  }
.Lfunc_end2:
_tile_overlayer_lowered:
.L_overlay_start_2:
0x41b: {  	(tag) =	ssettag $0x2  }
0x41c: {  	s0 =	rddreg [dreg:$0x0];
	s2 =	stileid.u32  }
0x41d: {  	s1 =	rddreg [dreg:$0x1];
	p0 =	sne.s32 s2, $0x0  }
0x41e: {  	s3 =	rddreg [dreg:$0x2];
	[bflag:$0x3] =	sbarrier.arrive $0xFFFF;
	s2 =	simm.s32 @!p0 $0x1C09  }
0x41f: {  	[timem:s3], [sflag:s2] =	dma.local @!p0 [hbm:s0], s1  }
0x420: {  	s0 =	simm.s32 @!p0 $0x9  }
0x421: {  	_ =	swait.ge @!p0 [sflag:s0], s1  }
0x422: {  	s1 =	ssub.s32 @!p0 $0x0, s1;
	[sflag:s0] =	ssyncset.done @!p0 $0x0  }
0x423: {  	[sflag:s0] =	ssyncadd.s32 @!p0 s1  }
0x424: {  	[bflag:$0x3] =	sbarrier.arrive $0xFFFF  }
0x425: {  	_ =	shalt  }

</sc_bundles>
